<compile_context>
chip_gen: v7x
topology: tpu7x:2x2x1
jax: 0.10.2.dev20260603
libtpu: 0.0.44.dev20260713+nightly
codegen_flags: <defaults>
</compile_context>

<pallas_src>
import functools

import jax
import jax.numpy as jnp
from jax import lax
from jax.experimental import pallas as pl
from jax.experimental.pallas import tpu as pltpu
from jax.experimental.pallas import tpu_sc as plsc

N_NODES = 10000
D = 128

NC = 2
NS = 16
NW = NC * NS

CHUNK = 64
C0 = 260
C1 = 60
GCHUNKS = NS * (C0 + C1)
E_PAD = GCHUNKS * CHUNK

NBUF = 4
NIDX = 8

ROWS_PER_TILE = 632
N_PAD = ROWS_PER_TILE * NS

BM = 1000


def _mm_body(x_ref, deg_ref, w_ref, o_ref):
    o_ref[...] = jnp.dot(x_ref[...] * deg_ref[...], w_ref[...],
                         preferred_element_type=jnp.float32)


def _matmul(x, deg, w):
    grid = N_NODES // BM
    return pl.pallas_call(
        _mm_body,
        grid=(grid,),
        in_specs=[
            pl.BlockSpec((BM, D), lambda i: (i, 0)),
            pl.BlockSpec((BM, 1), lambda i: (i, 0)),
            pl.BlockSpec((D, D), lambda i: (0, 0)),
        ],
        out_specs=pl.BlockSpec((BM, D), lambda i: (i, 0)),
        out_shape=jax.ShapeDtypeStruct((N_NODES, D), jnp.float32),
    )(x, deg, w)


def _sc_aggregate(h, idx2, zeros):
    mesh = plsc.VectorSubcoreMesh(core_axis_name="c", subcore_axis_name="s")

    @functools.partial(
        pl.kernel,
        out_type=jax.ShapeDtypeStruct((NC, N_PAD, D), jnp.float32),
        mesh=mesh,
        scratch_types=[
            pltpu.VMEM_SHARED((N_PAD, D), jnp.float32),
            pltpu.VMEM((NIDX, 2, CHUNK), jnp.int32),
            pltpu.VMEM((NBUF, CHUNK, D), jnp.float32),
        ] + [pltpu.SemaphoreType.DMA] * (NBUF + NIDX),
    )
    def k(h_hbm, idx_hbm, zeros_hbm, out_hbm, acc, isl, rows, *sems):
        sem_g = sems[:NBUF]
        sem_i = sems[NBUF:]
        cid = lax.axis_index("c")
        sid = lax.axis_index("s")
        cpt = jnp.where(cid == 0, C0, C1)
        base = jnp.where(cid == 0, sid * C0, NS * C0 + sid * C1)
        groups = (cpt + NBUF + NIDX - 1) // NIDX

        pltpu.sync_copy(zeros_hbm, acc.at[pl.ds(sid * ROWS_PER_TILE, ROWS_PER_TILE)])
        plsc.subcore_barrier()

        for c in range(NBUF):
            pltpu.async_copy(idx_hbm.at[base + c], isl.at[c], sem_i[c])

        def body(g, _):
            for u in range(NIDX):
                s = g * NIDX + u
                b = u % NBUF
                jp = (u - NBUF) % NIDX

                @pl.when(jnp.logical_and(s >= NBUF, s < cpt + NBUF))
                def _retire():
                    pltpu.make_async_copy(h_hbm.at[isl.at[jp, 0]], rows.at[b],
                                          sem_g[b]).wait()
                    pltpu.sync_copy(rows.at[b], acc.at[isl.at[jp, 1]], add=True)

                @pl.when(s + NBUF < cpt)
                def _prefetch():
                    pltpu.async_copy(idx_hbm.at[base + s + NBUF], isl.at[jp],
                                     sem_i[jp])

                @pl.when(s < cpt)
                def _launch():
                    pltpu.make_async_copy(idx_hbm.at[base], isl.at[u],
                                          sem_i[u]).wait()
                    pltpu.async_copy(h_hbm.at[isl.at[u, 0]], rows.at[b], sem_g[b])

            return _

        lax.fori_loop(0, groups, body, None)

        plsc.subcore_barrier()
        pltpu.sync_copy(acc.at[pl.ds(sid * ROWS_PER_TILE, ROWS_PER_TILE)],
                        out_hbm.at[cid, pl.ds(sid * ROWS_PER_TILE, ROWS_PER_TILE)])

    return k(h, idx2, zeros)


def _comb_body(p_ref, deg_ref, b_ref, o_ref):
    o_ref[...] = (p_ref[0] + p_ref[1]) * deg_ref[...] + b_ref[...]


def _combine(partials, deg, bias):
    grid = N_NODES // BM
    return pl.pallas_call(
        _comb_body,
        grid=(grid,),
        in_specs=[
            pl.BlockSpec((NC, BM, D), lambda i: (0, i, 0)),
            pl.BlockSpec((BM, 1), lambda i: (i, 0)),
            pl.BlockSpec((1, D), lambda i: (0, 0)),
        ],
        out_specs=pl.BlockSpec((BM, D), lambda i: (i, 0)),
        out_shape=jax.ShapeDtypeStruct((N_NODES, D), jnp.float32),
    )(partials, deg, bias)


def kernel(x, edge_index, deg_inv_sqrt, weight, bias):
    src = edge_index[0].astype(jnp.int32)
    dst = edge_index[1].astype(jnp.int32)
    n_extra = E_PAD - src.shape[0]
    src = jnp.concatenate([src, jnp.zeros((n_extra,), jnp.int32)])
    dst = jnp.concatenate([dst, jnp.full((n_extra,), N_NODES, jnp.int32)])
    idx2 = jnp.stack(
        [src.reshape(GCHUNKS, CHUNK), dst.reshape(GCHUNKS, CHUNK)], axis=1)

    deg2d = deg_inv_sqrt[:, None]
    h = _matmul(x, deg2d, weight)
    zeros = jnp.zeros((ROWS_PER_TILE, D), jnp.float32)
    partials = _sc_aggregate(h, idx2, zeros)
    return _combine(partials, deg2d, bias.reshape(1, D))

# --- scband reference (transcript-rebuilt; emitter-appended) ---
"""Pipeline reference for scband-distributed-gcnconv-4440996184259 (READ-ONLY COPY).

The authoritative reference and input builder live on the scoring server;
editing this copy changes nothing except your own understanding.
"""

import jax, jax.numpy as jnp
import numpy as np

N_NODES = 10000
N_EDGES = 320000
D_IN = 128
D_OUT = 128


def setup_inputs(seed: int = 0) -> dict:
    key = jax.random.key(seed)
    k_x, k_e, k_d, k_w = jax.random.split(key, 4)
    x = jax.random.normal(k_x, (N_NODES, D_IN), dtype=jnp.float32)
    edge_index = jax.random.randint(k_e, (2, N_EDGES), 0, N_NODES, dtype=jnp.int64)
    deg_inv_sqrt = jax.random.uniform(k_d, (N_NODES,), dtype=jnp.float32)
    # Xavier uniform init for weight
    limit = float(np.sqrt(6.0 / (D_IN + D_OUT)))
    weight = jax.random.uniform(k_w, (D_IN, D_OUT), dtype=jnp.float32, minval=-limit, maxval=limit)
    bias = jnp.zeros((D_OUT,), dtype=jnp.float32)
    return {"x": x, "edge_index": edge_index, "deg_inv_sqrt": deg_inv_sqrt, "weight": weight, "bias": bias}


def reference(x, edge_index, deg_inv_sqrt, weight, bias):
    # h = x @ W
    h = x @ weight
    # symmetric normalization (source side): D^{-1/2} h
    h = deg_inv_sqrt[:, None] * h
    # adj_partition.matvec(h): sparse A @ h via gather + scatter-add
    src = edge_index[0]
    dst = edge_index[1]
    msgs = jnp.take(h, src, axis=0)            # gather
    out = jax.ops.segment_sum(msgs, dst, num_segments=N_NODES)  # scatter-add
    # single-partition reference: num_owned == N_NODES
    num_owned = N_NODES
    out = out[:num_owned] * deg_inv_sqrt[:num_owned][:, None]
    out = out + bias
    return out

if __name__ == "__main__":
    import jax
    _d = setup_inputs()
    print(jax.jit(kernel)(*tuple(_d.values())))

</pallas_src>

<mosaic_0001>
#map = affine_map<(d0, d1) -> (0, 0)>
#map1 = affine_map<(d0, d1) -> (0, 0, 0)>
module attributes {stable_mosaic.version = 14 : i64} {
  func.func @k(%arg0: i32, %arg1: i32, %arg2: memref<10000x128xf32, #tpu.memory_space<hbm>>, %arg3: memref<5120x2x64xi32, #tpu.memory_space<hbm>>, %arg4: memref<632x128xf32, #tpu.memory_space<hbm>>, %arg5: memref<2x10112x128xf32, #tpu.memory_space<hbm>>, %arg6: memref<10112x128xf32, #tpu.memory_space<vmem_shared>>, %arg7: memref<8x2x64xi32, #tpu.memory_space<vmem>>, %arg8: memref<4x64x128xf32, #tpu.memory_space<vmem>>, %arg9: memref<!tpu.dma_semaphore, #tpu.memory_space<semaphore_mem>>, %arg10: memref<!tpu.dma_semaphore, #tpu.memory_space<semaphore_mem>>, %arg11: memref<!tpu.dma_semaphore, #tpu.memory_space<semaphore_mem>>, %arg12: memref<!tpu.dma_semaphore, #tpu.memory_space<semaphore_mem>>, %arg13: memref<!tpu.dma_semaphore, #tpu.memory_space<semaphore_mem>>, %arg14: memref<!tpu.dma_semaphore, #tpu.memory_space<semaphore_mem>>, %arg15: memref<!tpu.dma_semaphore, #tpu.memory_space<semaphore_mem>>, %arg16: memref<!tpu.dma_semaphore, #tpu.memory_space<semaphore_mem>>, %arg17: memref<!tpu.dma_semaphore, #tpu.memory_space<semaphore_mem>>, %arg18: memref<!tpu.dma_semaphore, #tpu.memory_space<semaphore_mem>>, %arg19: memref<!tpu.dma_semaphore, #tpu.memory_space<semaphore_mem>>, %arg20: memref<!tpu.dma_semaphore, #tpu.memory_space<semaphore_mem>>) attributes {dimension_semantics = [#tpu.dimension_semantics<core_parallel>, #tpu.dimension_semantics<subcore_parallel>], iteration_bounds = array<i64: 2, 16>, scalar_prefetch = 0 : i64, scratch_operands = 15 : i64, tpu.core_type = #tpu.core_type<sc_vector_subcore>, window_params = [{transform_indices = #map}, {transform_indices = #map1}, {transform_indices = #map}, {transform_indices = #map1}]} {
    %eq3A = arith.constant 0 : i32
    %eq3A_0 = arith.cmpi eq, %arg0, %eq3A : i32
    %jit3A = arith.constant 260 : i32
    %jit3A_1 = arith.constant 60 : i32
    %select_n3A = arith.select %eq3A_0, %jit3A, %jit3A_1 : i32
    %eq3A_2 = arith.constant 0 : i32
    %eq3A_3 = arith.cmpi eq, %arg0, %eq3A_2 : i32
    %mul3A = arith.constant 260 : i32
    %mul3A_4 = arith.muli %arg1, %mul3A : i32
    %mul3A_5 = arith.constant 60 : i32
    %mul3A_6 = arith.muli %arg1, %mul3A_5 : i32
    %add3A = arith.constant 4160 : i32
    %add3A_7 = arith.addi %add3A, %mul3A_6 : i32
    %select_n3A_8 = arith.select %eq3A_3, %mul3A_4, %add3A_7 : i32
    %add3A_9 = arith.constant 4 : i32
    %add3A_10 = arith.addi %select_n3A, %add3A_9 : i32
    %add3A_11 = arith.constant 8 : i32
    %add3A_12 = arith.addi %add3A_10, %add3A_11 : i32
    %sub3A = arith.constant 1 : i32
    %sub3A_13 = arith.subi %add3A_12, %sub3A : i32
    %jit3A_14 = arith.constant 8 : i32
    %div3A = arith.divsi %sub3A_13, %jit3A_14 : i32
    %sign3A = arith.constant 0 : i32
    %sign3A_15 = arith.cmpi sgt, %sub3A_13, %sign3A : i32
    %sign3A_16 = arith.extui %sign3A_15 : i1 to i32
    %sign3A_17 = arith.constant 0 : i32
    %sign3A_18 = arith.cmpi slt, %sub3A_13, %sign3A_17 : i32
    %sign3A_19 = arith.extui %sign3A_18 : i1 to i32
    %sign3A_20 = arith.subi %sign3A_16, %sign3A_19 : i32
    %sign3A_21 = arith.constant 0 : i32
    %sign3A_22 = arith.cmpi sgt, %jit3A_14, %sign3A_21 : i32
    %sign3A_23 = arith.extui %sign3A_22 : i1 to i32
    %sign3A_24 = arith.constant 0 : i32
    %sign3A_25 = arith.cmpi slt, %jit3A_14, %sign3A_24 : i32
    %sign3A_26 = arith.extui %sign3A_25 : i1 to i32
    %sign3A_27 = arith.subi %sign3A_23, %sign3A_26 : i32
    %ne3A = arith.cmpi ne, %sign3A_20, %sign3A_27 : i32
    %rem3A = arith.remsi %sub3A_13, %jit3A_14 : i32
    %ne3A_28 = arith.constant 0 : i32
    %ne3A_29 = arith.cmpi ne, %rem3A, %ne3A_28 : i32
    %and3A = arith.andi %ne3A, %ne3A_29 : i1
    %sub3A_30 = arith.constant 1 : i32
    %sub3A_31 = arith.subi %div3A, %sub3A_30 : i32
    %select_n3A_32 = arith.select %and3A, %sub3A_31, %div3A : i32
    %mul3A_33 = arith.constant 632 : i32
    %mul3A_34 = arith.muli %arg1, %mul3A_33 : i32
    "tpu.region"() ({
      %run_scoped3A = tpu.sem_alloc : memref<!tpu.dma_semaphore, #tpu.memory_space<semaphore_mem>>
      %dma_start3A_123 = arith.constant 0 : i32
      %dma_start3A_124 = tpu.memref_slice %arg6[%mul3A_34, %dma_start3A_123] : memref<10112x128xf32, #tpu.memory_space<vmem_shared>> -> memref<632x128xf32, #tpu.memory_space<vmem_shared>>
      tpu.enqueue_dma source(%arg4 : memref<632x128xf32, #tpu.memory_space<hbm>>) target(%dma_start3A_124 : memref<632x128xf32, #tpu.memory_space<vmem_shared>>) target_semaphore(%run_scoped3A : memref<!tpu.dma_semaphore, #tpu.memory_space<semaphore_mem>>)
      %dma_wait3A = arith.constant 0 : i32
      %dma_wait3A_125 = tpu.memref_slice %arg6[%mul3A_34, %dma_wait3A] : memref<10112x128xf32, #tpu.memory_space<vmem_shared>> -> memref<632x128xf32, #tpu.memory_space<vmem_shared>>
      tpu.wait_dma2 semaphore(%run_scoped3A : memref<!tpu.dma_semaphore, #tpu.memory_space<semaphore_mem>>) src(%arg4 : memref<632x128xf32, #tpu.memory_space<hbm>>) dst(%dma_wait3A_125 : memref<632x128xf32, #tpu.memory_space<vmem_shared>>)
      tpu.yield
    }) : () -> ()
    %barrier3A = arith.constant 0 : index
    tpu.barrier barrier_id(%barrier3A)
    %add3A_35 = arith.constant 0 : i32
    %add3A_36 = arith.addi %select_n3A_8, %add3A_35 : i32
    %dma_start3A = arith.constant 0 : i32
    %dma_start3A_37 = arith.constant 0 : i32
    %dma_start3A_38 = arith.constant 0 : i32
    %dma_start3A_39 = tpu.memref_slice %arg7[%dma_start3A, %dma_start3A_37, %dma_start3A_38] : memref<8x2x64xi32, #tpu.memory_space<vmem>> -> memref<1x2x64xi32, #tpu.memory_space<vmem>>
    %dma_start3A_40 = tpu.memref_squeeze %dma_start3A_39 : memref<1x2x64xi32, #tpu.memory_space<vmem>> -> memref<2x64xi32, #tpu.memory_space<vmem>>
    %dma_start3A_41 = arith.constant 0 : i32
    %dma_start3A_42 = arith.constant 0 : i32
    %dma_start3A_43 = tpu.memref_slice %arg3[%add3A_36, %dma_start3A_41, %dma_start3A_42] : memref<5120x2x64xi32, #tpu.memory_space<hbm>> -> memref<1x2x64xi32, #tpu.memory_space<hbm>>
    %dma_start3A_44 = tpu.memref_squeeze %dma_start3A_43 : memref<1x2x64xi32, #tpu.memory_space<hbm>> -> memref<2x64xi32, #tpu.memory_space<hbm>>
    %dma_start3A_45 = arith.constant 0 : i32
    %dma_start3A_46 = arith.constant 0 : i32
    %dma_start3A_47 = tpu.memref_slice %arg7[%dma_start3A, %dma_start3A_45, %dma_start3A_46] : memref<8x2x64xi32, #tpu.memory_space<vmem>> -> memref<1x2x64xi32, #tpu.memory_space<vmem>>
    %dma_start3A_48 = tpu.memref_squeeze %dma_start3A_47 : memref<1x2x64xi32, #tpu.memory_space<vmem>> -> memref<2x64xi32, #tpu.memory_space<vmem>>
    %dma_start3A_49 = arith.constant 0 : i32
    %dma_start3A_50 = arith.constant 0 : i32
    %dma_start3A_51 = tpu.memref_slice %arg3[%add3A_36, %dma_start3A_49, %dma_start3A_50] : memref<5120x2x64xi32, #tpu.memory_space<hbm>> -> memref<1x2x64xi32, #tpu.memory_space<hbm>>
    %dma_start3A_52 = tpu.memref_squeeze %dma_start3A_51 : memref<1x2x64xi32, #tpu.memory_space<hbm>> -> memref<2x64xi32, #tpu.memory_space<hbm>>
    tpu.enqueue_dma source(%dma_start3A_52 : memref<2x64xi32, #tpu.memory_space<hbm>>) target(%dma_start3A_48 : memref<2x64xi32, #tpu.memory_space<vmem>>) target_semaphore(%arg13 : memref<!tpu.dma_semaphore, #tpu.memory_space<semaphore_mem>>)
    %add3A_53 = arith.constant 1 : i32
    %add3A_54 = arith.addi %select_n3A_8, %add3A_53 : i32
    %dma_start3A_55 = arith.constant 1 : i32
    %dma_start3A_56 = arith.constant 0 : i32
    %dma_start3A_57 = arith.constant 0 : i32
    %dma_start3A_58 = tpu.memref_slice %arg7[%dma_start3A_55, %dma_start3A_56, %dma_start3A_57] : memref<8x2x64xi32, #tpu.memory_space<vmem>> -> memref<1x2x64xi32, #tpu.memory_space<vmem>>
    %dma_start3A_59 = tpu.memref_squeeze %dma_start3A_58 : memref<1x2x64xi32, #tpu.memory_space<vmem>> -> memref<2x64xi32, #tpu.memory_space<vmem>>
    %dma_start3A_60 = arith.constant 0 : i32
    %dma_start3A_61 = arith.constant 0 : i32
    %dma_start3A_62 = tpu.memref_slice %arg3[%add3A_54, %dma_start3A_60, %dma_start3A_61] : memref<5120x2x64xi32, #tpu.memory_space<hbm>> -> memref<1x2x64xi32, #tpu.memory_space<hbm>>
    %dma_start3A_63 = tpu.memref_squeeze %dma_start3A_62 : memref<1x2x64xi32, #tpu.memory_space<hbm>> -> memref<2x64xi32, #tpu.memory_space<hbm>>
    %dma_start3A_64 = arith.constant 0 : i32
    %dma_start3A_65 = arith.constant 0 : i32
    %dma_start3A_66 = tpu.memref_slice %arg7[%dma_start3A_55, %dma_start3A_64, %dma_start3A_65] : memref<8x2x64xi32, #tpu.memory_space<vmem>> -> memref<1x2x64xi32, #tpu.memory_space<vmem>>
    %dma_start3A_67 = tpu.memref_squeeze %dma_start3A_66 : memref<1x2x64xi32, #tpu.memory_space<vmem>> -> memref<2x64xi32, #tpu.memory_space<vmem>>
    %dma_start3A_68 = arith.constant 0 : i32
    %dma_start3A_69 = arith.constant 0 : i32
    %dma_start3A_70 = tpu.memref_slice %arg3[%add3A_54, %dma_start3A_68, %dma_start3A_69] : memref<5120x2x64xi32, #tpu.memory_space<hbm>> -> memref<1x2x64xi32, #tpu.memory_space<hbm>>
    %dma_start3A_71 = tpu.memref_squeeze %dma_start3A_70 : memref<1x2x64xi32, #tpu.memory_space<hbm>> -> memref<2x64xi32, #tpu.memory_space<hbm>>
    tpu.enqueue_dma source(%dma_start3A_71 : memref<2x64xi32, #tpu.memory_space<hbm>>) target(%dma_start3A_67 : memref<2x64xi32, #tpu.memory_space<vmem>>) target_semaphore(%arg14 : memref<!tpu.dma_semaphore, #tpu.memory_space<semaphore_mem>>)
    %add3A_72 = arith.constant 2 : i32
    %add3A_73 = arith.addi %select_n3A_8, %add3A_72 : i32
    %dma_start3A_74 = arith.constant 2 : i32
    %dma_start3A_75 = arith.constant 0 : i32
    %dma_start3A_76 = arith.constant 0 : i32
    %dma_start3A_77 = tpu.memref_slice %arg7[%dma_start3A_74, %dma_start3A_75, %dma_start3A_76] : memref<8x2x64xi32, #tpu.memory_space<vmem>> -> memref<1x2x64xi32, #tpu.memory_space<vmem>>
    %dma_start3A_78 = tpu.memref_squeeze %dma_start3A_77 : memref<1x2x64xi32, #tpu.memory_space<vmem>> -> memref<2x64xi32, #tpu.memory_space<vmem>>
    %dma_start3A_79 = arith.constant 0 : i32
    %dma_start3A_80 = arith.constant 0 : i32
    %dma_start3A_81 = tpu.memref_slice %arg3[%add3A_73, %dma_start3A_79, %dma_start3A_80] : memref<5120x2x64xi32, #tpu.memory_space<hbm>> -> memref<1x2x64xi32, #tpu.memory_space<hbm>>
    %dma_start3A_82 = tpu.memref_squeeze %dma_start3A_81 : memref<1x2x64xi32, #tpu.memory_space<hbm>> -> memref<2x64xi32, #tpu.memory_space<hbm>>
    %dma_start3A_83 = arith.constant 0 : i32
    %dma_start3A_84 = arith.constant 0 : i32
    %dma_start3A_85 = tpu.memref_slice %arg7[%dma_start3A_74, %dma_start3A_83, %dma_start3A_84] : memref<8x2x64xi32, #tpu.memory_space<vmem>> -> memref<1x2x64xi32, #tpu.memory_space<vmem>>
    %dma_start3A_86 = tpu.memref_squeeze %dma_start3A_85 : memref<1x2x64xi32, #tpu.memory_space<vmem>> -> memref<2x64xi32, #tpu.memory_space<vmem>>
    %dma_start3A_87 = arith.constant 0 : i32
    %dma_start3A_88 = arith.constant 0 : i32
    %dma_start3A_89 = tpu.memref_slice %arg3[%add3A_73, %dma_start3A_87, %dma_start3A_88] : memref<5120x2x64xi32, #tpu.memory_space<hbm>> -> memref<1x2x64xi32, #tpu.memory_space<hbm>>
    %dma_start3A_90 = tpu.memref_squeeze %dma_start3A_89 : memref<1x2x64xi32, #tpu.memory_space<hbm>> -> memref<2x64xi32, #tpu.memory_space<hbm>>
    tpu.enqueue_dma source(%dma_start3A_90 : memref<2x64xi32, #tpu.memory_space<hbm>>) target(%dma_start3A_86 : memref<2x64xi32, #tpu.memory_space<vmem>>) target_semaphore(%arg15 : memref<!tpu.dma_semaphore, #tpu.memory_space<semaphore_mem>>)
    %add3A_91 = arith.constant 3 : i32
    %add3A_92 = arith.addi %select_n3A_8, %add3A_91 : i32
    %dma_start3A_93 = arith.constant 3 : i32
    %dma_start3A_94 = arith.constant 0 : i32
    %dma_start3A_95 = arith.constant 0 : i32
    %dma_start3A_96 = tpu.memref_slice %arg7[%dma_start3A_93, %dma_start3A_94, %dma_start3A_95] : memref<8x2x64xi32, #tpu.memory_space<vmem>> -> memref<1x2x64xi32, #tpu.memory_space<vmem>>
    %dma_start3A_97 = tpu.memref_squeeze %dma_start3A_96 : memref<1x2x64xi32, #tpu.memory_space<vmem>> -> memref<2x64xi32, #tpu.memory_space<vmem>>
    %dma_start3A_98 = arith.constant 0 : i32
    %dma_start3A_99 = arith.constant 0 : i32
    %dma_start3A_100 = tpu.memref_slice %arg3[%add3A_92, %dma_start3A_98, %dma_start3A_99] : memref<5120x2x64xi32, #tpu.memory_space<hbm>> -> memref<1x2x64xi32, #tpu.memory_space<hbm>>
    %dma_start3A_101 = tpu.memref_squeeze %dma_start3A_100 : memref<1x2x64xi32, #tpu.memory_space<hbm>> -> memref<2x64xi32, #tpu.memory_space<hbm>>
    %dma_start3A_102 = arith.constant 0 : i32
    %dma_start3A_103 = arith.constant 0 : i32
    %dma_start3A_104 = tpu.memref_slice %arg7[%dma_start3A_93, %dma_start3A_102, %dma_start3A_103] : memref<8x2x64xi32, #tpu.memory_space<vmem>> -> memref<1x2x64xi32, #tpu.memory_space<vmem>>
    %dma_start3A_105 = tpu.memref_squeeze %dma_start3A_104 : memref<1x2x64xi32, #tpu.memory_space<vmem>> -> memref<2x64xi32, #tpu.memory_space<vmem>>
    %dma_start3A_106 = arith.constant 0 : i32
    %dma_start3A_107 = arith.constant 0 : i32
    %dma_start3A_108 = tpu.memref_slice %arg3[%add3A_92, %dma_start3A_106, %dma_start3A_107] : memref<5120x2x64xi32, #tpu.memory_space<hbm>> -> memref<1x2x64xi32, #tpu.memory_space<hbm>>
    %dma_start3A_109 = tpu.memref_squeeze %dma_start3A_108 : memref<1x2x64xi32, #tpu.memory_space<hbm>> -> memref<2x64xi32, #tpu.memory_space<hbm>>
    tpu.enqueue_dma source(%dma_start3A_109 : memref<2x64xi32, #tpu.memory_space<hbm>>) target(%dma_start3A_105 : memref<2x64xi32, #tpu.memory_space<vmem>>) target_semaphore(%arg16 : memref<!tpu.dma_semaphore, #tpu.memory_space<semaphore_mem>>)
    %while3A = arith.constant 0 : i32
    %while3A_110 = arith.subi %select_n3A_32, %while3A : i32
    %while3A_111 = arith.addi %while3A, %while3A_110 : i32
    %while3A_112 = arith.constant 1 : i32
    %while3A_113 = arith.divsi %while3A_110, %while3A_112 : i32
    %while3A_114 = arith.muli %while3A_113, %while3A_112 : i32
    %while3A_115 = arith.addi %while3A, %while3A_114 : i32
    %while3A_116 = arith.constant 1 : i32
    scf.for %while3A_123 = %while3A to %while3A_115 step %while3A_116  : i32 {
      %mul3A_124 = arith.constant 8 : i32
      %mul3A_125 = arith.muli %while3A_123, %mul3A_124 : i32
      %add3A_126 = arith.constant 0 : i32
      %add3A_127 = arith.addi %mul3A_125, %add3A_126 : i32
      %ge3A = arith.constant 4 : i32
      %ge3A_128 = arith.cmpi sge, %add3A_127, %ge3A : i32
      %add3A_129 = arith.constant 4 : i32
      %add3A_130 = arith.addi %select_n3A, %add3A_129 : i32
      %lt3A = arith.cmpi slt, %add3A_127, %add3A_130 : i32
      %and3A_131 = arith.andi %ge3A_128, %lt3A : i1
      %convert_element_type3A = arith.extui %and3A_131 : i1 to i32
      %cond3A = arith.constant 0 : i32
      %cond3A_132 = arith.cmpi ne, %convert_element_type3A, %cond3A : i32
      scf.if %cond3A_132 {
        %dma_wait3A = arith.constant 4 : i32
        %dma_wait3A_304 = arith.constant 0 : i32
        %dma_wait3A_305 = arith.constant 0 : i32
        %dma_wait3A_306 = arith.constant 0 : i32
        %dma_wait3A_307 = arith.constant 0 : i32
        %dma_wait3A_308 = tpu.memref_slice %arg8[%dma_wait3A_305, %dma_wait3A_306, %dma_wait3A_307] : memref<4x64x128xf32, #tpu.memory_space<vmem>> -> memref<1x64x128xf32, #tpu.memory_space<vmem>>
        %dma_wait3A_309 = tpu.memref_squeeze %dma_wait3A_308 : memref<1x64x128xf32, #tpu.memory_space<vmem>> -> memref<64x128xf32, #tpu.memory_space<vmem>>
        %dma_wait3A_310 = arith.constant 0 : i32
        %dma_wait3A_311 = tpu.memref_slice %arg7[%dma_wait3A, %dma_wait3A_304, %dma_wait3A_310] : memref<8x2x64xi32, #tpu.memory_space<vmem>> -> memref<1x1x64xi32, #tpu.memory_space<vmem>>
        %dma_wait3A_312 = tpu.memref_squeeze %dma_wait3A_311 : memref<1x1x64xi32, #tpu.memory_space<vmem>> -> memref<64xi32, #tpu.memory_space<vmem>>
        %dma_wait3A_313 = arith.constant 0 : i32
        %dma_wait3A_314 = arith.constant 0 : i32
        %dma_wait3A_315 = tpu.memref_slice %arg2[%dma_wait3A_313, %dma_wait3A_314] : memref<10000x128xf32, #tpu.memory_space<hbm>> -> memref<10000x128xf32, #tpu.memory_space<hbm>>
        tpu.wait_indirect_dma semaphore(%arg9 : memref<!tpu.dma_semaphore, #tpu.memory_space<semaphore_mem>>) src(%dma_wait3A_315 : memref<10000x128xf32, #tpu.memory_space<hbm>>) dst(%dma_wait3A_309 : memref<64x128xf32, #tpu.memory_space<vmem>>)
        %run_scoped3A = arith.constant 0 : i32
        %run_scoped3A_316 = arith.constant 4 : i32
        %run_scoped3A_317 = arith.constant 1 : i32
        "tpu.region"() ({
          %run_scoped3A_318 = tpu.sem_alloc : memref<!tpu.dma_semaphore, #tpu.memory_space<semaphore_mem>>
          %dma_start3A_319 = arith.constant 0 : i32
          %dma_start3A_320 = arith.constant 0 : i32
          %dma_start3A_321 = tpu.memref_slice %arg8[%run_scoped3A, %dma_start3A_319, %dma_start3A_320] : memref<4x64x128xf32, #tpu.memory_space<vmem>> -> memref<1x64x128xf32, #tpu.memory_space<vmem>>
          %dma_start3A_322 = tpu.memref_squeeze %dma_start3A_321 : memref<1x64x128xf32, #tpu.memory_space<vmem>> -> memref<64x128xf32, #tpu.memory_space<vmem>>
          %dma_start3A_323 = arith.constant 0 : i32
          %dma_start3A_324 = tpu.memref_slice %arg7[%run_scoped3A_316, %run_scoped3A_317, %dma_start3A_323] : memref<8x2x64xi32, #tpu.memory_space<vmem>> -> memref<1x1x64xi32, #tpu.memory_space<vmem>>
          %dma_start3A_325 = tpu.memref_squeeze %dma_start3A_324 : memref<1x1x64xi32, #tpu.memory_space<vmem>> -> memref<64xi32, #tpu.memory_space<vmem>>
          %dma_start3A_326 = arith.constant 0 : i32
          %dma_start3A_327 = arith.constant 0 : i32
          %dma_start3A_328 = tpu.memref_slice %arg6[%dma_start3A_326, %dma_start3A_327] : memref<10112x128xf32, #tpu.memory_space<vmem_shared>> -> memref<10112x128xf32, #tpu.memory_space<vmem_shared>>
          tpu.enqueue_indirect_dma source(%dma_start3A_322 : memref<64x128xf32, #tpu.memory_space<vmem>>) target(%dma_start3A_328 : memref<10112x128xf32, #tpu.memory_space<vmem_shared>>) offsets(%dma_start3A_325 : memref<64xi32, #tpu.memory_space<vmem>>) semaphore(%run_scoped3A_318 : memref<!tpu.dma_semaphore, #tpu.memory_space<semaphore_mem>>) {add = true}
          %dma_wait3A_329 = arith.constant 0 : i32
          %dma_wait3A_330 = arith.constant 0 : i32
          %dma_wait3A_331 = tpu.memref_slice %arg8[%run_scoped3A, %dma_wait3A_329, %dma_wait3A_330] : memref<4x64x128xf32, #tpu.memory_space<vmem>> -> memref<1x64x128xf32, #tpu.memory_space<vmem>>
          %dma_wait3A_332 = tpu.memref_squeeze %dma_wait3A_331 : memref<1x64x128xf32, #tpu.memory_space<vmem>> -> memref<64x128xf32, #tpu.memory_space<vmem>>
          %dma_wait3A_333 = arith.constant 0 : i32
          %dma_wait3A_334 = tpu.memref_slice %arg7[%run_scoped3A_316, %run_scoped3A_317, %dma_wait3A_333] : memref<8x2x64xi32, #tpu.memory_space<vmem>> -> memref<1x1x64xi32, #tpu.memory_space<vmem>>
          %dma_wait3A_335 = tpu.memref_squeeze %dma_wait3A_334 : memref<1x1x64xi32, #tpu.memory_space<vmem>> -> memref<64xi32, #tpu.memory_space<vmem>>
          %dma_wait3A_336 = arith.constant 0 : i32
          %dma_wait3A_337 = arith.constant 0 : i32
          %dma_wait3A_338 = tpu.memref_slice %arg6[%dma_wait3A_336, %dma_wait3A_337] : memref<10112x128xf32, #tpu.memory_space<vmem_shared>> -> memref<10112x128xf32, #tpu.memory_space<vmem_shared>>
          tpu.wait_indirect_dma semaphore(%run_scoped3A_318 : memref<!tpu.dma_semaphore, #tpu.memory_space<semaphore_mem>>) src(%dma_wait3A_332 : memref<64x128xf32, #tpu.memory_space<vmem>>) dst(%dma_wait3A_338 : memref<10112x128xf32, #tpu.memory_space<vmem_shared>>)
          tpu.yield
        }) : () -> ()
      } else {
      }
      %add3A_133 = arith.constant 4 : i32
      %add3A_134 = arith.addi %add3A_127, %add3A_133 : i32
      %lt3A_135 = arith.cmpi slt, %add3A_134, %select_n3A : i32
      %convert_element_type3A_136 = arith.extui %lt3A_135 : i1 to i32
      %cond3A_137 = arith.constant 0 : i32
      %cond3A_138 = arith.cmpi ne, %convert_element_type3A_136, %cond3A_137 : i32
      scf.if %cond3A_138 {
        %add3A_304 = arith.addi %select_n3A_8, %add3A_127 : i32
        %add3A_305 = arith.constant 4 : i32
        %add3A_306 = arith.addi %add3A_304, %add3A_305 : i32
        %dma_start3A_307 = arith.constant 4 : i32
        %dma_start3A_308 = arith.constant 0 : i32
        %dma_start3A_309 = arith.constant 0 : i32
        %dma_start3A_310 = tpu.memref_slice %arg7[%dma_start3A_307, %dma_start3A_308, %dma_start3A_309] : memref<8x2x64xi32, #tpu.memory_space<vmem>> -> memref<1x2x64xi32, #tpu.memory_space<vmem>>
        %dma_start3A_311 = tpu.memref_squeeze %dma_start3A_310 : memref<1x2x64xi32, #tpu.memory_space<vmem>> -> memref<2x64xi32, #tpu.memory_space<vmem>>
        %dma_start3A_312 = arith.constant 0 : i32
        %dma_start3A_313 = arith.constant 0 : i32
        %dma_start3A_314 = tpu.memref_slice %arg3[%add3A_306, %dma_start3A_312, %dma_start3A_313] : memref<5120x2x64xi32, #tpu.memory_space<hbm>> -> memref<1x2x64xi32, #tpu.memory_space<hbm>>
        %dma_start3A_315 = tpu.memref_squeeze %dma_start3A_314 : memref<1x2x64xi32, #tpu.memory_space<hbm>> -> memref<2x64xi32, #tpu.memory_space<hbm>>
        %dma_start3A_316 = arith.constant 0 : i32
        %dma_start3A_317 = arith.constant 0 : i32
        %dma_start3A_318 = tpu.memref_slice %arg7[%dma_start3A_307, %dma_start3A_316, %dma_start3A_317] : memref<8x2x64xi32, #tpu.memory_space<vmem>> -> memref<1x2x64xi32, #tpu.memory_space<vmem>>
        %dma_start3A_319 = tpu.memref_squeeze %dma_start3A_318 : memref<1x2x64xi32, #tpu.memory_space<vmem>> -> memref<2x64xi32, #tpu.memory_space<vmem>>
        %dma_start3A_320 = arith.constant 0 : i32
        %dma_start3A_321 = arith.constant 0 : i32
        %dma_start3A_322 = tpu.memref_slice %arg3[%add3A_306, %dma_start3A_320, %dma_start3A_321] : memref<5120x2x64xi32, #tpu.memory_space<hbm>> -> memref<1x2x64xi32, #tpu.memory_space<hbm>>
        %dma_start3A_323 = tpu.memref_squeeze %dma_start3A_322 : memref<1x2x64xi32, #tpu.memory_space<hbm>> -> memref<2x64xi32, #tpu.memory_space<hbm>>
        tpu.enqueue_dma source(%dma_start3A_323 : memref<2x64xi32, #tpu.memory_space<hbm>>) target(%dma_start3A_319 : memref<2x64xi32, #tpu.memory_space<vmem>>) target_semaphore(%arg17 : memref<!tpu.dma_semaphore, #tpu.memory_space<semaphore_mem>>)
      } else {
      }
      %lt3A_139 = arith.cmpi slt, %add3A_127, %select_n3A : i32
      %convert_element_type3A_140 = arith.extui %lt3A_139 : i1 to i32
      %cond3A_141 = arith.constant 0 : i32
      %cond3A_142 = arith.cmpi ne, %convert_element_type3A_140, %cond3A_141 : i32
      scf.if %cond3A_142 {
        %dma_wait3A = arith.constant 0 : i32
        %dma_wait3A_304 = arith.constant 0 : i32
        %dma_wait3A_305 = arith.constant 0 : i32
        %dma_wait3A_306 = tpu.memref_slice %arg7[%dma_wait3A, %dma_wait3A_304, %dma_wait3A_305] : memref<8x2x64xi32, #tpu.memory_space<vmem>> -> memref<1x2x64xi32, #tpu.memory_space<vmem>>
        %dma_wait3A_307 = tpu.memref_squeeze %dma_wait3A_306 : memref<1x2x64xi32, #tpu.memory_space<vmem>> -> memref<2x64xi32, #tpu.memory_space<vmem>>
        %dma_wait3A_308 = arith.constant 0 : i32
        %dma_wait3A_309 = arith.constant 0 : i32
        %dma_wait3A_310 = tpu.memref_slice %arg3[%select_n3A_8, %dma_wait3A_308, %dma_wait3A_309] : memref<5120x2x64xi32, #tpu.memory_space<hbm>> -> memref<1x2x64xi32, #tpu.memory_space<hbm>>
        %dma_wait3A_311 = tpu.memref_squeeze %dma_wait3A_310 : memref<1x2x64xi32, #tpu.memory_space<hbm>> -> memref<2x64xi32, #tpu.memory_space<hbm>>
        %dma_wait3A_312 = arith.constant 0 : i32
        %dma_wait3A_313 = arith.constant 0 : i32
        %dma_wait3A_314 = tpu.memref_slice %arg7[%dma_wait3A, %dma_wait3A_312, %dma_wait3A_313] : memref<8x2x64xi32, #tpu.memory_space<vmem>> -> memref<1x2x64xi32, #tpu.memory_space<vmem>>
        %dma_wait3A_315 = tpu.memref_squeeze %dma_wait3A_314 : memref<1x2x64xi32, #tpu.memory_space<vmem>> -> memref<2x64xi32, #tpu.memory_space<vmem>>
        %dma_wait3A_316 = arith.constant 0 : i32
        %dma_wait3A_317 = arith.constant 0 : i32
        %dma_wait3A_318 = tpu.memref_slice %arg3[%select_n3A_8, %dma_wait3A_316, %dma_wait3A_317] : memref<5120x2x64xi32, #tpu.memory_space<hbm>> -> memref<1x2x64xi32, #tpu.memory_space<hbm>>
        %dma_wait3A_319 = tpu.memref_squeeze %dma_wait3A_318 : memref<1x2x64xi32, #tpu.memory_space<hbm>> -> memref<2x64xi32, #tpu.memory_space<hbm>>
        tpu.wait_dma2 semaphore(%arg13 : memref<!tpu.dma_semaphore, #tpu.memory_space<semaphore_mem>>) src(%dma_wait3A_319 : memref<2x64xi32, #tpu.memory_space<hbm>>) dst(%dma_wait3A_315 : memref<2x64xi32, #tpu.memory_space<vmem>>)
        %dma_start3A_320 = arith.constant 0 : i32
        %dma_start3A_321 = arith.constant 0 : i32
        %dma_start3A_322 = arith.constant 0 : i32
        %dma_start3A_323 = arith.constant 0 : i32
        %dma_start3A_324 = arith.constant 0 : i32
        %dma_start3A_325 = tpu.memref_slice %arg8[%dma_start3A_322, %dma_start3A_323, %dma_start3A_324] : memref<4x64x128xf32, #tpu.memory_space<vmem>> -> memref<1x64x128xf32, #tpu.memory_space<vmem>>
        %dma_start3A_326 = tpu.memref_squeeze %dma_start3A_325 : memref<1x64x128xf32, #tpu.memory_space<vmem>> -> memref<64x128xf32, #tpu.memory_space<vmem>>
        %dma_start3A_327 = arith.constant 0 : i32
        %dma_start3A_328 = tpu.memref_slice %arg7[%dma_start3A_320, %dma_start3A_321, %dma_start3A_327] : memref<8x2x64xi32, #tpu.memory_space<vmem>> -> memref<1x1x64xi32, #tpu.memory_space<vmem>>
        %dma_start3A_329 = tpu.memref_squeeze %dma_start3A_328 : memref<1x1x64xi32, #tpu.memory_space<vmem>> -> memref<64xi32, #tpu.memory_space<vmem>>
        %dma_start3A_330 = arith.constant 0 : i32
        %dma_start3A_331 = arith.constant 0 : i32
        %dma_start3A_332 = tpu.memref_slice %arg2[%dma_start3A_330, %dma_start3A_331] : memref<10000x128xf32, #tpu.memory_space<hbm>> -> memref<10000x128xf32, #tpu.memory_space<hbm>>
        tpu.enqueue_indirect_dma source(%dma_start3A_332 : memref<10000x128xf32, #tpu.memory_space<hbm>>) target(%dma_start3A_326 : memref<64x128xf32, #tpu.memory_space<vmem>>) offsets(%dma_start3A_329 : memref<64xi32, #tpu.memory_space<vmem>>) semaphore(%arg9 : memref<!tpu.dma_semaphore, #tpu.memory_space<semaphore_mem>>)
      } else {
      }
      %mul3A_143 = arith.constant 8 : i32
      %mul3A_144 = arith.muli %while3A_123, %mul3A_143 : i32
      %add3A_145 = arith.constant 1 : i32
      %add3A_146 = arith.addi %mul3A_144, %add3A_145 : i32
      %ge3A_147 = arith.constant 4 : i32
      %ge3A_148 = arith.cmpi sge, %add3A_146, %ge3A_147 : i32
      %add3A_149 = arith.constant 4 : i32
      %add3A_150 = arith.addi %select_n3A, %add3A_149 : i32
      %lt3A_151 = arith.cmpi slt, %add3A_146, %add3A_150 : i32
      %and3A_152 = arith.andi %ge3A_148, %lt3A_151 : i1
      %convert_element_type3A_153 = arith.extui %and3A_152 : i1 to i32
      %cond3A_154 = arith.constant 0 : i32
      %cond3A_155 = arith.cmpi ne, %convert_element_type3A_153, %cond3A_154 : i32
      scf.if %cond3A_155 {
        %dma_wait3A = arith.constant 5 : i32
        %dma_wait3A_304 = arith.constant 0 : i32
        %dma_wait3A_305 = arith.constant 1 : i32
        %dma_wait3A_306 = arith.constant 0 : i32
        %dma_wait3A_307 = arith.constant 0 : i32
        %dma_wait3A_308 = tpu.memref_slice %arg8[%dma_wait3A_305, %dma_wait3A_306, %dma_wait3A_307] : memref<4x64x128xf32, #tpu.memory_space<vmem>> -> memref<1x64x128xf32, #tpu.memory_space<vmem>>
        %dma_wait3A_309 = tpu.memref_squeeze %dma_wait3A_308 : memref<1x64x128xf32, #tpu.memory_space<vmem>> -> memref<64x128xf32, #tpu.memory_space<vmem>>
        %dma_wait3A_310 = arith.constant 0 : i32
        %dma_wait3A_311 = tpu.memref_slice %arg7[%dma_wait3A, %dma_wait3A_304, %dma_wait3A_310] : memref<8x2x64xi32, #tpu.memory_space<vmem>> -> memref<1x1x64xi32, #tpu.memory_space<vmem>>
        %dma_wait3A_312 = tpu.memref_squeeze %dma_wait3A_311 : memref<1x1x64xi32, #tpu.memory_space<vmem>> -> memref<64xi32, #tpu.memory_space<vmem>>
        %dma_wait3A_313 = arith.constant 0 : i32
        %dma_wait3A_314 = arith.constant 0 : i32
        %dma_wait3A_315 = tpu.memref_slice %arg2[%dma_wait3A_313, %dma_wait3A_314] : memref<10000x128xf32, #tpu.memory_space<hbm>> -> memref<10000x128xf32, #tpu.memory_space<hbm>>
        tpu.wait_indirect_dma semaphore(%arg10 : memref<!tpu.dma_semaphore, #tpu.memory_space<semaphore_mem>>) src(%dma_wait3A_315 : memref<10000x128xf32, #tpu.memory_space<hbm>>) dst(%dma_wait3A_309 : memref<64x128xf32, #tpu.memory_space<vmem>>)
        %run_scoped3A = arith.constant 1 : i32
        %run_scoped3A_316 = arith.constant 5 : i32
        %run_scoped3A_317 = arith.constant 1 : i32
        "tpu.region"() ({
          %run_scoped3A_318 = tpu.sem_alloc : memref<!tpu.dma_semaphore, #tpu.memory_space<semaphore_mem>>
          %dma_start3A_319 = arith.constant 0 : i32
          %dma_start3A_320 = arith.constant 0 : i32
          %dma_start3A_321 = tpu.memref_slice %arg8[%run_scoped3A, %dma_start3A_319, %dma_start3A_320] : memref<4x64x128xf32, #tpu.memory_space<vmem>> -> memref<1x64x128xf32, #tpu.memory_space<vmem>>
          %dma_start3A_322 = tpu.memref_squeeze %dma_start3A_321 : memref<1x64x128xf32, #tpu.memory_space<vmem>> -> memref<64x128xf32, #tpu.memory_space<vmem>>
          %dma_start3A_323 = arith.constant 0 : i32
          %dma_start3A_324 = tpu.memref_slice %arg7[%run_scoped3A_316, %run_scoped3A_317, %dma_start3A_323] : memref<8x2x64xi32, #tpu.memory_space<vmem>> -> memref<1x1x64xi32, #tpu.memory_space<vmem>>
          %dma_start3A_325 = tpu.memref_squeeze %dma_start3A_324 : memref<1x1x64xi32, #tpu.memory_space<vmem>> -> memref<64xi32, #tpu.memory_space<vmem>>
          %dma_start3A_326 = arith.constant 0 : i32
          %dma_start3A_327 = arith.constant 0 : i32
          %dma_start3A_328 = tpu.memref_slice %arg6[%dma_start3A_326, %dma_start3A_327] : memref<10112x128xf32, #tpu.memory_space<vmem_shared>> -> memref<10112x128xf32, #tpu.memory_space<vmem_shared>>
          tpu.enqueue_indirect_dma source(%dma_start3A_322 : memref<64x128xf32, #tpu.memory_space<vmem>>) target(%dma_start3A_328 : memref<10112x128xf32, #tpu.memory_space<vmem_shared>>) offsets(%dma_start3A_325 : memref<64xi32, #tpu.memory_space<vmem>>) semaphore(%run_scoped3A_318 : memref<!tpu.dma_semaphore, #tpu.memory_space<semaphore_mem>>) {add = true}
          %dma_wait3A_329 = arith.constant 0 : i32
          %dma_wait3A_330 = arith.constant 0 : i32
          %dma_wait3A_331 = tpu.memref_slice %arg8[%run_scoped3A, %dma_wait3A_329, %dma_wait3A_330] : memref<4x64x128xf32, #tpu.memory_space<vmem>> -> memref<1x64x128xf32, #tpu.memory_space<vmem>>
          %dma_wait3A_332 = tpu.memref_squeeze %dma_wait3A_331 : memref<1x64x128xf32, #tpu.memory_space<vmem>> -> memref<64x128xf32, #tpu.memory_space<vmem>>
          %dma_wait3A_333 = arith.constant 0 : i32
          %dma_wait3A_334 = tpu.memref_slice %arg7[%run_scoped3A_316, %run_scoped3A_317, %dma_wait3A_333] : memref<8x2x64xi32, #tpu.memory_space<vmem>> -> memref<1x1x64xi32, #tpu.memory_space<vmem>>
          %dma_wait3A_335 = tpu.memref_squeeze %dma_wait3A_334 : memref<1x1x64xi32, #tpu.memory_space<vmem>> -> memref<64xi32, #tpu.memory_space<vmem>>
          %dma_wait3A_336 = arith.constant 0 : i32
          %dma_wait3A_337 = arith.constant 0 : i32
          %dma_wait3A_338 = tpu.memref_slice %arg6[%dma_wait3A_336, %dma_wait3A_337] : memref<10112x128xf32, #tpu.memory_space<vmem_shared>> -> memref<10112x128xf32, #tpu.memory_space<vmem_shared>>
          tpu.wait_indirect_dma semaphore(%run_scoped3A_318 : memref<!tpu.dma_semaphore, #tpu.memory_space<semaphore_mem>>) src(%dma_wait3A_332 : memref<64x128xf32, #tpu.memory_space<vmem>>) dst(%dma_wait3A_338 : memref<10112x128xf32, #tpu.memory_space<vmem_shared>>)
          tpu.yield
        }) : () -> ()
      } else {
      }
      %add3A_156 = arith.constant 4 : i32
      %add3A_157 = arith.addi %add3A_146, %add3A_156 : i32
      %lt3A_158 = arith.cmpi slt, %add3A_157, %select_n3A : i32
      %convert_element_type3A_159 = arith.extui %lt3A_158 : i1 to i32
      %cond3A_160 = arith.constant 0 : i32
      %cond3A_161 = arith.cmpi ne, %convert_element_type3A_159, %cond3A_160 : i32
      scf.if %cond3A_161 {
        %add3A_304 = arith.addi %select_n3A_8, %add3A_146 : i32
        %add3A_305 = arith.constant 4 : i32
        %add3A_306 = arith.addi %add3A_304, %add3A_305 : i32
        %dma_start3A_307 = arith.constant 5 : i32
        %dma_start3A_308 = arith.constant 0 : i32
        %dma_start3A_309 = arith.constant 0 : i32
        %dma_start3A_310 = tpu.memref_slice %arg7[%dma_start3A_307, %dma_start3A_308, %dma_start3A_309] : memref<8x2x64xi32, #tpu.memory_space<vmem>> -> memref<1x2x64xi32, #tpu.memory_space<vmem>>
        %dma_start3A_311 = tpu.memref_squeeze %dma_start3A_310 : memref<1x2x64xi32, #tpu.memory_space<vmem>> -> memref<2x64xi32, #tpu.memory_space<vmem>>
        %dma_start3A_312 = arith.constant 0 : i32
        %dma_start3A_313 = arith.constant 0 : i32
        %dma_start3A_314 = tpu.memref_slice %arg3[%add3A_306, %dma_start3A_312, %dma_start3A_313] : memref<5120x2x64xi32, #tpu.memory_space<hbm>> -> memref<1x2x64xi32, #tpu.memory_space<hbm>>
        %dma_start3A_315 = tpu.memref_squeeze %dma_start3A_314 : memref<1x2x64xi32, #tpu.memory_space<hbm>> -> memref<2x64xi32, #tpu.memory_space<hbm>>
        %dma_start3A_316 = arith.constant 0 : i32
        %dma_start3A_317 = arith.constant 0 : i32
        %dma_start3A_318 = tpu.memref_slice %arg7[%dma_start3A_307, %dma_start3A_316, %dma_start3A_317] : memref<8x2x64xi32, #tpu.memory_space<vmem>> -> memref<1x2x64xi32, #tpu.memory_space<vmem>>
        %dma_start3A_319 = tpu.memref_squeeze %dma_start3A_318 : memref<1x2x64xi32, #tpu.memory_space<vmem>> -> memref<2x64xi32, #tpu.memory_space<vmem>>
        %dma_start3A_320 = arith.constant 0 : i32
        %dma_start3A_321 = arith.constant 0 : i32
        %dma_start3A_322 = tpu.memref_slice %arg3[%add3A_306, %dma_start3A_320, %dma_start3A_321] : memref<5120x2x64xi32, #tpu.memory_space<hbm>> -> memref<1x2x64xi32, #tpu.memory_space<hbm>>
        %dma_start3A_323 = tpu.memref_squeeze %dma_start3A_322 : memref<1x2x64xi32, #tpu.memory_space<hbm>> -> memref<2x64xi32, #tpu.memory_space<hbm>>
        tpu.enqueue_dma source(%dma_start3A_323 : memref<2x64xi32, #tpu.memory_space<hbm>>) target(%dma_start3A_319 : memref<2x64xi32, #tpu.memory_space<vmem>>) target_semaphore(%arg18 : memref<!tpu.dma_semaphore, #tpu.memory_space<semaphore_mem>>)
      } else {
      }
      %lt3A_162 = arith.cmpi slt, %add3A_146, %select_n3A : i32
      %convert_element_type3A_163 = arith.extui %lt3A_162 : i1 to i32
      %cond3A_164 = arith.constant 0 : i32
      %cond3A_165 = arith.cmpi ne, %convert_element_type3A_163, %cond3A_164 : i32
      scf.if %cond3A_165 {
        %dma_wait3A = arith.constant 1 : i32
        %dma_wait3A_304 = arith.constant 0 : i32
        %dma_wait3A_305 = arith.constant 0 : i32
        %dma_wait3A_306 = tpu.memref_slice %arg7[%dma_wait3A, %dma_wait3A_304, %dma_wait3A_305] : memref<8x2x64xi32, #tpu.memory_space<vmem>> -> memref<1x2x64xi32, #tpu.memory_space<vmem>>
        %dma_wait3A_307 = tpu.memref_squeeze %dma_wait3A_306 : memref<1x2x64xi32, #tpu.memory_space<vmem>> -> memref<2x64xi32, #tpu.memory_space<vmem>>
        %dma_wait3A_308 = arith.constant 0 : i32
        %dma_wait3A_309 = arith.constant 0 : i32
        %dma_wait3A_310 = tpu.memref_slice %arg3[%select_n3A_8, %dma_wait3A_308, %dma_wait3A_309] : memref<5120x2x64xi32, #tpu.memory_space<hbm>> -> memref<1x2x64xi32, #tpu.memory_space<hbm>>
        %dma_wait3A_311 = tpu.memref_squeeze %dma_wait3A_310 : memref<1x2x64xi32, #tpu.memory_space<hbm>> -> memref<2x64xi32, #tpu.memory_space<hbm>>
        %dma_wait3A_312 = arith.constant 0 : i32
        %dma_wait3A_313 = arith.constant 0 : i32
        %dma_wait3A_314 = tpu.memref_slice %arg7[%dma_wait3A, %dma_wait3A_312, %dma_wait3A_313] : memref<8x2x64xi32, #tpu.memory_space<vmem>> -> memref<1x2x64xi32, #tpu.memory_space<vmem>>
        %dma_wait3A_315 = tpu.memref_squeeze %dma_wait3A_314 : memref<1x2x64xi32, #tpu.memory_space<vmem>> -> memref<2x64xi32, #tpu.memory_space<vmem>>
        %dma_wait3A_316 = arith.constant 0 : i32
        %dma_wait3A_317 = arith.constant 0 : i32
        %dma_wait3A_318 = tpu.memref_slice %arg3[%select_n3A_8, %dma_wait3A_316, %dma_wait3A_317] : memref<5120x2x64xi32, #tpu.memory_space<hbm>> -> memref<1x2x64xi32, #tpu.memory_space<hbm>>
        %dma_wait3A_319 = tpu.memref_squeeze %dma_wait3A_318 : memref<1x2x64xi32, #tpu.memory_space<hbm>> -> memref<2x64xi32, #tpu.memory_space<hbm>>
        tpu.wait_dma2 semaphore(%arg14 : memref<!tpu.dma_semaphore, #tpu.memory_space<semaphore_mem>>) src(%dma_wait3A_319 : memref<2x64xi32, #tpu.memory_space<hbm>>) dst(%dma_wait3A_315 : memref<2x64xi32, #tpu.memory_space<vmem>>)
        %dma_start3A_320 = arith.constant 1 : i32
        %dma_start3A_321 = arith.constant 0 : i32
        %dma_start3A_322 = arith.constant 1 : i32
        %dma_start3A_323 = arith.constant 0 : i32
        %dma_start3A_324 = arith.constant 0 : i32
        %dma_start3A_325 = tpu.memref_slice %arg8[%dma_start3A_322, %dma_start3A_323, %dma_start3A_324] : memref<4x64x128xf32, #tpu.memory_space<vmem>> -> memref<1x64x128xf32, #tpu.memory_space<vmem>>
        %dma_start3A_326 = tpu.memref_squeeze %dma_start3A_325 : memref<1x64x128xf32, #tpu.memory_space<vmem>> -> memref<64x128xf32, #tpu.memory_space<vmem>>
        %dma_start3A_327 = arith.constant 0 : i32
        %dma_start3A_328 = tpu.memref_slice %arg7[%dma_start3A_320, %dma_start3A_321, %dma_start3A_327] : memref<8x2x64xi32, #tpu.memory_space<vmem>> -> memref<1x1x64xi32, #tpu.memory_space<vmem>>
        %dma_start3A_329 = tpu.memref_squeeze %dma_start3A_328 : memref<1x1x64xi32, #tpu.memory_space<vmem>> -> memref<64xi32, #tpu.memory_space<vmem>>
        %dma_start3A_330 = arith.constant 0 : i32
        %dma_start3A_331 = arith.constant 0 : i32
        %dma_start3A_332 = tpu.memref_slice %arg2[%dma_start3A_330, %dma_start3A_331] : memref<10000x128xf32, #tpu.memory_space<hbm>> -> memref<10000x128xf32, #tpu.memory_space<hbm>>
        tpu.enqueue_indirect_dma source(%dma_start3A_332 : memref<10000x128xf32, #tpu.memory_space<hbm>>) target(%dma_start3A_326 : memref<64x128xf32, #tpu.memory_space<vmem>>) offsets(%dma_start3A_329 : memref<64xi32, #tpu.memory_space<vmem>>) semaphore(%arg10 : memref<!tpu.dma_semaphore, #tpu.memory_space<semaphore_mem>>)
      } else {
      }
      %mul3A_166 = arith.constant 8 : i32
      %mul3A_167 = arith.muli %while3A_123, %mul3A_166 : i32
      %add3A_168 = arith.constant 2 : i32
      %add3A_169 = arith.addi %mul3A_167, %add3A_168 : i32
      %ge3A_170 = arith.constant 4 : i32
      %ge3A_171 = arith.cmpi sge, %add3A_169, %ge3A_170 : i32
      %add3A_172 = arith.constant 4 : i32
      %add3A_173 = arith.addi %select_n3A, %add3A_172 : i32
      %lt3A_174 = arith.cmpi slt, %add3A_169, %add3A_173 : i32
      %and3A_175 = arith.andi %ge3A_171, %lt3A_174 : i1
      %convert_element_type3A_176 = arith.extui %and3A_175 : i1 to i32
      %cond3A_177 = arith.constant 0 : i32
      %cond3A_178 = arith.cmpi ne, %convert_element_type3A_176, %cond3A_177 : i32
      scf.if %cond3A_178 {
        %dma_wait3A = arith.constant 6 : i32
        %dma_wait3A_304 = arith.constant 0 : i32
        %dma_wait3A_305 = arith.constant 2 : i32
        %dma_wait3A_306 = arith.constant 0 : i32
        %dma_wait3A_307 = arith.constant 0 : i32
        %dma_wait3A_308 = tpu.memref_slice %arg8[%dma_wait3A_305, %dma_wait3A_306, %dma_wait3A_307] : memref<4x64x128xf32, #tpu.memory_space<vmem>> -> memref<1x64x128xf32, #tpu.memory_space<vmem>>
        %dma_wait3A_309 = tpu.memref_squeeze %dma_wait3A_308 : memref<1x64x128xf32, #tpu.memory_space<vmem>> -> memref<64x128xf32, #tpu.memory_space<vmem>>
        %dma_wait3A_310 = arith.constant 0 : i32
        %dma_wait3A_311 = tpu.memref_slice %arg7[%dma_wait3A, %dma_wait3A_304, %dma_wait3A_310] : memref<8x2x64xi32, #tpu.memory_space<vmem>> -> memref<1x1x64xi32, #tpu.memory_space<vmem>>
        %dma_wait3A_312 = tpu.memref_squeeze %dma_wait3A_311 : memref<1x1x64xi32, #tpu.memory_space<vmem>> -> memref<64xi32, #tpu.memory_space<vmem>>
        %dma_wait3A_313 = arith.constant 0 : i32
        %dma_wait3A_314 = arith.constant 0 : i32
        %dma_wait3A_315 = tpu.memref_slice %arg2[%dma_wait3A_313, %dma_wait3A_314] : memref<10000x128xf32, #tpu.memory_space<hbm>> -> memref<10000x128xf32, #tpu.memory_space<hbm>>
        tpu.wait_indirect_dma semaphore(%arg11 : memref<!tpu.dma_semaphore, #tpu.memory_space<semaphore_mem>>) src(%dma_wait3A_315 : memref<10000x128xf32, #tpu.memory_space<hbm>>) dst(%dma_wait3A_309 : memref<64x128xf32, #tpu.memory_space<vmem>>)
        %run_scoped3A = arith.constant 2 : i32
        %run_scoped3A_316 = arith.constant 6 : i32
        %run_scoped3A_317 = arith.constant 1 : i32
        "tpu.region"() ({
          %run_scoped3A_318 = tpu.sem_alloc : memref<!tpu.dma_semaphore, #tpu.memory_space<semaphore_mem>>
          %dma_start3A_319 = arith.constant 0 : i32
          %dma_start3A_320 = arith.constant 0 : i32
          %dma_start3A_321 = tpu.memref_slice %arg8[%run_scoped3A, %dma_start3A_319, %dma_start3A_320] : memref<4x64x128xf32, #tpu.memory_space<vmem>> -> memref<1x64x128xf32, #tpu.memory_space<vmem>>
          %dma_start3A_322 = tpu.memref_squeeze %dma_start3A_321 : memref<1x64x128xf32, #tpu.memory_space<vmem>> -> memref<64x128xf32, #tpu.memory_space<vmem>>
          %dma_start3A_323 = arith.constant 0 : i32
          %dma_start3A_324 = tpu.memref_slice %arg7[%run_scoped3A_316, %run_scoped3A_317, %dma_start3A_323] : memref<8x2x64xi32, #tpu.memory_space<vmem>> -> memref<1x1x64xi32, #tpu.memory_space<vmem>>
          %dma_start3A_325 = tpu.memref_squeeze %dma_start3A_324 : memref<1x1x64xi32, #tpu.memory_space<vmem>> -> memref<64xi32, #tpu.memory_space<vmem>>
          %dma_start3A_326 = arith.constant 0 : i32
          %dma_start3A_327 = arith.constant 0 : i32
          %dma_start3A_328 = tpu.memref_slice %arg6[%dma_start3A_326, %dma_start3A_327] : memref<10112x128xf32, #tpu.memory_space<vmem_shared>> -> memref<10112x128xf32, #tpu.memory_space<vmem_shared>>
          tpu.enqueue_indirect_dma source(%dma_start3A_322 : memref<64x128xf32, #tpu.memory_space<vmem>>) target(%dma_start3A_328 : memref<10112x128xf32, #tpu.memory_space<vmem_shared>>) offsets(%dma_start3A_325 : memref<64xi32, #tpu.memory_space<vmem>>) semaphore(%run_scoped3A_318 : memref<!tpu.dma_semaphore, #tpu.memory_space<semaphore_mem>>) {add = true}
          %dma_wait3A_329 = arith.constant 0 : i32
          %dma_wait3A_330 = arith.constant 0 : i32
          %dma_wait3A_331 = tpu.memref_slice %arg8[%run_scoped3A, %dma_wait3A_329, %dma_wait3A_330] : memref<4x64x128xf32, #tpu.memory_space<vmem>> -> memref<1x64x128xf32, #tpu.memory_space<vmem>>
          %dma_wait3A_332 = tpu.memref_squeeze %dma_wait3A_331 : memref<1x64x128xf32, #tpu.memory_space<vmem>> -> memref<64x128xf32, #tpu.memory_space<vmem>>
          %dma_wait3A_333 = arith.constant 0 : i32
          %dma_wait3A_334 = tpu.memref_slice %arg7[%run_scoped3A_316, %run_scoped3A_317, %dma_wait3A_333] : memref<8x2x64xi32, #tpu.memory_space<vmem>> -> memref<1x1x64xi32, #tpu.memory_space<vmem>>
          %dma_wait3A_335 = tpu.memref_squeeze %dma_wait3A_334 : memref<1x1x64xi32, #tpu.memory_space<vmem>> -> memref<64xi32, #tpu.memory_space<vmem>>
          %dma_wait3A_336 = arith.constant 0 : i32
          %dma_wait3A_337 = arith.constant 0 : i32
          %dma_wait3A_338 = tpu.memref_slice %arg6[%dma_wait3A_336, %dma_wait3A_337] : memref<10112x128xf32, #tpu.memory_space<vmem_shared>> -> memref<10112x128xf32, #tpu.memory_space<vmem_shared>>
          tpu.wait_indirect_dma semaphore(%run_scoped3A_318 : memref<!tpu.dma_semaphore, #tpu.memory_space<semaphore_mem>>) src(%dma_wait3A_332 : memref<64x128xf32, #tpu.memory_space<vmem>>) dst(%dma_wait3A_338 : memref<10112x128xf32, #tpu.memory_space<vmem_shared>>)
          tpu.yield
        }) : () -> ()
      } else {
      }
      %add3A_179 = arith.constant 4 : i32
      %add3A_180 = arith.addi %add3A_169, %add3A_179 : i32
      %lt3A_181 = arith.cmpi slt, %add3A_180, %select_n3A : i32
      %convert_element_type3A_182 = arith.extui %lt3A_181 : i1 to i32
      %cond3A_183 = arith.constant 0 : i32
      %cond3A_184 = arith.cmpi ne, %convert_element_type3A_182, %cond3A_183 : i32
      scf.if %cond3A_184 {
        %add3A_304 = arith.addi %select_n3A_8, %add3A_169 : i32
        %add3A_305 = arith.constant 4 : i32
        %add3A_306 = arith.addi %add3A_304, %add3A_305 : i32
        %dma_start3A_307 = arith.constant 6 : i32
        %dma_start3A_308 = arith.constant 0 : i32
        %dma_start3A_309 = arith.constant 0 : i32
        %dma_start3A_310 = tpu.memref_slice %arg7[%dma_start3A_307, %dma_start3A_308, %dma_start3A_309] : memref<8x2x64xi32, #tpu.memory_space<vmem>> -> memref<1x2x64xi32, #tpu.memory_space<vmem>>
        %dma_start3A_311 = tpu.memref_squeeze %dma_start3A_310 : memref<1x2x64xi32, #tpu.memory_space<vmem>> -> memref<2x64xi32, #tpu.memory_space<vmem>>
        %dma_start3A_312 = arith.constant 0 : i32
        %dma_start3A_313 = arith.constant 0 : i32
        %dma_start3A_314 = tpu.memref_slice %arg3[%add3A_306, %dma_start3A_312, %dma_start3A_313] : memref<5120x2x64xi32, #tpu.memory_space<hbm>> -> memref<1x2x64xi32, #tpu.memory_space<hbm>>
        %dma_start3A_315 = tpu.memref_squeeze %dma_start3A_314 : memref<1x2x64xi32, #tpu.memory_space<hbm>> -> memref<2x64xi32, #tpu.memory_space<hbm>>
        %dma_start3A_316 = arith.constant 0 : i32
        %dma_start3A_317 = arith.constant 0 : i32
        %dma_start3A_318 = tpu.memref_slice %arg7[%dma_start3A_307, %dma_start3A_316, %dma_start3A_317] : memref<8x2x64xi32, #tpu.memory_space<vmem>> -> memref<1x2x64xi32, #tpu.memory_space<vmem>>
        %dma_start3A_319 = tpu.memref_squeeze %dma_start3A_318 : memref<1x2x64xi32, #tpu.memory_space<vmem>> -> memref<2x64xi32, #tpu.memory_space<vmem>>
        %dma_start3A_320 = arith.constant 0 : i32
        %dma_start3A_321 = arith.constant 0 : i32
        %dma_start3A_322 = tpu.memref_slice %arg3[%add3A_306, %dma_start3A_320, %dma_start3A_321] : memref<5120x2x64xi32, #tpu.memory_space<hbm>> -> memref<1x2x64xi32, #tpu.memory_space<hbm>>
        %dma_start3A_323 = tpu.memref_squeeze %dma_start3A_322 : memref<1x2x64xi32, #tpu.memory_space<hbm>> -> memref<2x64xi32, #tpu.memory_space<hbm>>
        tpu.enqueue_dma source(%dma_start3A_323 : memref<2x64xi32, #tpu.memory_space<hbm>>) target(%dma_start3A_319 : memref<2x64xi32, #tpu.memory_space<vmem>>) target_semaphore(%arg19 : memref<!tpu.dma_semaphore, #tpu.memory_space<semaphore_mem>>)
      } else {
      }
      %lt3A_185 = arith.cmpi slt, %add3A_169, %select_n3A : i32
      %convert_element_type3A_186 = arith.extui %lt3A_185 : i1 to i32
      %cond3A_187 = arith.constant 0 : i32
      %cond3A_188 = arith.cmpi ne, %convert_element_type3A_186, %cond3A_187 : i32
      scf.if %cond3A_188 {
        %dma_wait3A = arith.constant 2 : i32
        %dma_wait3A_304 = arith.constant 0 : i32
        %dma_wait3A_305 = arith.constant 0 : i32
        %dma_wait3A_306 = tpu.memref_slice %arg7[%dma_wait3A, %dma_wait3A_304, %dma_wait3A_305] : memref<8x2x64xi32, #tpu.memory_space<vmem>> -> memref<1x2x64xi32, #tpu.memory_space<vmem>>
        %dma_wait3A_307 = tpu.memref_squeeze %dma_wait3A_306 : memref<1x2x64xi32, #tpu.memory_space<vmem>> -> memref<2x64xi32, #tpu.memory_space<vmem>>
        %dma_wait3A_308 = arith.constant 0 : i32
        %dma_wait3A_309 = arith.constant 0 : i32
        %dma_wait3A_310 = tpu.memref_slice %arg3[%select_n3A_8, %dma_wait3A_308, %dma_wait3A_309] : memref<5120x2x64xi32, #tpu.memory_space<hbm>> -> memref<1x2x64xi32, #tpu.memory_space<hbm>>
        %dma_wait3A_311 = tpu.memref_squeeze %dma_wait3A_310 : memref<1x2x64xi32, #tpu.memory_space<hbm>> -> memref<2x64xi32, #tpu.memory_space<hbm>>
        %dma_wait3A_312 = arith.constant 0 : i32
        %dma_wait3A_313 = arith.constant 0 : i32
        %dma_wait3A_314 = tpu.memref_slice %arg7[%dma_wait3A, %dma_wait3A_312, %dma_wait3A_313] : memref<8x2x64xi32, #tpu.memory_space<vmem>> -> memref<1x2x64xi32, #tpu.memory_space<vmem>>
        %dma_wait3A_315 = tpu.memref_squeeze %dma_wait3A_314 : memref<1x2x64xi32, #tpu.memory_space<vmem>> -> memref<2x64xi32, #tpu.memory_space<vmem>>
        %dma_wait3A_316 = arith.constant 0 : i32
        %dma_wait3A_317 = arith.constant 0 : i32
        %dma_wait3A_318 = tpu.memref_slice %arg3[%select_n3A_8, %dma_wait3A_316, %dma_wait3A_317] : memref<5120x2x64xi32, #tpu.memory_space<hbm>> -> memref<1x2x64xi32, #tpu.memory_space<hbm>>
        %dma_wait3A_319 = tpu.memref_squeeze %dma_wait3A_318 : memref<1x2x64xi32, #tpu.memory_space<hbm>> -> memref<2x64xi32, #tpu.memory_space<hbm>>
        tpu.wait_dma2 semaphore(%arg15 : memref<!tpu.dma_semaphore, #tpu.memory_space<semaphore_mem>>) src(%dma_wait3A_319 : memref<2x64xi32, #tpu.memory_space<hbm>>) dst(%dma_wait3A_315 : memref<2x64xi32, #tpu.memory_space<vmem>>)
        %dma_start3A_320 = arith.constant 2 : i32
        %dma_start3A_321 = arith.constant 0 : i32
        %dma_start3A_322 = arith.constant 2 : i32
        %dma_start3A_323 = arith.constant 0 : i32
        %dma_start3A_324 = arith.constant 0 : i32
        %dma_start3A_325 = tpu.memref_slice %arg8[%dma_start3A_322, %dma_start3A_323, %dma_start3A_324] : memref<4x64x128xf32, #tpu.memory_space<vmem>> -> memref<1x64x128xf32, #tpu.memory_space<vmem>>
        %dma_start3A_326 = tpu.memref_squeeze %dma_start3A_325 : memref<1x64x128xf32, #tpu.memory_space<vmem>> -> memref<64x128xf32, #tpu.memory_space<vmem>>
        %dma_start3A_327 = arith.constant 0 : i32
        %dma_start3A_328 = tpu.memref_slice %arg7[%dma_start3A_320, %dma_start3A_321, %dma_start3A_327] : memref<8x2x64xi32, #tpu.memory_space<vmem>> -> memref<1x1x64xi32, #tpu.memory_space<vmem>>
        %dma_start3A_329 = tpu.memref_squeeze %dma_start3A_328 : memref<1x1x64xi32, #tpu.memory_space<vmem>> -> memref<64xi32, #tpu.memory_space<vmem>>
        %dma_start3A_330 = arith.constant 0 : i32
        %dma_start3A_331 = arith.constant 0 : i32
        %dma_start3A_332 = tpu.memref_slice %arg2[%dma_start3A_330, %dma_start3A_331] : memref<10000x128xf32, #tpu.memory_space<hbm>> -> memref<10000x128xf32, #tpu.memory_space<hbm>>
        tpu.enqueue_indirect_dma source(%dma_start3A_332 : memref<10000x128xf32, #tpu.memory_space<hbm>>) target(%dma_start3A_326 : memref<64x128xf32, #tpu.memory_space<vmem>>) offsets(%dma_start3A_329 : memref<64xi32, #tpu.memory_space<vmem>>) semaphore(%arg11 : memref<!tpu.dma_semaphore, #tpu.memory_space<semaphore_mem>>)
      } else {
      }
      %mul3A_189 = arith.constant 8 : i32
      %mul3A_190 = arith.muli %while3A_123, %mul3A_189 : i32
      %add3A_191 = arith.constant 3 : i32
      %add3A_192 = arith.addi %mul3A_190, %add3A_191 : i32
      %ge3A_193 = arith.constant 4 : i32
      %ge3A_194 = arith.cmpi sge, %add3A_192, %ge3A_193 : i32
      %add3A_195 = arith.constant 4 : i32
      %add3A_196 = arith.addi %select_n3A, %add3A_195 : i32
      %lt3A_197 = arith.cmpi slt, %add3A_192, %add3A_196 : i32
      %and3A_198 = arith.andi %ge3A_194, %lt3A_197 : i1
      %convert_element_type3A_199 = arith.extui %and3A_198 : i1 to i32
      %cond3A_200 = arith.constant 0 : i32
      %cond3A_201 = arith.cmpi ne, %convert_element_type3A_199, %cond3A_200 : i32
      scf.if %cond3A_201 {
        %dma_wait3A = arith.constant 7 : i32
        %dma_wait3A_304 = arith.constant 0 : i32
        %dma_wait3A_305 = arith.constant 3 : i32
        %dma_wait3A_306 = arith.constant 0 : i32
        %dma_wait3A_307 = arith.constant 0 : i32
        %dma_wait3A_308 = tpu.memref_slice %arg8[%dma_wait3A_305, %dma_wait3A_306, %dma_wait3A_307] : memref<4x64x128xf32, #tpu.memory_space<vmem>> -> memref<1x64x128xf32, #tpu.memory_space<vmem>>
        %dma_wait3A_309 = tpu.memref_squeeze %dma_wait3A_308 : memref<1x64x128xf32, #tpu.memory_space<vmem>> -> memref<64x128xf32, #tpu.memory_space<vmem>>
        %dma_wait3A_310 = arith.constant 0 : i32
        %dma_wait3A_311 = tpu.memref_slice %arg7[%dma_wait3A, %dma_wait3A_304, %dma_wait3A_310] : memref<8x2x64xi32, #tpu.memory_space<vmem>> -> memref<1x1x64xi32, #tpu.memory_space<vmem>>
        %dma_wait3A_312 = tpu.memref_squeeze %dma_wait3A_311 : memref<1x1x64xi32, #tpu.memory_space<vmem>> -> memref<64xi32, #tpu.memory_space<vmem>>
        %dma_wait3A_313 = arith.constant 0 : i32
        %dma_wait3A_314 = arith.constant 0 : i32
        %dma_wait3A_315 = tpu.memref_slice %arg2[%dma_wait3A_313, %dma_wait3A_314] : memref<10000x128xf32, #tpu.memory_space<hbm>> -> memref<10000x128xf32, #tpu.memory_space<hbm>>
        tpu.wait_indirect_dma semaphore(%arg12 : memref<!tpu.dma_semaphore, #tpu.memory_space<semaphore_mem>>) src(%dma_wait3A_315 : memref<10000x128xf32, #tpu.memory_space<hbm>>) dst(%dma_wait3A_309 : memref<64x128xf32, #tpu.memory_space<vmem>>)
        %run_scoped3A = arith.constant 3 : i32
        %run_scoped3A_316 = arith.constant 7 : i32
        %run_scoped3A_317 = arith.constant 1 : i32
        "tpu.region"() ({
          %run_scoped3A_318 = tpu.sem_alloc : memref<!tpu.dma_semaphore, #tpu.memory_space<semaphore_mem>>
          %dma_start3A_319 = arith.constant 0 : i32
          %dma_start3A_320 = arith.constant 0 : i32
          %dma_start3A_321 = tpu.memref_slice %arg8[%run_scoped3A, %dma_start3A_319, %dma_start3A_320] : memref<4x64x128xf32, #tpu.memory_space<vmem>> -> memref<1x64x128xf32, #tpu.memory_space<vmem>>
          %dma_start3A_322 = tpu.memref_squeeze %dma_start3A_321 : memref<1x64x128xf32, #tpu.memory_space<vmem>> -> memref<64x128xf32, #tpu.memory_space<vmem>>
          %dma_start3A_323 = arith.constant 0 : i32
          %dma_start3A_324 = tpu.memref_slice %arg7[%run_scoped3A_316, %run_scoped3A_317, %dma_start3A_323] : memref<8x2x64xi32, #tpu.memory_space<vmem>> -> memref<1x1x64xi32, #tpu.memory_space<vmem>>
          %dma_start3A_325 = tpu.memref_squeeze %dma_start3A_324 : memref<1x1x64xi32, #tpu.memory_space<vmem>> -> memref<64xi32, #tpu.memory_space<vmem>>
          %dma_start3A_326 = arith.constant 0 : i32
          %dma_start3A_327 = arith.constant 0 : i32
          %dma_start3A_328 = tpu.memref_slice %arg6[%dma_start3A_326, %dma_start3A_327] : memref<10112x128xf32, #tpu.memory_space<vmem_shared>> -> memref<10112x128xf32, #tpu.memory_space<vmem_shared>>
          tpu.enqueue_indirect_dma source(%dma_start3A_322 : memref<64x128xf32, #tpu.memory_space<vmem>>) target(%dma_start3A_328 : memref<10112x128xf32, #tpu.memory_space<vmem_shared>>) offsets(%dma_start3A_325 : memref<64xi32, #tpu.memory_space<vmem>>) semaphore(%run_scoped3A_318 : memref<!tpu.dma_semaphore, #tpu.memory_space<semaphore_mem>>) {add = true}
          %dma_wait3A_329 = arith.constant 0 : i32
          %dma_wait3A_330 = arith.constant 0 : i32
          %dma_wait3A_331 = tpu.memref_slice %arg8[%run_scoped3A, %dma_wait3A_329, %dma_wait3A_330] : memref<4x64x128xf32, #tpu.memory_space<vmem>> -> memref<1x64x128xf32, #tpu.memory_space<vmem>>
          %dma_wait3A_332 = tpu.memref_squeeze %dma_wait3A_331 : memref<1x64x128xf32, #tpu.memory_space<vmem>> -> memref<64x128xf32, #tpu.memory_space<vmem>>
          %dma_wait3A_333 = arith.constant 0 : i32
          %dma_wait3A_334 = tpu.memref_slice %arg7[%run_scoped3A_316, %run_scoped3A_317, %dma_wait3A_333] : memref<8x2x64xi32, #tpu.memory_space<vmem>> -> memref<1x1x64xi32, #tpu.memory_space<vmem>>
          %dma_wait3A_335 = tpu.memref_squeeze %dma_wait3A_334 : memref<1x1x64xi32, #tpu.memory_space<vmem>> -> memref<64xi32, #tpu.memory_space<vmem>>
          %dma_wait3A_336 = arith.constant 0 : i32
          %dma_wait3A_337 = arith.constant 0 : i32
          %dma_wait3A_338 = tpu.memref_slice %arg6[%dma_wait3A_336, %dma_wait3A_337] : memref<10112x128xf32, #tpu.memory_space<vmem_shared>> -> memref<10112x128xf32, #tpu.memory_space<vmem_shared>>
          tpu.wait_indirect_dma semaphore(%run_scoped3A_318 : memref<!tpu.dma_semaphore, #tpu.memory_space<semaphore_mem>>) src(%dma_wait3A_332 : memref<64x128xf32, #tpu.memory_space<vmem>>) dst(%dma_wait3A_338 : memref<10112x128xf32, #tpu.memory_space<vmem_shared>>)
          tpu.yield
        }) : () -> ()
      } else {
      }
      %add3A_202 = arith.constant 4 : i32
      %add3A_203 = arith.addi %add3A_192, %add3A_202 : i32
      %lt3A_204 = arith.cmpi slt, %add3A_203, %select_n3A : i32
      %convert_element_type3A_205 = arith.extui %lt3A_204 : i1 to i32
      %cond3A_206 = arith.constant 0 : i32
      %cond3A_207 = arith.cmpi ne, %convert_element_type3A_205, %cond3A_206 : i32
      scf.if %cond3A_207 {
        %add3A_304 = arith.addi %select_n3A_8, %add3A_192 : i32
        %add3A_305 = arith.constant 4 : i32
        %add3A_306 = arith.addi %add3A_304, %add3A_305 : i32
        %dma_start3A_307 = arith.constant 7 : i32
        %dma_start3A_308 = arith.constant 0 : i32
        %dma_start3A_309 = arith.constant 0 : i32
        %dma_start3A_310 = tpu.memref_slice %arg7[%dma_start3A_307, %dma_start3A_308, %dma_start3A_309] : memref<8x2x64xi32, #tpu.memory_space<vmem>> -> memref<1x2x64xi32, #tpu.memory_space<vmem>>
        %dma_start3A_311 = tpu.memref_squeeze %dma_start3A_310 : memref<1x2x64xi32, #tpu.memory_space<vmem>> -> memref<2x64xi32, #tpu.memory_space<vmem>>
        %dma_start3A_312 = arith.constant 0 : i32
        %dma_start3A_313 = arith.constant 0 : i32
        %dma_start3A_314 = tpu.memref_slice %arg3[%add3A_306, %dma_start3A_312, %dma_start3A_313] : memref<5120x2x64xi32, #tpu.memory_space<hbm>> -> memref<1x2x64xi32, #tpu.memory_space<hbm>>
        %dma_start3A_315 = tpu.memref_squeeze %dma_start3A_314 : memref<1x2x64xi32, #tpu.memory_space<hbm>> -> memref<2x64xi32, #tpu.memory_space<hbm>>
        %dma_start3A_316 = arith.constant 0 : i32
        %dma_start3A_317 = arith.constant 0 : i32
        %dma_start3A_318 = tpu.memref_slice %arg7[%dma_start3A_307, %dma_start3A_316, %dma_start3A_317] : memref<8x2x64xi32, #tpu.memory_space<vmem>> -> memref<1x2x64xi32, #tpu.memory_space<vmem>>
        %dma_start3A_319 = tpu.memref_squeeze %dma_start3A_318 : memref<1x2x64xi32, #tpu.memory_space<vmem>> -> memref<2x64xi32, #tpu.memory_space<vmem>>
        %dma_start3A_320 = arith.constant 0 : i32
        %dma_start3A_321 = arith.constant 0 : i32
        %dma_start3A_322 = tpu.memref_slice %arg3[%add3A_306, %dma_start3A_320, %dma_start3A_321] : memref<5120x2x64xi32, #tpu.memory_space<hbm>> -> memref<1x2x64xi32, #tpu.memory_space<hbm>>
        %dma_start3A_323 = tpu.memref_squeeze %dma_start3A_322 : memref<1x2x64xi32, #tpu.memory_space<hbm>> -> memref<2x64xi32, #tpu.memory_space<hbm>>
        tpu.enqueue_dma source(%dma_start3A_323 : memref<2x64xi32, #tpu.memory_space<hbm>>) target(%dma_start3A_319 : memref<2x64xi32, #tpu.memory_space<vmem>>) target_semaphore(%arg20 : memref<!tpu.dma_semaphore, #tpu.memory_space<semaphore_mem>>)
      } else {
      }
      %lt3A_208 = arith.cmpi slt, %add3A_192, %select_n3A : i32
      %convert_element_type3A_209 = arith.extui %lt3A_208 : i1 to i32
      %cond3A_210 = arith.constant 0 : i32
      %cond3A_211 = arith.cmpi ne, %convert_element_type3A_209, %cond3A_210 : i32
      scf.if %cond3A_211 {
        %dma_wait3A = arith.constant 3 : i32
        %dma_wait3A_304 = arith.constant 0 : i32
        %dma_wait3A_305 = arith.constant 0 : i32
        %dma_wait3A_306 = tpu.memref_slice %arg7[%dma_wait3A, %dma_wait3A_304, %dma_wait3A_305] : memref<8x2x64xi32, #tpu.memory_space<vmem>> -> memref<1x2x64xi32, #tpu.memory_space<vmem>>
        %dma_wait3A_307 = tpu.memref_squeeze %dma_wait3A_306 : memref<1x2x64xi32, #tpu.memory_space<vmem>> -> memref<2x64xi32, #tpu.memory_space<vmem>>
        %dma_wait3A_308 = arith.constant 0 : i32
        %dma_wait3A_309 = arith.constant 0 : i32
        %dma_wait3A_310 = tpu.memref_slice %arg3[%select_n3A_8, %dma_wait3A_308, %dma_wait3A_309] : memref<5120x2x64xi32, #tpu.memory_space<hbm>> -> memref<1x2x64xi32, #tpu.memory_space<hbm>>
        %dma_wait3A_311 = tpu.memref_squeeze %dma_wait3A_310 : memref<1x2x64xi32, #tpu.memory_space<hbm>> -> memref<2x64xi32, #tpu.memory_space<hbm>>
        %dma_wait3A_312 = arith.constant 0 : i32
        %dma_wait3A_313 = arith.constant 0 : i32
        %dma_wait3A_314 = tpu.memref_slice %arg7[%dma_wait3A, %dma_wait3A_312, %dma_wait3A_313] : memref<8x2x64xi32, #tpu.memory_space<vmem>> -> memref<1x2x64xi32, #tpu.memory_space<vmem>>
        %dma_wait3A_315 = tpu.memref_squeeze %dma_wait3A_314 : memref<1x2x64xi32, #tpu.memory_space<vmem>> -> memref<2x64xi32, #tpu.memory_space<vmem>>
        %dma_wait3A_316 = arith.constant 0 : i32
        %dma_wait3A_317 = arith.constant 0 : i32
        %dma_wait3A_318 = tpu.memref_slice %arg3[%select_n3A_8, %dma_wait3A_316, %dma_wait3A_317] : memref<5120x2x64xi32, #tpu.memory_space<hbm>> -> memref<1x2x64xi32, #tpu.memory_space<hbm>>
        %dma_wait3A_319 = tpu.memref_squeeze %dma_wait3A_318 : memref<1x2x64xi32, #tpu.memory_space<hbm>> -> memref<2x64xi32, #tpu.memory_space<hbm>>
        tpu.wait_dma2 semaphore(%arg16 : memref<!tpu.dma_semaphore, #tpu.memory_space<semaphore_mem>>) src(%dma_wait3A_319 : memref<2x64xi32, #tpu.memory_space<hbm>>) dst(%dma_wait3A_315 : memref<2x64xi32, #tpu.memory_space<vmem>>)
        %dma_start3A_320 = arith.constant 3 : i32
        %dma_start3A_321 = arith.constant 0 : i32
        %dma_start3A_322 = arith.constant 3 : i32
        %dma_start3A_323 = arith.constant 0 : i32
        %dma_start3A_324 = arith.constant 0 : i32
        %dma_start3A_325 = tpu.memref_slice %arg8[%dma_start3A_322, %dma_start3A_323, %dma_start3A_324] : memref<4x64x128xf32, #tpu.memory_space<vmem>> -> memref<1x64x128xf32, #tpu.memory_space<vmem>>
        %dma_start3A_326 = tpu.memref_squeeze %dma_start3A_325 : memref<1x64x128xf32, #tpu.memory_space<vmem>> -> memref<64x128xf32, #tpu.memory_space<vmem>>
        %dma_start3A_327 = arith.constant 0 : i32
        %dma_start3A_328 = tpu.memref_slice %arg7[%dma_start3A_320, %dma_start3A_321, %dma_start3A_327] : memref<8x2x64xi32, #tpu.memory_space<vmem>> -> memref<1x1x64xi32, #tpu.memory_space<vmem>>
        %dma_start3A_329 = tpu.memref_squeeze %dma_start3A_328 : memref<1x1x64xi32, #tpu.memory_space<vmem>> -> memref<64xi32, #tpu.memory_space<vmem>>
        %dma_start3A_330 = arith.constant 0 : i32
        %dma_start3A_331 = arith.constant 0 : i32
        %dma_start3A_332 = tpu.memref_slice %arg2[%dma_start3A_330, %dma_start3A_331] : memref<10000x128xf32, #tpu.memory_space<hbm>> -> memref<10000x128xf32, #tpu.memory_space<hbm>>
        tpu.enqueue_indirect_dma source(%dma_start3A_332 : memref<10000x128xf32, #tpu.memory_space<hbm>>) target(%dma_start3A_326 : memref<64x128xf32, #tpu.memory_space<vmem>>) offsets(%dma_start3A_329 : memref<64xi32, #tpu.memory_space<vmem>>) semaphore(%arg12 : memref<!tpu.dma_semaphore, #tpu.memory_space<semaphore_mem>>)
      } else {
      }
      %mul3A_212 = arith.constant 8 : i32
      %mul3A_213 = arith.muli %while3A_123, %mul3A_212 : i32
      %add3A_214 = arith.constant 4 : i32
      %add3A_215 = arith.addi %mul3A_213, %add3A_214 : i32
      %ge3A_216 = arith.constant 4 : i32
      %ge3A_217 = arith.cmpi sge, %add3A_215, %ge3A_216 : i32
      %add3A_218 = arith.constant 4 : i32
      %add3A_219 = arith.addi %select_n3A, %add3A_218 : i32
      %lt3A_220 = arith.cmpi slt, %add3A_215, %add3A_219 : i32
      %and3A_221 = arith.andi %ge3A_217, %lt3A_220 : i1
      %convert_element_type3A_222 = arith.extui %and3A_221 : i1 to i32
      %cond3A_223 = arith.constant 0 : i32
      %cond3A_224 = arith.cmpi ne, %convert_element_type3A_222, %cond3A_223 : i32
      scf.if %cond3A_224 {
        %dma_wait3A = arith.constant 0 : i32
        %dma_wait3A_304 = arith.constant 0 : i32
        %dma_wait3A_305 = arith.constant 0 : i32
        %dma_wait3A_306 = arith.constant 0 : i32
        %dma_wait3A_307 = arith.constant 0 : i32
        %dma_wait3A_308 = tpu.memref_slice %arg8[%dma_wait3A_305, %dma_wait3A_306, %dma_wait3A_307] : memref<4x64x128xf32, #tpu.memory_space<vmem>> -> memref<1x64x128xf32, #tpu.memory_space<vmem>>
        %dma_wait3A_309 = tpu.memref_squeeze %dma_wait3A_308 : memref<1x64x128xf32, #tpu.memory_space<vmem>> -> memref<64x128xf32, #tpu.memory_space<vmem>>
        %dma_wait3A_310 = arith.constant 0 : i32
        %dma_wait3A_311 = tpu.memref_slice %arg7[%dma_wait3A, %dma_wait3A_304, %dma_wait3A_310] : memref<8x2x64xi32, #tpu.memory_space<vmem>> -> memref<1x1x64xi32, #tpu.memory_space<vmem>>
        %dma_wait3A_312 = tpu.memref_squeeze %dma_wait3A_311 : memref<1x1x64xi32, #tpu.memory_space<vmem>> -> memref<64xi32, #tpu.memory_space<vmem>>
        %dma_wait3A_313 = arith.constant 0 : i32
        %dma_wait3A_314 = arith.constant 0 : i32
        %dma_wait3A_315 = tpu.memref_slice %arg2[%dma_wait3A_313, %dma_wait3A_314] : memref<10000x128xf32, #tpu.memory_space<hbm>> -> memref<10000x128xf32, #tpu.memory_space<hbm>>
        tpu.wait_indirect_dma semaphore(%arg9 : memref<!tpu.dma_semaphore, #tpu.memory_space<semaphore_mem>>) src(%dma_wait3A_315 : memref<10000x128xf32, #tpu.memory_space<hbm>>) dst(%dma_wait3A_309 : memref<64x128xf32, #tpu.memory_space<vmem>>)
        %run_scoped3A = arith.constant 0 : i32
        %run_scoped3A_316 = arith.constant 0 : i32
        %run_scoped3A_317 = arith.constant 1 : i32
        "tpu.region"() ({
          %run_scoped3A_318 = tpu.sem_alloc : memref<!tpu.dma_semaphore, #tpu.memory_space<semaphore_mem>>
          %dma_start3A_319 = arith.constant 0 : i32
          %dma_start3A_320 = arith.constant 0 : i32
          %dma_start3A_321 = tpu.memref_slice %arg8[%run_scoped3A, %dma_start3A_319, %dma_start3A_320] : memref<4x64x128xf32, #tpu.memory_space<vmem>> -> memref<1x64x128xf32, #tpu.memory_space<vmem>>
          %dma_start3A_322 = tpu.memref_squeeze %dma_start3A_321 : memref<1x64x128xf32, #tpu.memory_space<vmem>> -> memref<64x128xf32, #tpu.memory_space<vmem>>
          %dma_start3A_323 = arith.constant 0 : i32
          %dma_start3A_324 = tpu.memref_slice %arg7[%run_scoped3A_316, %run_scoped3A_317, %dma_start3A_323] : memref<8x2x64xi32, #tpu.memory_space<vmem>> -> memref<1x1x64xi32, #tpu.memory_space<vmem>>
          %dma_start3A_325 = tpu.memref_squeeze %dma_start3A_324 : memref<1x1x64xi32, #tpu.memory_space<vmem>> -> memref<64xi32, #tpu.memory_space<vmem>>
          %dma_start3A_326 = arith.constant 0 : i32
          %dma_start3A_327 = arith.constant 0 : i32
          %dma_start3A_328 = tpu.memref_slice %arg6[%dma_start3A_326, %dma_start3A_327] : memref<10112x128xf32, #tpu.memory_space<vmem_shared>> -> memref<10112x128xf32, #tpu.memory_space<vmem_shared>>
          tpu.enqueue_indirect_dma source(%dma_start3A_322 : memref<64x128xf32, #tpu.memory_space<vmem>>) target(%dma_start3A_328 : memref<10112x128xf32, #tpu.memory_space<vmem_shared>>) offsets(%dma_start3A_325 : memref<64xi32, #tpu.memory_space<vmem>>) semaphore(%run_scoped3A_318 : memref<!tpu.dma_semaphore, #tpu.memory_space<semaphore_mem>>) {add = true}
          %dma_wait3A_329 = arith.constant 0 : i32
          %dma_wait3A_330 = arith.constant 0 : i32
          %dma_wait3A_331 = tpu.memref_slice %arg8[%run_scoped3A, %dma_wait3A_329, %dma_wait3A_330] : memref<4x64x128xf32, #tpu.memory_space<vmem>> -> memref<1x64x128xf32, #tpu.memory_space<vmem>>
          %dma_wait3A_332 = tpu.memref_squeeze %dma_wait3A_331 : memref<1x64x128xf32, #tpu.memory_space<vmem>> -> memref<64x128xf32, #tpu.memory_space<vmem>>
          %dma_wait3A_333 = arith.constant 0 : i32
          %dma_wait3A_334 = tpu.memref_slice %arg7[%run_scoped3A_316, %run_scoped3A_317, %dma_wait3A_333] : memref<8x2x64xi32, #tpu.memory_space<vmem>> -> memref<1x1x64xi32, #tpu.memory_space<vmem>>
          %dma_wait3A_335 = tpu.memref_squeeze %dma_wait3A_334 : memref<1x1x64xi32, #tpu.memory_space<vmem>> -> memref<64xi32, #tpu.memory_space<vmem>>
          %dma_wait3A_336 = arith.constant 0 : i32
          %dma_wait3A_337 = arith.constant 0 : i32
          %dma_wait3A_338 = tpu.memref_slice %arg6[%dma_wait3A_336, %dma_wait3A_337] : memref<10112x128xf32, #tpu.memory_space<vmem_shared>> -> memref<10112x128xf32, #tpu.memory_space<vmem_shared>>
          tpu.wait_indirect_dma semaphore(%run_scoped3A_318 : memref<!tpu.dma_semaphore, #tpu.memory_space<semaphore_mem>>) src(%dma_wait3A_332 : memref<64x128xf32, #tpu.memory_space<vmem>>) dst(%dma_wait3A_338 : memref<10112x128xf32, #tpu.memory_space<vmem_shared>>)
          tpu.yield
        }) : () -> ()
      } else {
      }
      %add3A_225 = arith.constant 4 : i32
      %add3A_226 = arith.addi %add3A_215, %add3A_225 : i32
      %lt3A_227 = arith.cmpi slt, %add3A_226, %select_n3A : i32
      %convert_element_type3A_228 = arith.extui %lt3A_227 : i1 to i32
      %cond3A_229 = arith.constant 0 : i32
      %cond3A_230 = arith.cmpi ne, %convert_element_type3A_228, %cond3A_229 : i32
      scf.if %cond3A_230 {
        %add3A_304 = arith.addi %select_n3A_8, %add3A_215 : i32
        %add3A_305 = arith.constant 4 : i32
        %add3A_306 = arith.addi %add3A_304, %add3A_305 : i32
        %dma_start3A_307 = arith.constant 0 : i32
        %dma_start3A_308 = arith.constant 0 : i32
        %dma_start3A_309 = arith.constant 0 : i32
        %dma_start3A_310 = tpu.memref_slice %arg7[%dma_start3A_307, %dma_start3A_308, %dma_start3A_309] : memref<8x2x64xi32, #tpu.memory_space<vmem>> -> memref<1x2x64xi32, #tpu.memory_space<vmem>>
        %dma_start3A_311 = tpu.memref_squeeze %dma_start3A_310 : memref<1x2x64xi32, #tpu.memory_space<vmem>> -> memref<2x64xi32, #tpu.memory_space<vmem>>
        %dma_start3A_312 = arith.constant 0 : i32
        %dma_start3A_313 = arith.constant 0 : i32
        %dma_start3A_314 = tpu.memref_slice %arg3[%add3A_306, %dma_start3A_312, %dma_start3A_313] : memref<5120x2x64xi32, #tpu.memory_space<hbm>> -> memref<1x2x64xi32, #tpu.memory_space<hbm>>
        %dma_start3A_315 = tpu.memref_squeeze %dma_start3A_314 : memref<1x2x64xi32, #tpu.memory_space<hbm>> -> memref<2x64xi32, #tpu.memory_space<hbm>>
        %dma_start3A_316 = arith.constant 0 : i32
        %dma_start3A_317 = arith.constant 0 : i32
        %dma_start3A_318 = tpu.memref_slice %arg7[%dma_start3A_307, %dma_start3A_316, %dma_start3A_317] : memref<8x2x64xi32, #tpu.memory_space<vmem>> -> memref<1x2x64xi32, #tpu.memory_space<vmem>>
        %dma_start3A_319 = tpu.memref_squeeze %dma_start3A_318 : memref<1x2x64xi32, #tpu.memory_space<vmem>> -> memref<2x64xi32, #tpu.memory_space<vmem>>
        %dma_start3A_320 = arith.constant 0 : i32
        %dma_start3A_321 = arith.constant 0 : i32
        %dma_start3A_322 = tpu.memref_slice %arg3[%add3A_306, %dma_start3A_320, %dma_start3A_321] : memref<5120x2x64xi32, #tpu.memory_space<hbm>> -> memref<1x2x64xi32, #tpu.memory_space<hbm>>
        %dma_start3A_323 = tpu.memref_squeeze %dma_start3A_322 : memref<1x2x64xi32, #tpu.memory_space<hbm>> -> memref<2x64xi32, #tpu.memory_space<hbm>>
        tpu.enqueue_dma source(%dma_start3A_323 : memref<2x64xi32, #tpu.memory_space<hbm>>) target(%dma_start3A_319 : memref<2x64xi32, #tpu.memory_space<vmem>>) target_semaphore(%arg13 : memref<!tpu.dma_semaphore, #tpu.memory_space<semaphore_mem>>)
      } else {
      }
      %lt3A_231 = arith.cmpi slt, %add3A_215, %select_n3A : i32
      %convert_element_type3A_232 = arith.extui %lt3A_231 : i1 to i32
      %cond3A_233 = arith.constant 0 : i32
      %cond3A_234 = arith.cmpi ne, %convert_element_type3A_232, %cond3A_233 : i32
      scf.if %cond3A_234 {
        %dma_wait3A = arith.constant 4 : i32
        %dma_wait3A_304 = arith.constant 0 : i32
        %dma_wait3A_305 = arith.constant 0 : i32
        %dma_wait3A_306 = tpu.memref_slice %arg7[%dma_wait3A, %dma_wait3A_304, %dma_wait3A_305] : memref<8x2x64xi32, #tpu.memory_space<vmem>> -> memref<1x2x64xi32, #tpu.memory_space<vmem>>
        %dma_wait3A_307 = tpu.memref_squeeze %dma_wait3A_306 : memref<1x2x64xi32, #tpu.memory_space<vmem>> -> memref<2x64xi32, #tpu.memory_space<vmem>>
        %dma_wait3A_308 = arith.constant 0 : i32
        %dma_wait3A_309 = arith.constant 0 : i32
        %dma_wait3A_310 = tpu.memref_slice %arg3[%select_n3A_8, %dma_wait3A_308, %dma_wait3A_309] : memref<5120x2x64xi32, #tpu.memory_space<hbm>> -> memref<1x2x64xi32, #tpu.memory_space<hbm>>
        %dma_wait3A_311 = tpu.memref_squeeze %dma_wait3A_310 : memref<1x2x64xi32, #tpu.memory_space<hbm>> -> memref<2x64xi32, #tpu.memory_space<hbm>>
        %dma_wait3A_312 = arith.constant 0 : i32
        %dma_wait3A_313 = arith.constant 0 : i32
        %dma_wait3A_314 = tpu.memref_slice %arg7[%dma_wait3A, %dma_wait3A_312, %dma_wait3A_313] : memref<8x2x64xi32, #tpu.memory_space<vmem>> -> memref<1x2x64xi32, #tpu.memory_space<vmem>>
        %dma_wait3A_315 = tpu.memref_squeeze %dma_wait3A_314 : memref<1x2x64xi32, #tpu.memory_space<vmem>> -> memref<2x64xi32, #tpu.memory_space<vmem>>
        %dma_wait3A_316 = arith.constant 0 : i32
        %dma_wait3A_317 = arith.constant 0 : i32
        %dma_wait3A_318 = tpu.memref_slice %arg3[%select_n3A_8, %dma_wait3A_316, %dma_wait3A_317] : memref<5120x2x64xi32, #tpu.memory_space<hbm>> -> memref<1x2x64xi32, #tpu.memory_space<hbm>>
        %dma_wait3A_319 = tpu.memref_squeeze %dma_wait3A_318 : memref<1x2x64xi32, #tpu.memory_space<hbm>> -> memref<2x64xi32, #tpu.memory_space<hbm>>
        tpu.wait_dma2 semaphore(%arg17 : memref<!tpu.dma_semaphore, #tpu.memory_space<semaphore_mem>>) src(%dma_wait3A_319 : memref<2x64xi32, #tpu.memory_space<hbm>>) dst(%dma_wait3A_315 : memref<2x64xi32, #tpu.memory_space<vmem>>)
        %dma_start3A_320 = arith.constant 4 : i32
        %dma_start3A_321 = arith.constant 0 : i32
        %dma_start3A_322 = arith.constant 0 : i32
        %dma_start3A_323 = arith.constant 0 : i32
        %dma_start3A_324 = arith.constant 0 : i32
        %dma_start3A_325 = tpu.memref_slice %arg8[%dma_start3A_322, %dma_start3A_323, %dma_start3A_324] : memref<4x64x128xf32, #tpu.memory_space<vmem>> -> memref<1x64x128xf32, #tpu.memory_space<vmem>>
        %dma_start3A_326 = tpu.memref_squeeze %dma_start3A_325 : memref<1x64x128xf32, #tpu.memory_space<vmem>> -> memref<64x128xf32, #tpu.memory_space<vmem>>
        %dma_start3A_327 = arith.constant 0 : i32
        %dma_start3A_328 = tpu.memref_slice %arg7[%dma_start3A_320, %dma_start3A_321, %dma_start3A_327] : memref<8x2x64xi32, #tpu.memory_space<vmem>> -> memref<1x1x64xi32, #tpu.memory_space<vmem>>
        %dma_start3A_329 = tpu.memref_squeeze %dma_start3A_328 : memref<1x1x64xi32, #tpu.memory_space<vmem>> -> memref<64xi32, #tpu.memory_space<vmem>>
        %dma_start3A_330 = arith.constant 0 : i32
        %dma_start3A_331 = arith.constant 0 : i32
        %dma_start3A_332 = tpu.memref_slice %arg2[%dma_start3A_330, %dma_start3A_331] : memref<10000x128xf32, #tpu.memory_space<hbm>> -> memref<10000x128xf32, #tpu.memory_space<hbm>>
        tpu.enqueue_indirect_dma source(%dma_start3A_332 : memref<10000x128xf32, #tpu.memory_space<hbm>>) target(%dma_start3A_326 : memref<64x128xf32, #tpu.memory_space<vmem>>) offsets(%dma_start3A_329 : memref<64xi32, #tpu.memory_space<vmem>>) semaphore(%arg9 : memref<!tpu.dma_semaphore, #tpu.memory_space<semaphore_mem>>)
      } else {
      }
      %mul3A_235 = arith.constant 8 : i32
      %mul3A_236 = arith.muli %while3A_123, %mul3A_235 : i32
      %add3A_237 = arith.constant 5 : i32
      %add3A_238 = arith.addi %mul3A_236, %add3A_237 : i32
      %ge3A_239 = arith.constant 4 : i32
      %ge3A_240 = arith.cmpi sge, %add3A_238, %ge3A_239 : i32
      %add3A_241 = arith.constant 4 : i32
      %add3A_242 = arith.addi %select_n3A, %add3A_241 : i32
      %lt3A_243 = arith.cmpi slt, %add3A_238, %add3A_242 : i32
      %and3A_244 = arith.andi %ge3A_240, %lt3A_243 : i1
      %convert_element_type3A_245 = arith.extui %and3A_244 : i1 to i32
      %cond3A_246 = arith.constant 0 : i32
      %cond3A_247 = arith.cmpi ne, %convert_element_type3A_245, %cond3A_246 : i32
      scf.if %cond3A_247 {
        %dma_wait3A = arith.constant 1 : i32
        %dma_wait3A_304 = arith.constant 0 : i32
        %dma_wait3A_305 = arith.constant 1 : i32
        %dma_wait3A_306 = arith.constant 0 : i32
        %dma_wait3A_307 = arith.constant 0 : i32
        %dma_wait3A_308 = tpu.memref_slice %arg8[%dma_wait3A_305, %dma_wait3A_306, %dma_wait3A_307] : memref<4x64x128xf32, #tpu.memory_space<vmem>> -> memref<1x64x128xf32, #tpu.memory_space<vmem>>
        %dma_wait3A_309 = tpu.memref_squeeze %dma_wait3A_308 : memref<1x64x128xf32, #tpu.memory_space<vmem>> -> memref<64x128xf32, #tpu.memory_space<vmem>>
        %dma_wait3A_310 = arith.constant 0 : i32
        %dma_wait3A_311 = tpu.memref_slice %arg7[%dma_wait3A, %dma_wait3A_304, %dma_wait3A_310] : memref<8x2x64xi32, #tpu.memory_space<vmem>> -> memref<1x1x64xi32, #tpu.memory_space<vmem>>
        %dma_wait3A_312 = tpu.memref_squeeze %dma_wait3A_311 : memref<1x1x64xi32, #tpu.memory_space<vmem>> -> memref<64xi32, #tpu.memory_space<vmem>>
        %dma_wait3A_313 = arith.constant 0 : i32
        %dma_wait3A_314 = arith.constant 0 : i32
        %dma_wait3A_315 = tpu.memref_slice %arg2[%dma_wait3A_313, %dma_wait3A_314] : memref<10000x128xf32, #tpu.memory_space<hbm>> -> memref<10000x128xf32, #tpu.memory_space<hbm>>
        tpu.wait_indirect_dma semaphore(%arg10 : memref<!tpu.dma_semaphore, #tpu.memory_space<semaphore_mem>>) src(%dma_wait3A_315 : memref<10000x128xf32, #tpu.memory_space<hbm>>) dst(%dma_wait3A_309 : memref<64x128xf32, #tpu.memory_space<vmem>>)
        %run_scoped3A = arith.constant 1 : i32
        %run_scoped3A_316 = arith.constant 1 : i32
        %run_scoped3A_317 = arith.constant 1 : i32
        "tpu.region"() ({
          %run_scoped3A_318 = tpu.sem_alloc : memref<!tpu.dma_semaphore, #tpu.memory_space<semaphore_mem>>
          %dma_start3A_319 = arith.constant 0 : i32
          %dma_start3A_320 = arith.constant 0 : i32
          %dma_start3A_321 = tpu.memref_slice %arg8[%run_scoped3A, %dma_start3A_319, %dma_start3A_320] : memref<4x64x128xf32, #tpu.memory_space<vmem>> -> memref<1x64x128xf32, #tpu.memory_space<vmem>>
          %dma_start3A_322 = tpu.memref_squeeze %dma_start3A_321 : memref<1x64x128xf32, #tpu.memory_space<vmem>> -> memref<64x128xf32, #tpu.memory_space<vmem>>
          %dma_start3A_323 = arith.constant 0 : i32
          %dma_start3A_324 = tpu.memref_slice %arg7[%run_scoped3A_316, %run_scoped3A_317, %dma_start3A_323] : memref<8x2x64xi32, #tpu.memory_space<vmem>> -> memref<1x1x64xi32, #tpu.memory_space<vmem>>
          %dma_start3A_325 = tpu.memref_squeeze %dma_start3A_324 : memref<1x1x64xi32, #tpu.memory_space<vmem>> -> memref<64xi32, #tpu.memory_space<vmem>>
          %dma_start3A_326 = arith.constant 0 : i32
          %dma_start3A_327 = arith.constant 0 : i32
          %dma_start3A_328 = tpu.memref_slice %arg6[%dma_start3A_326, %dma_start3A_327] : memref<10112x128xf32, #tpu.memory_space<vmem_shared>> -> memref<10112x128xf32, #tpu.memory_space<vmem_shared>>
          tpu.enqueue_indirect_dma source(%dma_start3A_322 : memref<64x128xf32, #tpu.memory_space<vmem>>) target(%dma_start3A_328 : memref<10112x128xf32, #tpu.memory_space<vmem_shared>>) offsets(%dma_start3A_325 : memref<64xi32, #tpu.memory_space<vmem>>) semaphore(%run_scoped3A_318 : memref<!tpu.dma_semaphore, #tpu.memory_space<semaphore_mem>>) {add = true}
          %dma_wait3A_329 = arith.constant 0 : i32
          %dma_wait3A_330 = arith.constant 0 : i32
          %dma_wait3A_331 = tpu.memref_slice %arg8[%run_scoped3A, %dma_wait3A_329, %dma_wait3A_330] : memref<4x64x128xf32, #tpu.memory_space<vmem>> -> memref<1x64x128xf32, #tpu.memory_space<vmem>>
          %dma_wait3A_332 = tpu.memref_squeeze %dma_wait3A_331 : memref<1x64x128xf32, #tpu.memory_space<vmem>> -> memref<64x128xf32, #tpu.memory_space<vmem>>
          %dma_wait3A_333 = arith.constant 0 : i32
          %dma_wait3A_334 = tpu.memref_slice %arg7[%run_scoped3A_316, %run_scoped3A_317, %dma_wait3A_333] : memref<8x2x64xi32, #tpu.memory_space<vmem>> -> memref<1x1x64xi32, #tpu.memory_space<vmem>>
          %dma_wait3A_335 = tpu.memref_squeeze %dma_wait3A_334 : memref<1x1x64xi32, #tpu.memory_space<vmem>> -> memref<64xi32, #tpu.memory_space<vmem>>
          %dma_wait3A_336 = arith.constant 0 : i32
          %dma_wait3A_337 = arith.constant 0 : i32
          %dma_wait3A_338 = tpu.memref_slice %arg6[%dma_wait3A_336, %dma_wait3A_337] : memref<10112x128xf32, #tpu.memory_space<vmem_shared>> -> memref<10112x128xf32, #tpu.memory_space<vmem_shared>>
          tpu.wait_indirect_dma semaphore(%run_scoped3A_318 : memref<!tpu.dma_semaphore, #tpu.memory_space<semaphore_mem>>) src(%dma_wait3A_332 : memref<64x128xf32, #tpu.memory_space<vmem>>) dst(%dma_wait3A_338 : memref<10112x128xf32, #tpu.memory_space<vmem_shared>>)
          tpu.yield
        }) : () -> ()
      } else {
      }
      %add3A_248 = arith.constant 4 : i32
      %add3A_249 = arith.addi %add3A_238, %add3A_248 : i32
      %lt3A_250 = arith.cmpi slt, %add3A_249, %select_n3A : i32
      %convert_element_type3A_251 = arith.extui %lt3A_250 : i1 to i32
      %cond3A_252 = arith.constant 0 : i32
      %cond3A_253 = arith.cmpi ne, %convert_element_type3A_251, %cond3A_252 : i32
      scf.if %cond3A_253 {
        %add3A_304 = arith.addi %select_n3A_8, %add3A_238 : i32
        %add3A_305 = arith.constant 4 : i32
        %add3A_306 = arith.addi %add3A_304, %add3A_305 : i32
        %dma_start3A_307 = arith.constant 1 : i32
        %dma_start3A_308 = arith.constant 0 : i32
        %dma_start3A_309 = arith.constant 0 : i32
        %dma_start3A_310 = tpu.memref_slice %arg7[%dma_start3A_307, %dma_start3A_308, %dma_start3A_309] : memref<8x2x64xi32, #tpu.memory_space<vmem>> -> memref<1x2x64xi32, #tpu.memory_space<vmem>>
        %dma_start3A_311 = tpu.memref_squeeze %dma_start3A_310 : memref<1x2x64xi32, #tpu.memory_space<vmem>> -> memref<2x64xi32, #tpu.memory_space<vmem>>
        %dma_start3A_312 = arith.constant 0 : i32
        %dma_start3A_313 = arith.constant 0 : i32
        %dma_start3A_314 = tpu.memref_slice %arg3[%add3A_306, %dma_start3A_312, %dma_start3A_313] : memref<5120x2x64xi32, #tpu.memory_space<hbm>> -> memref<1x2x64xi32, #tpu.memory_space<hbm>>
        %dma_start3A_315 = tpu.memref_squeeze %dma_start3A_314 : memref<1x2x64xi32, #tpu.memory_space<hbm>> -> memref<2x64xi32, #tpu.memory_space<hbm>>
        %dma_start3A_316 = arith.constant 0 : i32
        %dma_start3A_317 = arith.constant 0 : i32
        %dma_start3A_318 = tpu.memref_slice %arg7[%dma_start3A_307, %dma_start3A_316, %dma_start3A_317] : memref<8x2x64xi32, #tpu.memory_space<vmem>> -> memref<1x2x64xi32, #tpu.memory_space<vmem>>
        %dma_start3A_319 = tpu.memref_squeeze %dma_start3A_318 : memref<1x2x64xi32, #tpu.memory_space<vmem>> -> memref<2x64xi32, #tpu.memory_space<vmem>>
        %dma_start3A_320 = arith.constant 0 : i32
        %dma_start3A_321 = arith.constant 0 : i32
        %dma_start3A_322 = tpu.memref_slice %arg3[%add3A_306, %dma_start3A_320, %dma_start3A_321] : memref<5120x2x64xi32, #tpu.memory_space<hbm>> -> memref<1x2x64xi32, #tpu.memory_space<hbm>>
        %dma_start3A_323 = tpu.memref_squeeze %dma_start3A_322 : memref<1x2x64xi32, #tpu.memory_space<hbm>> -> memref<2x64xi32, #tpu.memory_space<hbm>>
        tpu.enqueue_dma source(%dma_start3A_323 : memref<2x64xi32, #tpu.memory_space<hbm>>) target(%dma_start3A_319 : memref<2x64xi32, #tpu.memory_space<vmem>>) target_semaphore(%arg14 : memref<!tpu.dma_semaphore, #tpu.memory_space<semaphore_mem>>)
      } else {
      }
      %lt3A_254 = arith.cmpi slt, %add3A_238, %select_n3A : i32
      %convert_element_type3A_255 = arith.extui %lt3A_254 : i1 to i32
      %cond3A_256 = arith.constant 0 : i32
      %cond3A_257 = arith.cmpi ne, %convert_element_type3A_255, %cond3A_256 : i32
      scf.if %cond3A_257 {
        %dma_wait3A = arith.constant 5 : i32
        %dma_wait3A_304 = arith.constant 0 : i32
        %dma_wait3A_305 = arith.constant 0 : i32
        %dma_wait3A_306 = tpu.memref_slice %arg7[%dma_wait3A, %dma_wait3A_304, %dma_wait3A_305] : memref<8x2x64xi32, #tpu.memory_space<vmem>> -> memref<1x2x64xi32, #tpu.memory_space<vmem>>
        %dma_wait3A_307 = tpu.memref_squeeze %dma_wait3A_306 : memref<1x2x64xi32, #tpu.memory_space<vmem>> -> memref<2x64xi32, #tpu.memory_space<vmem>>
        %dma_wait3A_308 = arith.constant 0 : i32
        %dma_wait3A_309 = arith.constant 0 : i32
        %dma_wait3A_310 = tpu.memref_slice %arg3[%select_n3A_8, %dma_wait3A_308, %dma_wait3A_309] : memref<5120x2x64xi32, #tpu.memory_space<hbm>> -> memref<1x2x64xi32, #tpu.memory_space<hbm>>
        %dma_wait3A_311 = tpu.memref_squeeze %dma_wait3A_310 : memref<1x2x64xi32, #tpu.memory_space<hbm>> -> memref<2x64xi32, #tpu.memory_space<hbm>>
        %dma_wait3A_312 = arith.constant 0 : i32
        %dma_wait3A_313 = arith.constant 0 : i32
        %dma_wait3A_314 = tpu.memref_slice %arg7[%dma_wait3A, %dma_wait3A_312, %dma_wait3A_313] : memref<8x2x64xi32, #tpu.memory_space<vmem>> -> memref<1x2x64xi32, #tpu.memory_space<vmem>>
        %dma_wait3A_315 = tpu.memref_squeeze %dma_wait3A_314 : memref<1x2x64xi32, #tpu.memory_space<vmem>> -> memref<2x64xi32, #tpu.memory_space<vmem>>
        %dma_wait3A_316 = arith.constant 0 : i32
        %dma_wait3A_317 = arith.constant 0 : i32
        %dma_wait3A_318 = tpu.memref_slice %arg3[%select_n3A_8, %dma_wait3A_316, %dma_wait3A_317] : memref<5120x2x64xi32, #tpu.memory_space<hbm>> -> memref<1x2x64xi32, #tpu.memory_space<hbm>>
        %dma_wait3A_319 = tpu.memref_squeeze %dma_wait3A_318 : memref<1x2x64xi32, #tpu.memory_space<hbm>> -> memref<2x64xi32, #tpu.memory_space<hbm>>
        tpu.wait_dma2 semaphore(%arg18 : memref<!tpu.dma_semaphore, #tpu.memory_space<semaphore_mem>>) src(%dma_wait3A_319 : memref<2x64xi32, #tpu.memory_space<hbm>>) dst(%dma_wait3A_315 : memref<2x64xi32, #tpu.memory_space<vmem>>)
        %dma_start3A_320 = arith.constant 5 : i32
        %dma_start3A_321 = arith.constant 0 : i32
        %dma_start3A_322 = arith.constant 1 : i32
        %dma_start3A_323 = arith.constant 0 : i32
        %dma_start3A_324 = arith.constant 0 : i32
        %dma_start3A_325 = tpu.memref_slice %arg8[%dma_start3A_322, %dma_start3A_323, %dma_start3A_324] : memref<4x64x128xf32, #tpu.memory_space<vmem>> -> memref<1x64x128xf32, #tpu.memory_space<vmem>>
        %dma_start3A_326 = tpu.memref_squeeze %dma_start3A_325 : memref<1x64x128xf32, #tpu.memory_space<vmem>> -> memref<64x128xf32, #tpu.memory_space<vmem>>
        %dma_start3A_327 = arith.constant 0 : i32
        %dma_start3A_328 = tpu.memref_slice %arg7[%dma_start3A_320, %dma_start3A_321, %dma_start3A_327] : memref<8x2x64xi32, #tpu.memory_space<vmem>> -> memref<1x1x64xi32, #tpu.memory_space<vmem>>
        %dma_start3A_329 = tpu.memref_squeeze %dma_start3A_328 : memref<1x1x64xi32, #tpu.memory_space<vmem>> -> memref<64xi32, #tpu.memory_space<vmem>>
        %dma_start3A_330 = arith.constant 0 : i32
        %dma_start3A_331 = arith.constant 0 : i32
        %dma_start3A_332 = tpu.memref_slice %arg2[%dma_start3A_330, %dma_start3A_331] : memref<10000x128xf32, #tpu.memory_space<hbm>> -> memref<10000x128xf32, #tpu.memory_space<hbm>>
        tpu.enqueue_indirect_dma source(%dma_start3A_332 : memref<10000x128xf32, #tpu.memory_space<hbm>>) target(%dma_start3A_326 : memref<64x128xf32, #tpu.memory_space<vmem>>) offsets(%dma_start3A_329 : memref<64xi32, #tpu.memory_space<vmem>>) semaphore(%arg10 : memref<!tpu.dma_semaphore, #tpu.memory_space<semaphore_mem>>)
      } else {
      }
      %mul3A_258 = arith.constant 8 : i32
      %mul3A_259 = arith.muli %while3A_123, %mul3A_258 : i32
      %add3A_260 = arith.constant 6 : i32
      %add3A_261 = arith.addi %mul3A_259, %add3A_260 : i32
      %ge3A_262 = arith.constant 4 : i32
      %ge3A_263 = arith.cmpi sge, %add3A_261, %ge3A_262 : i32
      %add3A_264 = arith.constant 4 : i32
      %add3A_265 = arith.addi %select_n3A, %add3A_264 : i32
      %lt3A_266 = arith.cmpi slt, %add3A_261, %add3A_265 : i32
      %and3A_267 = arith.andi %ge3A_263, %lt3A_266 : i1
      %convert_element_type3A_268 = arith.extui %and3A_267 : i1 to i32
      %cond3A_269 = arith.constant 0 : i32
      %cond3A_270 = arith.cmpi ne, %convert_element_type3A_268, %cond3A_269 : i32
      scf.if %cond3A_270 {
        %dma_wait3A = arith.constant 2 : i32
        %dma_wait3A_304 = arith.constant 0 : i32
        %dma_wait3A_305 = arith.constant 2 : i32
        %dma_wait3A_306 = arith.constant 0 : i32
        %dma_wait3A_307 = arith.constant 0 : i32
        %dma_wait3A_308 = tpu.memref_slice %arg8[%dma_wait3A_305, %dma_wait3A_306, %dma_wait3A_307] : memref<4x64x128xf32, #tpu.memory_space<vmem>> -> memref<1x64x128xf32, #tpu.memory_space<vmem>>
        %dma_wait3A_309 = tpu.memref_squeeze %dma_wait3A_308 : memref<1x64x128xf32, #tpu.memory_space<vmem>> -> memref<64x128xf32, #tpu.memory_space<vmem>>
        %dma_wait3A_310 = arith.constant 0 : i32
        %dma_wait3A_311 = tpu.memref_slice %arg7[%dma_wait3A, %dma_wait3A_304, %dma_wait3A_310] : memref<8x2x64xi32, #tpu.memory_space<vmem>> -> memref<1x1x64xi32, #tpu.memory_space<vmem>>
        %dma_wait3A_312 = tpu.memref_squeeze %dma_wait3A_311 : memref<1x1x64xi32, #tpu.memory_space<vmem>> -> memref<64xi32, #tpu.memory_space<vmem>>
        %dma_wait3A_313 = arith.constant 0 : i32
        %dma_wait3A_314 = arith.constant 0 : i32
        %dma_wait3A_315 = tpu.memref_slice %arg2[%dma_wait3A_313, %dma_wait3A_314] : memref<10000x128xf32, #tpu.memory_space<hbm>> -> memref<10000x128xf32, #tpu.memory_space<hbm>>
        tpu.wait_indirect_dma semaphore(%arg11 : memref<!tpu.dma_semaphore, #tpu.memory_space<semaphore_mem>>) src(%dma_wait3A_315 : memref<10000x128xf32, #tpu.memory_space<hbm>>) dst(%dma_wait3A_309 : memref<64x128xf32, #tpu.memory_space<vmem>>)
        %run_scoped3A = arith.constant 2 : i32
        %run_scoped3A_316 = arith.constant 2 : i32
        %run_scoped3A_317 = arith.constant 1 : i32
        "tpu.region"() ({
          %run_scoped3A_318 = tpu.sem_alloc : memref<!tpu.dma_semaphore, #tpu.memory_space<semaphore_mem>>
          %dma_start3A_319 = arith.constant 0 : i32
          %dma_start3A_320 = arith.constant 0 : i32
          %dma_start3A_321 = tpu.memref_slice %arg8[%run_scoped3A, %dma_start3A_319, %dma_start3A_320] : memref<4x64x128xf32, #tpu.memory_space<vmem>> -> memref<1x64x128xf32, #tpu.memory_space<vmem>>
          %dma_start3A_322 = tpu.memref_squeeze %dma_start3A_321 : memref<1x64x128xf32, #tpu.memory_space<vmem>> -> memref<64x128xf32, #tpu.memory_space<vmem>>
          %dma_start3A_323 = arith.constant 0 : i32
          %dma_start3A_324 = tpu.memref_slice %arg7[%run_scoped3A_316, %run_scoped3A_317, %dma_start3A_323] : memref<8x2x64xi32, #tpu.memory_space<vmem>> -> memref<1x1x64xi32, #tpu.memory_space<vmem>>
          %dma_start3A_325 = tpu.memref_squeeze %dma_start3A_324 : memref<1x1x64xi32, #tpu.memory_space<vmem>> -> memref<64xi32, #tpu.memory_space<vmem>>
          %dma_start3A_326 = arith.constant 0 : i32
          %dma_start3A_327 = arith.constant 0 : i32
          %dma_start3A_328 = tpu.memref_slice %arg6[%dma_start3A_326, %dma_start3A_327] : memref<10112x128xf32, #tpu.memory_space<vmem_shared>> -> memref<10112x128xf32, #tpu.memory_space<vmem_shared>>
          tpu.enqueue_indirect_dma source(%dma_start3A_322 : memref<64x128xf32, #tpu.memory_space<vmem>>) target(%dma_start3A_328 : memref<10112x128xf32, #tpu.memory_space<vmem_shared>>) offsets(%dma_start3A_325 : memref<64xi32, #tpu.memory_space<vmem>>) semaphore(%run_scoped3A_318 : memref<!tpu.dma_semaphore, #tpu.memory_space<semaphore_mem>>) {add = true}
          %dma_wait3A_329 = arith.constant 0 : i32
          %dma_wait3A_330 = arith.constant 0 : i32
          %dma_wait3A_331 = tpu.memref_slice %arg8[%run_scoped3A, %dma_wait3A_329, %dma_wait3A_330] : memref<4x64x128xf32, #tpu.memory_space<vmem>> -> memref<1x64x128xf32, #tpu.memory_space<vmem>>
          %dma_wait3A_332 = tpu.memref_squeeze %dma_wait3A_331 : memref<1x64x128xf32, #tpu.memory_space<vmem>> -> memref<64x128xf32, #tpu.memory_space<vmem>>
          %dma_wait3A_333 = arith.constant 0 : i32
          %dma_wait3A_334 = tpu.memref_slice %arg7[%run_scoped3A_316, %run_scoped3A_317, %dma_wait3A_333] : memref<8x2x64xi32, #tpu.memory_space<vmem>> -> memref<1x1x64xi32, #tpu.memory_space<vmem>>
          %dma_wait3A_335 = tpu.memref_squeeze %dma_wait3A_334 : memref<1x1x64xi32, #tpu.memory_space<vmem>> -> memref<64xi32, #tpu.memory_space<vmem>>
          %dma_wait3A_336 = arith.constant 0 : i32
          %dma_wait3A_337 = arith.constant 0 : i32
          %dma_wait3A_338 = tpu.memref_slice %arg6[%dma_wait3A_336, %dma_wait3A_337] : memref<10112x128xf32, #tpu.memory_space<vmem_shared>> -> memref<10112x128xf32, #tpu.memory_space<vmem_shared>>
          tpu.wait_indirect_dma semaphore(%run_scoped3A_318 : memref<!tpu.dma_semaphore, #tpu.memory_space<semaphore_mem>>) src(%dma_wait3A_332 : memref<64x128xf32, #tpu.memory_space<vmem>>) dst(%dma_wait3A_338 : memref<10112x128xf32, #tpu.memory_space<vmem_shared>>)
          tpu.yield
        }) : () -> ()
      } else {
      }
      %add3A_271 = arith.constant 4 : i32
      %add3A_272 = arith.addi %add3A_261, %add3A_271 : i32
      %lt3A_273 = arith.cmpi slt, %add3A_272, %select_n3A : i32
      %convert_element_type3A_274 = arith.extui %lt3A_273 : i1 to i32
      %cond3A_275 = arith.constant 0 : i32
      %cond3A_276 = arith.cmpi ne, %convert_element_type3A_274, %cond3A_275 : i32
      scf.if %cond3A_276 {
        %add3A_304 = arith.addi %select_n3A_8, %add3A_261 : i32
        %add3A_305 = arith.constant 4 : i32
        %add3A_306 = arith.addi %add3A_304, %add3A_305 : i32
        %dma_start3A_307 = arith.constant 2 : i32
        %dma_start3A_308 = arith.constant 0 : i32
        %dma_start3A_309 = arith.constant 0 : i32
        %dma_start3A_310 = tpu.memref_slice %arg7[%dma_start3A_307, %dma_start3A_308, %dma_start3A_309] : memref<8x2x64xi32, #tpu.memory_space<vmem>> -> memref<1x2x64xi32, #tpu.memory_space<vmem>>
        %dma_start3A_311 = tpu.memref_squeeze %dma_start3A_310 : memref<1x2x64xi32, #tpu.memory_space<vmem>> -> memref<2x64xi32, #tpu.memory_space<vmem>>
        %dma_start3A_312 = arith.constant 0 : i32
        %dma_start3A_313 = arith.constant 0 : i32
        %dma_start3A_314 = tpu.memref_slice %arg3[%add3A_306, %dma_start3A_312, %dma_start3A_313] : memref<5120x2x64xi32, #tpu.memory_space<hbm>> -> memref<1x2x64xi32, #tpu.memory_space<hbm>>
        %dma_start3A_315 = tpu.memref_squeeze %dma_start3A_314 : memref<1x2x64xi32, #tpu.memory_space<hbm>> -> memref<2x64xi32, #tpu.memory_space<hbm>>
        %dma_start3A_316 = arith.constant 0 : i32
        %dma_start3A_317 = arith.constant 0 : i32
        %dma_start3A_318 = tpu.memref_slice %arg7[%dma_start3A_307, %dma_start3A_316, %dma_start3A_317] : memref<8x2x64xi32, #tpu.memory_space<vmem>> -> memref<1x2x64xi32, #tpu.memory_space<vmem>>
        %dma_start3A_319 = tpu.memref_squeeze %dma_start3A_318 : memref<1x2x64xi32, #tpu.memory_space<vmem>> -> memref<2x64xi32, #tpu.memory_space<vmem>>
        %dma_start3A_320 = arith.constant 0 : i32
        %dma_start3A_321 = arith.constant 0 : i32
        %dma_start3A_322 = tpu.memref_slice %arg3[%add3A_306, %dma_start3A_320, %dma_start3A_321] : memref<5120x2x64xi32, #tpu.memory_space<hbm>> -> memref<1x2x64xi32, #tpu.memory_space<hbm>>
        %dma_start3A_323 = tpu.memref_squeeze %dma_start3A_322 : memref<1x2x64xi32, #tpu.memory_space<hbm>> -> memref<2x64xi32, #tpu.memory_space<hbm>>
        tpu.enqueue_dma source(%dma_start3A_323 : memref<2x64xi32, #tpu.memory_space<hbm>>) target(%dma_start3A_319 : memref<2x64xi32, #tpu.memory_space<vmem>>) target_semaphore(%arg15 : memref<!tpu.dma_semaphore, #tpu.memory_space<semaphore_mem>>)
      } else {
      }
      %lt3A_277 = arith.cmpi slt, %add3A_261, %select_n3A : i32
      %convert_element_type3A_278 = arith.extui %lt3A_277 : i1 to i32
      %cond3A_279 = arith.constant 0 : i32
      %cond3A_280 = arith.cmpi ne, %convert_element_type3A_278, %cond3A_279 : i32
      scf.if %cond3A_280 {
        %dma_wait3A = arith.constant 6 : i32
        %dma_wait3A_304 = arith.constant 0 : i32
        %dma_wait3A_305 = arith.constant 0 : i32
        %dma_wait3A_306 = tpu.memref_slice %arg7[%dma_wait3A, %dma_wait3A_304, %dma_wait3A_305] : memref<8x2x64xi32, #tpu.memory_space<vmem>> -> memref<1x2x64xi32, #tpu.memory_space<vmem>>
        %dma_wait3A_307 = tpu.memref_squeeze %dma_wait3A_306 : memref<1x2x64xi32, #tpu.memory_space<vmem>> -> memref<2x64xi32, #tpu.memory_space<vmem>>
        %dma_wait3A_308 = arith.constant 0 : i32
        %dma_wait3A_309 = arith.constant 0 : i32
        %dma_wait3A_310 = tpu.memref_slice %arg3[%select_n3A_8, %dma_wait3A_308, %dma_wait3A_309] : memref<5120x2x64xi32, #tpu.memory_space<hbm>> -> memref<1x2x64xi32, #tpu.memory_space<hbm>>
        %dma_wait3A_311 = tpu.memref_squeeze %dma_wait3A_310 : memref<1x2x64xi32, #tpu.memory_space<hbm>> -> memref<2x64xi32, #tpu.memory_space<hbm>>
        %dma_wait3A_312 = arith.constant 0 : i32
        %dma_wait3A_313 = arith.constant 0 : i32
        %dma_wait3A_314 = tpu.memref_slice %arg7[%dma_wait3A, %dma_wait3A_312, %dma_wait3A_313] : memref<8x2x64xi32, #tpu.memory_space<vmem>> -> memref<1x2x64xi32, #tpu.memory_space<vmem>>
        %dma_wait3A_315 = tpu.memref_squeeze %dma_wait3A_314 : memref<1x2x64xi32, #tpu.memory_space<vmem>> -> memref<2x64xi32, #tpu.memory_space<vmem>>
        %dma_wait3A_316 = arith.constant 0 : i32
        %dma_wait3A_317 = arith.constant 0 : i32
        %dma_wait3A_318 = tpu.memref_slice %arg3[%select_n3A_8, %dma_wait3A_316, %dma_wait3A_317] : memref<5120x2x64xi32, #tpu.memory_space<hbm>> -> memref<1x2x64xi32, #tpu.memory_space<hbm>>
        %dma_wait3A_319 = tpu.memref_squeeze %dma_wait3A_318 : memref<1x2x64xi32, #tpu.memory_space<hbm>> -> memref<2x64xi32, #tpu.memory_space<hbm>>
        tpu.wait_dma2 semaphore(%arg19 : memref<!tpu.dma_semaphore, #tpu.memory_space<semaphore_mem>>) src(%dma_wait3A_319 : memref<2x64xi32, #tpu.memory_space<hbm>>) dst(%dma_wait3A_315 : memref<2x64xi32, #tpu.memory_space<vmem>>)
        %dma_start3A_320 = arith.constant 6 : i32
        %dma_start3A_321 = arith.constant 0 : i32
        %dma_start3A_322 = arith.constant 2 : i32
        %dma_start3A_323 = arith.constant 0 : i32
        %dma_start3A_324 = arith.constant 0 : i32
        %dma_start3A_325 = tpu.memref_slice %arg8[%dma_start3A_322, %dma_start3A_323, %dma_start3A_324] : memref<4x64x128xf32, #tpu.memory_space<vmem>> -> memref<1x64x128xf32, #tpu.memory_space<vmem>>
        %dma_start3A_326 = tpu.memref_squeeze %dma_start3A_325 : memref<1x64x128xf32, #tpu.memory_space<vmem>> -> memref<64x128xf32, #tpu.memory_space<vmem>>
        %dma_start3A_327 = arith.constant 0 : i32
        %dma_start3A_328 = tpu.memref_slice %arg7[%dma_start3A_320, %dma_start3A_321, %dma_start3A_327] : memref<8x2x64xi32, #tpu.memory_space<vmem>> -> memref<1x1x64xi32, #tpu.memory_space<vmem>>
        %dma_start3A_329 = tpu.memref_squeeze %dma_start3A_328 : memref<1x1x64xi32, #tpu.memory_space<vmem>> -> memref<64xi32, #tpu.memory_space<vmem>>
        %dma_start3A_330 = arith.constant 0 : i32
        %dma_start3A_331 = arith.constant 0 : i32
        %dma_start3A_332 = tpu.memref_slice %arg2[%dma_start3A_330, %dma_start3A_331] : memref<10000x128xf32, #tpu.memory_space<hbm>> -> memref<10000x128xf32, #tpu.memory_space<hbm>>
        tpu.enqueue_indirect_dma source(%dma_start3A_332 : memref<10000x128xf32, #tpu.memory_space<hbm>>) target(%dma_start3A_326 : memref<64x128xf32, #tpu.memory_space<vmem>>) offsets(%dma_start3A_329 : memref<64xi32, #tpu.memory_space<vmem>>) semaphore(%arg11 : memref<!tpu.dma_semaphore, #tpu.memory_space<semaphore_mem>>)
      } else {
      }
      %mul3A_281 = arith.constant 8 : i32
      %mul3A_282 = arith.muli %while3A_123, %mul3A_281 : i32
      %add3A_283 = arith.constant 7 : i32
      %add3A_284 = arith.addi %mul3A_282, %add3A_283 : i32
      %ge3A_285 = arith.constant 4 : i32
      %ge3A_286 = arith.cmpi sge, %add3A_284, %ge3A_285 : i32
      %add3A_287 = arith.constant 4 : i32
      %add3A_288 = arith.addi %select_n3A, %add3A_287 : i32
      %lt3A_289 = arith.cmpi slt, %add3A_284, %add3A_288 : i32
      %and3A_290 = arith.andi %ge3A_286, %lt3A_289 : i1
      %convert_element_type3A_291 = arith.extui %and3A_290 : i1 to i32
      %cond3A_292 = arith.constant 0 : i32
      %cond3A_293 = arith.cmpi ne, %convert_element_type3A_291, %cond3A_292 : i32
      scf.if %cond3A_293 {
        %dma_wait3A = arith.constant 3 : i32
        %dma_wait3A_304 = arith.constant 0 : i32
        %dma_wait3A_305 = arith.constant 3 : i32
        %dma_wait3A_306 = arith.constant 0 : i32
        %dma_wait3A_307 = arith.constant 0 : i32
        %dma_wait3A_308 = tpu.memref_slice %arg8[%dma_wait3A_305, %dma_wait3A_306, %dma_wait3A_307] : memref<4x64x128xf32, #tpu.memory_space<vmem>> -> memref<1x64x128xf32, #tpu.memory_space<vmem>>
        %dma_wait3A_309 = tpu.memref_squeeze %dma_wait3A_308 : memref<1x64x128xf32, #tpu.memory_space<vmem>> -> memref<64x128xf32, #tpu.memory_space<vmem>>
        %dma_wait3A_310 = arith.constant 0 : i32
        %dma_wait3A_311 = tpu.memref_slice %arg7[%dma_wait3A, %dma_wait3A_304, %dma_wait3A_310] : memref<8x2x64xi32, #tpu.memory_space<vmem>> -> memref<1x1x64xi32, #tpu.memory_space<vmem>>
        %dma_wait3A_312 = tpu.memref_squeeze %dma_wait3A_311 : memref<1x1x64xi32, #tpu.memory_space<vmem>> -> memref<64xi32, #tpu.memory_space<vmem>>
        %dma_wait3A_313 = arith.constant 0 : i32
        %dma_wait3A_314 = arith.constant 0 : i32
        %dma_wait3A_315 = tpu.memref_slice %arg2[%dma_wait3A_313, %dma_wait3A_314] : memref<10000x128xf32, #tpu.memory_space<hbm>> -> memref<10000x128xf32, #tpu.memory_space<hbm>>
        tpu.wait_indirect_dma semaphore(%arg12 : memref<!tpu.dma_semaphore, #tpu.memory_space<semaphore_mem>>) src(%dma_wait3A_315 : memref<10000x128xf32, #tpu.memory_space<hbm>>) dst(%dma_wait3A_309 : memref<64x128xf32, #tpu.memory_space<vmem>>)
        %run_scoped3A = arith.constant 3 : i32
        %run_scoped3A_316 = arith.constant 3 : i32
        %run_scoped3A_317 = arith.constant 1 : i32
        "tpu.region"() ({
          %run_scoped3A_318 = tpu.sem_alloc : memref<!tpu.dma_semaphore, #tpu.memory_space<semaphore_mem>>
          %dma_start3A_319 = arith.constant 0 : i32
          %dma_start3A_320 = arith.constant 0 : i32
          %dma_start3A_321 = tpu.memref_slice %arg8[%run_scoped3A, %dma_start3A_319, %dma_start3A_320] : memref<4x64x128xf32, #tpu.memory_space<vmem>> -> memref<1x64x128xf32, #tpu.memory_space<vmem>>
          %dma_start3A_322 = tpu.memref_squeeze %dma_start3A_321 : memref<1x64x128xf32, #tpu.memory_space<vmem>> -> memref<64x128xf32, #tpu.memory_space<vmem>>
          %dma_start3A_323 = arith.constant 0 : i32
          %dma_start3A_324 = tpu.memref_slice %arg7[%run_scoped3A_316, %run_scoped3A_317, %dma_start3A_323] : memref<8x2x64xi32, #tpu.memory_space<vmem>> -> memref<1x1x64xi32, #tpu.memory_space<vmem>>
          %dma_start3A_325 = tpu.memref_squeeze %dma_start3A_324 : memref<1x1x64xi32, #tpu.memory_space<vmem>> -> memref<64xi32, #tpu.memory_space<vmem>>
          %dma_start3A_326 = arith.constant 0 : i32
          %dma_start3A_327 = arith.constant 0 : i32
          %dma_start3A_328 = tpu.memref_slice %arg6[%dma_start3A_326, %dma_start3A_327] : memref<10112x128xf32, #tpu.memory_space<vmem_shared>> -> memref<10112x128xf32, #tpu.memory_space<vmem_shared>>
          tpu.enqueue_indirect_dma source(%dma_start3A_322 : memref<64x128xf32, #tpu.memory_space<vmem>>) target(%dma_start3A_328 : memref<10112x128xf32, #tpu.memory_space<vmem_shared>>) offsets(%dma_start3A_325 : memref<64xi32, #tpu.memory_space<vmem>>) semaphore(%run_scoped3A_318 : memref<!tpu.dma_semaphore, #tpu.memory_space<semaphore_mem>>) {add = true}
          %dma_wait3A_329 = arith.constant 0 : i32
          %dma_wait3A_330 = arith.constant 0 : i32
          %dma_wait3A_331 = tpu.memref_slice %arg8[%run_scoped3A, %dma_wait3A_329, %dma_wait3A_330] : memref<4x64x128xf32, #tpu.memory_space<vmem>> -> memref<1x64x128xf32, #tpu.memory_space<vmem>>
          %dma_wait3A_332 = tpu.memref_squeeze %dma_wait3A_331 : memref<1x64x128xf32, #tpu.memory_space<vmem>> -> memref<64x128xf32, #tpu.memory_space<vmem>>
          %dma_wait3A_333 = arith.constant 0 : i32
          %dma_wait3A_334 = tpu.memref_slice %arg7[%run_scoped3A_316, %run_scoped3A_317, %dma_wait3A_333] : memref<8x2x64xi32, #tpu.memory_space<vmem>> -> memref<1x1x64xi32, #tpu.memory_space<vmem>>
          %dma_wait3A_335 = tpu.memref_squeeze %dma_wait3A_334 : memref<1x1x64xi32, #tpu.memory_space<vmem>> -> memref<64xi32, #tpu.memory_space<vmem>>
          %dma_wait3A_336 = arith.constant 0 : i32
          %dma_wait3A_337 = arith.constant 0 : i32
          %dma_wait3A_338 = tpu.memref_slice %arg6[%dma_wait3A_336, %dma_wait3A_337] : memref<10112x128xf32, #tpu.memory_space<vmem_shared>> -> memref<10112x128xf32, #tpu.memory_space<vmem_shared>>
          tpu.wait_indirect_dma semaphore(%run_scoped3A_318 : memref<!tpu.dma_semaphore, #tpu.memory_space<semaphore_mem>>) src(%dma_wait3A_332 : memref<64x128xf32, #tpu.memory_space<vmem>>) dst(%dma_wait3A_338 : memref<10112x128xf32, #tpu.memory_space<vmem_shared>>)
          tpu.yield
        }) : () -> ()
      } else {
      }
      %add3A_294 = arith.constant 4 : i32
      %add3A_295 = arith.addi %add3A_284, %add3A_294 : i32
      %lt3A_296 = arith.cmpi slt, %add3A_295, %select_n3A : i32
      %convert_element_type3A_297 = arith.extui %lt3A_296 : i1 to i32
      %cond3A_298 = arith.constant 0 : i32
      %cond3A_299 = arith.cmpi ne, %convert_element_type3A_297, %cond3A_298 : i32
      scf.if %cond3A_299 {
        %add3A_304 = arith.addi %select_n3A_8, %add3A_284 : i32
        %add3A_305 = arith.constant 4 : i32
        %add3A_306 = arith.addi %add3A_304, %add3A_305 : i32
        %dma_start3A_307 = arith.constant 3 : i32
        %dma_start3A_308 = arith.constant 0 : i32
        %dma_start3A_309 = arith.constant 0 : i32
        %dma_start3A_310 = tpu.memref_slice %arg7[%dma_start3A_307, %dma_start3A_308, %dma_start3A_309] : memref<8x2x64xi32, #tpu.memory_space<vmem>> -> memref<1x2x64xi32, #tpu.memory_space<vmem>>
        %dma_start3A_311 = tpu.memref_squeeze %dma_start3A_310 : memref<1x2x64xi32, #tpu.memory_space<vmem>> -> memref<2x64xi32, #tpu.memory_space<vmem>>
        %dma_start3A_312 = arith.constant 0 : i32
        %dma_start3A_313 = arith.constant 0 : i32
        %dma_start3A_314 = tpu.memref_slice %arg3[%add3A_306, %dma_start3A_312, %dma_start3A_313] : memref<5120x2x64xi32, #tpu.memory_space<hbm>> -> memref<1x2x64xi32, #tpu.memory_space<hbm>>
        %dma_start3A_315 = tpu.memref_squeeze %dma_start3A_314 : memref<1x2x64xi32, #tpu.memory_space<hbm>> -> memref<2x64xi32, #tpu.memory_space<hbm>>
        %dma_start3A_316 = arith.constant 0 : i32
        %dma_start3A_317 = arith.constant 0 : i32
        %dma_start3A_318 = tpu.memref_slice %arg7[%dma_start3A_307, %dma_start3A_316, %dma_start3A_317] : memref<8x2x64xi32, #tpu.memory_space<vmem>> -> memref<1x2x64xi32, #tpu.memory_space<vmem>>
        %dma_start3A_319 = tpu.memref_squeeze %dma_start3A_318 : memref<1x2x64xi32, #tpu.memory_space<vmem>> -> memref<2x64xi32, #tpu.memory_space<vmem>>
        %dma_start3A_320 = arith.constant 0 : i32
        %dma_start3A_321 = arith.constant 0 : i32
        %dma_start3A_322 = tpu.memref_slice %arg3[%add3A_306, %dma_start3A_320, %dma_start3A_321] : memref<5120x2x64xi32, #tpu.memory_space<hbm>> -> memref<1x2x64xi32, #tpu.memory_space<hbm>>
        %dma_start3A_323 = tpu.memref_squeeze %dma_start3A_322 : memref<1x2x64xi32, #tpu.memory_space<hbm>> -> memref<2x64xi32, #tpu.memory_space<hbm>>
        tpu.enqueue_dma source(%dma_start3A_323 : memref<2x64xi32, #tpu.memory_space<hbm>>) target(%dma_start3A_319 : memref<2x64xi32, #tpu.memory_space<vmem>>) target_semaphore(%arg16 : memref<!tpu.dma_semaphore, #tpu.memory_space<semaphore_mem>>)
      } else {
      }
      %lt3A_300 = arith.cmpi slt, %add3A_284, %select_n3A : i32
      %convert_element_type3A_301 = arith.extui %lt3A_300 : i1 to i32
      %cond3A_302 = arith.constant 0 : i32
      %cond3A_303 = arith.cmpi ne, %convert_element_type3A_301, %cond3A_302 : i32
      scf.if %cond3A_303 {
        %dma_wait3A = arith.constant 7 : i32
        %dma_wait3A_304 = arith.constant 0 : i32
        %dma_wait3A_305 = arith.constant 0 : i32
        %dma_wait3A_306 = tpu.memref_slice %arg7[%dma_wait3A, %dma_wait3A_304, %dma_wait3A_305] : memref<8x2x64xi32, #tpu.memory_space<vmem>> -> memref<1x2x64xi32, #tpu.memory_space<vmem>>
        %dma_wait3A_307 = tpu.memref_squeeze %dma_wait3A_306 : memref<1x2x64xi32, #tpu.memory_space<vmem>> -> memref<2x64xi32, #tpu.memory_space<vmem>>
        %dma_wait3A_308 = arith.constant 0 : i32
        %dma_wait3A_309 = arith.constant 0 : i32
        %dma_wait3A_310 = tpu.memref_slice %arg3[%select_n3A_8, %dma_wait3A_308, %dma_wait3A_309] : memref<5120x2x64xi32, #tpu.memory_space<hbm>> -> memref<1x2x64xi32, #tpu.memory_space<hbm>>
        %dma_wait3A_311 = tpu.memref_squeeze %dma_wait3A_310 : memref<1x2x64xi32, #tpu.memory_space<hbm>> -> memref<2x64xi32, #tpu.memory_space<hbm>>
        %dma_wait3A_312 = arith.constant 0 : i32
        %dma_wait3A_313 = arith.constant 0 : i32
        %dma_wait3A_314 = tpu.memref_slice %arg7[%dma_wait3A, %dma_wait3A_312, %dma_wait3A_313] : memref<8x2x64xi32, #tpu.memory_space<vmem>> -> memref<1x2x64xi32, #tpu.memory_space<vmem>>
        %dma_wait3A_315 = tpu.memref_squeeze %dma_wait3A_314 : memref<1x2x64xi32, #tpu.memory_space<vmem>> -> memref<2x64xi32, #tpu.memory_space<vmem>>
        %dma_wait3A_316 = arith.constant 0 : i32
        %dma_wait3A_317 = arith.constant 0 : i32
        %dma_wait3A_318 = tpu.memref_slice %arg3[%select_n3A_8, %dma_wait3A_316, %dma_wait3A_317] : memref<5120x2x64xi32, #tpu.memory_space<hbm>> -> memref<1x2x64xi32, #tpu.memory_space<hbm>>
        %dma_wait3A_319 = tpu.memref_squeeze %dma_wait3A_318 : memref<1x2x64xi32, #tpu.memory_space<hbm>> -> memref<2x64xi32, #tpu.memory_space<hbm>>
        tpu.wait_dma2 semaphore(%arg20 : memref<!tpu.dma_semaphore, #tpu.memory_space<semaphore_mem>>) src(%dma_wait3A_319 : memref<2x64xi32, #tpu.memory_space<hbm>>) dst(%dma_wait3A_315 : memref<2x64xi32, #tpu.memory_space<vmem>>)
        %dma_start3A_320 = arith.constant 7 : i32
        %dma_start3A_321 = arith.constant 0 : i32
        %dma_start3A_322 = arith.constant 3 : i32
        %dma_start3A_323 = arith.constant 0 : i32
        %dma_start3A_324 = arith.constant 0 : i32
        %dma_start3A_325 = tpu.memref_slice %arg8[%dma_start3A_322, %dma_start3A_323, %dma_start3A_324] : memref<4x64x128xf32, #tpu.memory_space<vmem>> -> memref<1x64x128xf32, #tpu.memory_space<vmem>>
        %dma_start3A_326 = tpu.memref_squeeze %dma_start3A_325 : memref<1x64x128xf32, #tpu.memory_space<vmem>> -> memref<64x128xf32, #tpu.memory_space<vmem>>
        %dma_start3A_327 = arith.constant 0 : i32
        %dma_start3A_328 = tpu.memref_slice %arg7[%dma_start3A_320, %dma_start3A_321, %dma_start3A_327] : memref<8x2x64xi32, #tpu.memory_space<vmem>> -> memref<1x1x64xi32, #tpu.memory_space<vmem>>
        %dma_start3A_329 = tpu.memref_squeeze %dma_start3A_328 : memref<1x1x64xi32, #tpu.memory_space<vmem>> -> memref<64xi32, #tpu.memory_space<vmem>>
        %dma_start3A_330 = arith.constant 0 : i32
        %dma_start3A_331 = arith.constant 0 : i32
        %dma_start3A_332 = tpu.memref_slice %arg2[%dma_start3A_330, %dma_start3A_331] : memref<10000x128xf32, #tpu.memory_space<hbm>> -> memref<10000x128xf32, #tpu.memory_space<hbm>>
        tpu.enqueue_indirect_dma source(%dma_start3A_332 : memref<10000x128xf32, #tpu.memory_space<hbm>>) target(%dma_start3A_326 : memref<64x128xf32, #tpu.memory_space<vmem>>) offsets(%dma_start3A_329 : memref<64xi32, #tpu.memory_space<vmem>>) semaphore(%arg12 : memref<!tpu.dma_semaphore, #tpu.memory_space<semaphore_mem>>)
      } else {
      }
    }
    %while3A_117 = arith.constant 1 : i32
    scf.for %while3A_123 = %while3A_115 to %while3A_111 step %while3A_117  : i32 {
      %mul3A_124 = arith.constant 8 : i32
      %mul3A_125 = arith.muli %while3A_123, %mul3A_124 : i32
      %add3A_126 = arith.constant 0 : i32
      %add3A_127 = arith.addi %mul3A_125, %add3A_126 : i32
      %ge3A = arith.constant 4 : i32
      %ge3A_128 = arith.cmpi sge, %add3A_127, %ge3A : i32
      %add3A_129 = arith.constant 4 : i32
      %add3A_130 = arith.addi %select_n3A, %add3A_129 : i32
      %lt3A = arith.cmpi slt, %add3A_127, %add3A_130 : i32
      %and3A_131 = arith.andi %ge3A_128, %lt3A : i1
      %convert_element_type3A = arith.extui %and3A_131 : i1 to i32
      %cond3A = arith.constant 0 : i32
      %cond3A_132 = arith.cmpi ne, %convert_element_type3A, %cond3A : i32
      scf.if %cond3A_132 {
        %dma_wait3A = arith.constant 4 : i32
        %dma_wait3A_304 = arith.constant 0 : i32
        %dma_wait3A_305 = arith.constant 0 : i32
        %dma_wait3A_306 = arith.constant 0 : i32
        %dma_wait3A_307 = arith.constant 0 : i32
        %dma_wait3A_308 = tpu.memref_slice %arg8[%dma_wait3A_305, %dma_wait3A_306, %dma_wait3A_307] : memref<4x64x128xf32, #tpu.memory_space<vmem>> -> memref<1x64x128xf32, #tpu.memory_space<vmem>>
        %dma_wait3A_309 = tpu.memref_squeeze %dma_wait3A_308 : memref<1x64x128xf32, #tpu.memory_space<vmem>> -> memref<64x128xf32, #tpu.memory_space<vmem>>
        %dma_wait3A_310 = arith.constant 0 : i32
        %dma_wait3A_311 = tpu.memref_slice %arg7[%dma_wait3A, %dma_wait3A_304, %dma_wait3A_310] : memref<8x2x64xi32, #tpu.memory_space<vmem>> -> memref<1x1x64xi32, #tpu.memory_space<vmem>>
        %dma_wait3A_312 = tpu.memref_squeeze %dma_wait3A_311 : memref<1x1x64xi32, #tpu.memory_space<vmem>> -> memref<64xi32, #tpu.memory_space<vmem>>
        %dma_wait3A_313 = arith.constant 0 : i32
        %dma_wait3A_314 = arith.constant 0 : i32
        %dma_wait3A_315 = tpu.memref_slice %arg2[%dma_wait3A_313, %dma_wait3A_314] : memref<10000x128xf32, #tpu.memory_space<hbm>> -> memref<10000x128xf32, #tpu.memory_space<hbm>>
        tpu.wait_indirect_dma semaphore(%arg9 : memref<!tpu.dma_semaphore, #tpu.memory_space<semaphore_mem>>) src(%dma_wait3A_315 : memref<10000x128xf32, #tpu.memory_space<hbm>>) dst(%dma_wait3A_309 : memref<64x128xf32, #tpu.memory_space<vmem>>)
        %run_scoped3A = arith.constant 0 : i32
        %run_scoped3A_316 = arith.constant 4 : i32
        %run_scoped3A_317 = arith.constant 1 : i32
        "tpu.region"() ({
          %run_scoped3A_318 = tpu.sem_alloc : memref<!tpu.dma_semaphore, #tpu.memory_space<semaphore_mem>>
          %dma_start3A_319 = arith.constant 0 : i32
          %dma_start3A_320 = arith.constant 0 : i32
          %dma_start3A_321 = tpu.memref_slice %arg8[%run_scoped3A, %dma_start3A_319, %dma_start3A_320] : memref<4x64x128xf32, #tpu.memory_space<vmem>> -> memref<1x64x128xf32, #tpu.memory_space<vmem>>
          %dma_start3A_322 = tpu.memref_squeeze %dma_start3A_321 : memref<1x64x128xf32, #tpu.memory_space<vmem>> -> memref<64x128xf32, #tpu.memory_space<vmem>>
          %dma_start3A_323 = arith.constant 0 : i32
          %dma_start3A_324 = tpu.memref_slice %arg7[%run_scoped3A_316, %run_scoped3A_317, %dma_start3A_323] : memref<8x2x64xi32, #tpu.memory_space<vmem>> -> memref<1x1x64xi32, #tpu.memory_space<vmem>>
          %dma_start3A_325 = tpu.memref_squeeze %dma_start3A_324 : memref<1x1x64xi32, #tpu.memory_space<vmem>> -> memref<64xi32, #tpu.memory_space<vmem>>
          %dma_start3A_326 = arith.constant 0 : i32
          %dma_start3A_327 = arith.constant 0 : i32
          %dma_start3A_328 = tpu.memref_slice %arg6[%dma_start3A_326, %dma_start3A_327] : memref<10112x128xf32, #tpu.memory_space<vmem_shared>> -> memref<10112x128xf32, #tpu.memory_space<vmem_shared>>
          tpu.enqueue_indirect_dma source(%dma_start3A_322 : memref<64x128xf32, #tpu.memory_space<vmem>>) target(%dma_start3A_328 : memref<10112x128xf32, #tpu.memory_space<vmem_shared>>) offsets(%dma_start3A_325 : memref<64xi32, #tpu.memory_space<vmem>>) semaphore(%run_scoped3A_318 : memref<!tpu.dma_semaphore, #tpu.memory_space<semaphore_mem>>) {add = true}
          %dma_wait3A_329 = arith.constant 0 : i32
          %dma_wait3A_330 = arith.constant 0 : i32
          %dma_wait3A_331 = tpu.memref_slice %arg8[%run_scoped3A, %dma_wait3A_329, %dma_wait3A_330] : memref<4x64x128xf32, #tpu.memory_space<vmem>> -> memref<1x64x128xf32, #tpu.memory_space<vmem>>
          %dma_wait3A_332 = tpu.memref_squeeze %dma_wait3A_331 : memref<1x64x128xf32, #tpu.memory_space<vmem>> -> memref<64x128xf32, #tpu.memory_space<vmem>>
          %dma_wait3A_333 = arith.constant 0 : i32
          %dma_wait3A_334 = tpu.memref_slice %arg7[%run_scoped3A_316, %run_scoped3A_317, %dma_wait3A_333] : memref<8x2x64xi32, #tpu.memory_space<vmem>> -> memref<1x1x64xi32, #tpu.memory_space<vmem>>
          %dma_wait3A_335 = tpu.memref_squeeze %dma_wait3A_334 : memref<1x1x64xi32, #tpu.memory_space<vmem>> -> memref<64xi32, #tpu.memory_space<vmem>>
          %dma_wait3A_336 = arith.constant 0 : i32
          %dma_wait3A_337 = arith.constant 0 : i32
          %dma_wait3A_338 = tpu.memref_slice %arg6[%dma_wait3A_336, %dma_wait3A_337] : memref<10112x128xf32, #tpu.memory_space<vmem_shared>> -> memref<10112x128xf32, #tpu.memory_space<vmem_shared>>
          tpu.wait_indirect_dma semaphore(%run_scoped3A_318 : memref<!tpu.dma_semaphore, #tpu.memory_space<semaphore_mem>>) src(%dma_wait3A_332 : memref<64x128xf32, #tpu.memory_space<vmem>>) dst(%dma_wait3A_338 : memref<10112x128xf32, #tpu.memory_space<vmem_shared>>)
          tpu.yield
        }) : () -> ()
      } else {
      }
      %add3A_133 = arith.constant 4 : i32
      %add3A_134 = arith.addi %add3A_127, %add3A_133 : i32
      %lt3A_135 = arith.cmpi slt, %add3A_134, %select_n3A : i32
      %convert_element_type3A_136 = arith.extui %lt3A_135 : i1 to i32
      %cond3A_137 = arith.constant 0 : i32
      %cond3A_138 = arith.cmpi ne, %convert_element_type3A_136, %cond3A_137 : i32
      scf.if %cond3A_138 {
        %add3A_304 = arith.addi %select_n3A_8, %add3A_127 : i32
        %add3A_305 = arith.constant 4 : i32
        %add3A_306 = arith.addi %add3A_304, %add3A_305 : i32
        %dma_start3A_307 = arith.constant 4 : i32
        %dma_start3A_308 = arith.constant 0 : i32
        %dma_start3A_309 = arith.constant 0 : i32
        %dma_start3A_310 = tpu.memref_slice %arg7[%dma_start3A_307, %dma_start3A_308, %dma_start3A_309] : memref<8x2x64xi32, #tpu.memory_space<vmem>> -> memref<1x2x64xi32, #tpu.memory_space<vmem>>
        %dma_start3A_311 = tpu.memref_squeeze %dma_start3A_310 : memref<1x2x64xi32, #tpu.memory_space<vmem>> -> memref<2x64xi32, #tpu.memory_space<vmem>>
        %dma_start3A_312 = arith.constant 0 : i32
        %dma_start3A_313 = arith.constant 0 : i32
        %dma_start3A_314 = tpu.memref_slice %arg3[%add3A_306, %dma_start3A_312, %dma_start3A_313] : memref<5120x2x64xi32, #tpu.memory_space<hbm>> -> memref<1x2x64xi32, #tpu.memory_space<hbm>>
        %dma_start3A_315 = tpu.memref_squeeze %dma_start3A_314 : memref<1x2x64xi32, #tpu.memory_space<hbm>> -> memref<2x64xi32, #tpu.memory_space<hbm>>
        %dma_start3A_316 = arith.constant 0 : i32
        %dma_start3A_317 = arith.constant 0 : i32
        %dma_start3A_318 = tpu.memref_slice %arg7[%dma_start3A_307, %dma_start3A_316, %dma_start3A_317] : memref<8x2x64xi32, #tpu.memory_space<vmem>> -> memref<1x2x64xi32, #tpu.memory_space<vmem>>
        %dma_start3A_319 = tpu.memref_squeeze %dma_start3A_318 : memref<1x2x64xi32, #tpu.memory_space<vmem>> -> memref<2x64xi32, #tpu.memory_space<vmem>>
        %dma_start3A_320 = arith.constant 0 : i32
        %dma_start3A_321 = arith.constant 0 : i32
        %dma_start3A_322 = tpu.memref_slice %arg3[%add3A_306, %dma_start3A_320, %dma_start3A_321] : memref<5120x2x64xi32, #tpu.memory_space<hbm>> -> memref<1x2x64xi32, #tpu.memory_space<hbm>>
        %dma_start3A_323 = tpu.memref_squeeze %dma_start3A_322 : memref<1x2x64xi32, #tpu.memory_space<hbm>> -> memref<2x64xi32, #tpu.memory_space<hbm>>
        tpu.enqueue_dma source(%dma_start3A_323 : memref<2x64xi32, #tpu.memory_space<hbm>>) target(%dma_start3A_319 : memref<2x64xi32, #tpu.memory_space<vmem>>) target_semaphore(%arg17 : memref<!tpu.dma_semaphore, #tpu.memory_space<semaphore_mem>>)
      } else {
      }
      %lt3A_139 = arith.cmpi slt, %add3A_127, %select_n3A : i32
      %convert_element_type3A_140 = arith.extui %lt3A_139 : i1 to i32
      %cond3A_141 = arith.constant 0 : i32
      %cond3A_142 = arith.cmpi ne, %convert_element_type3A_140, %cond3A_141 : i32
      scf.if %cond3A_142 {
        %dma_wait3A = arith.constant 0 : i32
        %dma_wait3A_304 = arith.constant 0 : i32
        %dma_wait3A_305 = arith.constant 0 : i32
        %dma_wait3A_306 = tpu.memref_slice %arg7[%dma_wait3A, %dma_wait3A_304, %dma_wait3A_305] : memref<8x2x64xi32, #tpu.memory_space<vmem>> -> memref<1x2x64xi32, #tpu.memory_space<vmem>>
        %dma_wait3A_307 = tpu.memref_squeeze %dma_wait3A_306 : memref<1x2x64xi32, #tpu.memory_space<vmem>> -> memref<2x64xi32, #tpu.memory_space<vmem>>
        %dma_wait3A_308 = arith.constant 0 : i32
        %dma_wait3A_309 = arith.constant 0 : i32
        %dma_wait3A_310 = tpu.memref_slice %arg3[%select_n3A_8, %dma_wait3A_308, %dma_wait3A_309] : memref<5120x2x64xi32, #tpu.memory_space<hbm>> -> memref<1x2x64xi32, #tpu.memory_space<hbm>>
        %dma_wait3A_311 = tpu.memref_squeeze %dma_wait3A_310 : memref<1x2x64xi32, #tpu.memory_space<hbm>> -> memref<2x64xi32, #tpu.memory_space<hbm>>
        %dma_wait3A_312 = arith.constant 0 : i32
        %dma_wait3A_313 = arith.constant 0 : i32
        %dma_wait3A_314 = tpu.memref_slice %arg7[%dma_wait3A, %dma_wait3A_312, %dma_wait3A_313] : memref<8x2x64xi32, #tpu.memory_space<vmem>> -> memref<1x2x64xi32, #tpu.memory_space<vmem>>
        %dma_wait3A_315 = tpu.memref_squeeze %dma_wait3A_314 : memref<1x2x64xi32, #tpu.memory_space<vmem>> -> memref<2x64xi32, #tpu.memory_space<vmem>>
        %dma_wait3A_316 = arith.constant 0 : i32
        %dma_wait3A_317 = arith.constant 0 : i32
        %dma_wait3A_318 = tpu.memref_slice %arg3[%select_n3A_8, %dma_wait3A_316, %dma_wait3A_317] : memref<5120x2x64xi32, #tpu.memory_space<hbm>> -> memref<1x2x64xi32, #tpu.memory_space<hbm>>
        %dma_wait3A_319 = tpu.memref_squeeze %dma_wait3A_318 : memref<1x2x64xi32, #tpu.memory_space<hbm>> -> memref<2x64xi32, #tpu.memory_space<hbm>>
        tpu.wait_dma2 semaphore(%arg13 : memref<!tpu.dma_semaphore, #tpu.memory_space<semaphore_mem>>) src(%dma_wait3A_319 : memref<2x64xi32, #tpu.memory_space<hbm>>) dst(%dma_wait3A_315 : memref<2x64xi32, #tpu.memory_space<vmem>>)
        %dma_start3A_320 = arith.constant 0 : i32
        %dma_start3A_321 = arith.constant 0 : i32
        %dma_start3A_322 = arith.constant 0 : i32
        %dma_start3A_323 = arith.constant 0 : i32
        %dma_start3A_324 = arith.constant 0 : i32
        %dma_start3A_325 = tpu.memref_slice %arg8[%dma_start3A_322, %dma_start3A_323, %dma_start3A_324] : memref<4x64x128xf32, #tpu.memory_space<vmem>> -> memref<1x64x128xf32, #tpu.memory_space<vmem>>
        %dma_start3A_326 = tpu.memref_squeeze %dma_start3A_325 : memref<1x64x128xf32, #tpu.memory_space<vmem>> -> memref<64x128xf32, #tpu.memory_space<vmem>>
        %dma_start3A_327 = arith.constant 0 : i32
        %dma_start3A_328 = tpu.memref_slice %arg7[%dma_start3A_320, %dma_start3A_321, %dma_start3A_327] : memref<8x2x64xi32, #tpu.memory_space<vmem>> -> memref<1x1x64xi32, #tpu.memory_space<vmem>>
        %dma_start3A_329 = tpu.memref_squeeze %dma_start3A_328 : memref<1x1x64xi32, #tpu.memory_space<vmem>> -> memref<64xi32, #tpu.memory_space<vmem>>
        %dma_start3A_330 = arith.constant 0 : i32
        %dma_start3A_331 = arith.constant 0 : i32
        %dma_start3A_332 = tpu.memref_slice %arg2[%dma_start3A_330, %dma_start3A_331] : memref<10000x128xf32, #tpu.memory_space<hbm>> -> memref<10000x128xf32, #tpu.memory_space<hbm>>
        tpu.enqueue_indirect_dma source(%dma_start3A_332 : memref<10000x128xf32, #tpu.memory_space<hbm>>) target(%dma_start3A_326 : memref<64x128xf32, #tpu.memory_space<vmem>>) offsets(%dma_start3A_329 : memref<64xi32, #tpu.memory_space<vmem>>) semaphore(%arg9 : memref<!tpu.dma_semaphore, #tpu.memory_space<semaphore_mem>>)
      } else {
      }
      %mul3A_143 = arith.constant 8 : i32
      %mul3A_144 = arith.muli %while3A_123, %mul3A_143 : i32
      %add3A_145 = arith.constant 1 : i32
      %add3A_146 = arith.addi %mul3A_144, %add3A_145 : i32
      %ge3A_147 = arith.constant 4 : i32
      %ge3A_148 = arith.cmpi sge, %add3A_146, %ge3A_147 : i32
      %add3A_149 = arith.constant 4 : i32
      %add3A_150 = arith.addi %select_n3A, %add3A_149 : i32
      %lt3A_151 = arith.cmpi slt, %add3A_146, %add3A_150 : i32
      %and3A_152 = arith.andi %ge3A_148, %lt3A_151 : i1
      %convert_element_type3A_153 = arith.extui %and3A_152 : i1 to i32
      %cond3A_154 = arith.constant 0 : i32
      %cond3A_155 = arith.cmpi ne, %convert_element_type3A_153, %cond3A_154 : i32
      scf.if %cond3A_155 {
        %dma_wait3A = arith.constant 5 : i32
        %dma_wait3A_304 = arith.constant 0 : i32
        %dma_wait3A_305 = arith.constant 1 : i32
        %dma_wait3A_306 = arith.constant 0 : i32
        %dma_wait3A_307 = arith.constant 0 : i32
        %dma_wait3A_308 = tpu.memref_slice %arg8[%dma_wait3A_305, %dma_wait3A_306, %dma_wait3A_307] : memref<4x64x128xf32, #tpu.memory_space<vmem>> -> memref<1x64x128xf32, #tpu.memory_space<vmem>>
        %dma_wait3A_309 = tpu.memref_squeeze %dma_wait3A_308 : memref<1x64x128xf32, #tpu.memory_space<vmem>> -> memref<64x128xf32, #tpu.memory_space<vmem>>
        %dma_wait3A_310 = arith.constant 0 : i32
        %dma_wait3A_311 = tpu.memref_slice %arg7[%dma_wait3A, %dma_wait3A_304, %dma_wait3A_310] : memref<8x2x64xi32, #tpu.memory_space<vmem>> -> memref<1x1x64xi32, #tpu.memory_space<vmem>>
        %dma_wait3A_312 = tpu.memref_squeeze %dma_wait3A_311 : memref<1x1x64xi32, #tpu.memory_space<vmem>> -> memref<64xi32, #tpu.memory_space<vmem>>
        %dma_wait3A_313 = arith.constant 0 : i32
        %dma_wait3A_314 = arith.constant 0 : i32
        %dma_wait3A_315 = tpu.memref_slice %arg2[%dma_wait3A_313, %dma_wait3A_314] : memref<10000x128xf32, #tpu.memory_space<hbm>> -> memref<10000x128xf32, #tpu.memory_space<hbm>>
        tpu.wait_indirect_dma semaphore(%arg10 : memref<!tpu.dma_semaphore, #tpu.memory_space<semaphore_mem>>) src(%dma_wait3A_315 : memref<10000x128xf32, #tpu.memory_space<hbm>>) dst(%dma_wait3A_309 : memref<64x128xf32, #tpu.memory_space<vmem>>)
        %run_scoped3A = arith.constant 1 : i32
        %run_scoped3A_316 = arith.constant 5 : i32
        %run_scoped3A_317 = arith.constant 1 : i32
        "tpu.region"() ({
          %run_scoped3A_318 = tpu.sem_alloc : memref<!tpu.dma_semaphore, #tpu.memory_space<semaphore_mem>>
          %dma_start3A_319 = arith.constant 0 : i32
          %dma_start3A_320 = arith.constant 0 : i32
          %dma_start3A_321 = tpu.memref_slice %arg8[%run_scoped3A, %dma_start3A_319, %dma_start3A_320] : memref<4x64x128xf32, #tpu.memory_space<vmem>> -> memref<1x64x128xf32, #tpu.memory_space<vmem>>
          %dma_start3A_322 = tpu.memref_squeeze %dma_start3A_321 : memref<1x64x128xf32, #tpu.memory_space<vmem>> -> memref<64x128xf32, #tpu.memory_space<vmem>>
          %dma_start3A_323 = arith.constant 0 : i32
          %dma_start3A_324 = tpu.memref_slice %arg7[%run_scoped3A_316, %run_scoped3A_317, %dma_start3A_323] : memref<8x2x64xi32, #tpu.memory_space<vmem>> -> memref<1x1x64xi32, #tpu.memory_space<vmem>>
          %dma_start3A_325 = tpu.memref_squeeze %dma_start3A_324 : memref<1x1x64xi32, #tpu.memory_space<vmem>> -> memref<64xi32, #tpu.memory_space<vmem>>
          %dma_start3A_326 = arith.constant 0 : i32
          %dma_start3A_327 = arith.constant 0 : i32
          %dma_start3A_328 = tpu.memref_slice %arg6[%dma_start3A_326, %dma_start3A_327] : memref<10112x128xf32, #tpu.memory_space<vmem_shared>> -> memref<10112x128xf32, #tpu.memory_space<vmem_shared>>
          tpu.enqueue_indirect_dma source(%dma_start3A_322 : memref<64x128xf32, #tpu.memory_space<vmem>>) target(%dma_start3A_328 : memref<10112x128xf32, #tpu.memory_space<vmem_shared>>) offsets(%dma_start3A_325 : memref<64xi32, #tpu.memory_space<vmem>>) semaphore(%run_scoped3A_318 : memref<!tpu.dma_semaphore, #tpu.memory_space<semaphore_mem>>) {add = true}
          %dma_wait3A_329 = arith.constant 0 : i32
          %dma_wait3A_330 = arith.constant 0 : i32
          %dma_wait3A_331 = tpu.memref_slice %arg8[%run_scoped3A, %dma_wait3A_329, %dma_wait3A_330] : memref<4x64x128xf32, #tpu.memory_space<vmem>> -> memref<1x64x128xf32, #tpu.memory_space<vmem>>
          %dma_wait3A_332 = tpu.memref_squeeze %dma_wait3A_331 : memref<1x64x128xf32, #tpu.memory_space<vmem>> -> memref<64x128xf32, #tpu.memory_space<vmem>>
          %dma_wait3A_333 = arith.constant 0 : i32
          %dma_wait3A_334 = tpu.memref_slice %arg7[%run_scoped3A_316, %run_scoped3A_317, %dma_wait3A_333] : memref<8x2x64xi32, #tpu.memory_space<vmem>> -> memref<1x1x64xi32, #tpu.memory_space<vmem>>
          %dma_wait3A_335 = tpu.memref_squeeze %dma_wait3A_334 : memref<1x1x64xi32, #tpu.memory_space<vmem>> -> memref<64xi32, #tpu.memory_space<vmem>>
          %dma_wait3A_336 = arith.constant 0 : i32
          %dma_wait3A_337 = arith.constant 0 : i32
          %dma_wait3A_338 = tpu.memref_slice %arg6[%dma_wait3A_336, %dma_wait3A_337] : memref<10112x128xf32, #tpu.memory_space<vmem_shared>> -> memref<10112x128xf32, #tpu.memory_space<vmem_shared>>
          tpu.wait_indirect_dma semaphore(%run_scoped3A_318 : memref<!tpu.dma_semaphore, #tpu.memory_space<semaphore_mem>>) src(%dma_wait3A_332 : memref<64x128xf32, #tpu.memory_space<vmem>>) dst(%dma_wait3A_338 : memref<10112x128xf32, #tpu.memory_space<vmem_shared>>)
          tpu.yield
        }) : () -> ()
      } else {
      }
      %add3A_156 = arith.constant 4 : i32
      %add3A_157 = arith.addi %add3A_146, %add3A_156 : i32
      %lt3A_158 = arith.cmpi slt, %add3A_157, %select_n3A : i32
      %convert_element_type3A_159 = arith.extui %lt3A_158 : i1 to i32
      %cond3A_160 = arith.constant 0 : i32
      %cond3A_161 = arith.cmpi ne, %convert_element_type3A_159, %cond3A_160 : i32
      scf.if %cond3A_161 {
        %add3A_304 = arith.addi %select_n3A_8, %add3A_146 : i32
        %add3A_305 = arith.constant 4 : i32
        %add3A_306 = arith.addi %add3A_304, %add3A_305 : i32
        %dma_start3A_307 = arith.constant 5 : i32
        %dma_start3A_308 = arith.constant 0 : i32
        %dma_start3A_309 = arith.constant 0 : i32
        %dma_start3A_310 = tpu.memref_slice %arg7[%dma_start3A_307, %dma_start3A_308, %dma_start3A_309] : memref<8x2x64xi32, #tpu.memory_space<vmem>> -> memref<1x2x64xi32, #tpu.memory_space<vmem>>
        %dma_start3A_311 = tpu.memref_squeeze %dma_start3A_310 : memref<1x2x64xi32, #tpu.memory_space<vmem>> -> memref<2x64xi32, #tpu.memory_space<vmem>>
        %dma_start3A_312 = arith.constant 0 : i32
        %dma_start3A_313 = arith.constant 0 : i32
        %dma_start3A_314 = tpu.memref_slice %arg3[%add3A_306, %dma_start3A_312, %dma_start3A_313] : memref<5120x2x64xi32, #tpu.memory_space<hbm>> -> memref<1x2x64xi32, #tpu.memory_space<hbm>>
        %dma_start3A_315 = tpu.memref_squeeze %dma_start3A_314 : memref<1x2x64xi32, #tpu.memory_space<hbm>> -> memref<2x64xi32, #tpu.memory_space<hbm>>
        %dma_start3A_316 = arith.constant 0 : i32
        %dma_start3A_317 = arith.constant 0 : i32
        %dma_start3A_318 = tpu.memref_slice %arg7[%dma_start3A_307, %dma_start3A_316, %dma_start3A_317] : memref<8x2x64xi32, #tpu.memory_space<vmem>> -> memref<1x2x64xi32, #tpu.memory_space<vmem>>
        %dma_start3A_319 = tpu.memref_squeeze %dma_start3A_318 : memref<1x2x64xi32, #tpu.memory_space<vmem>> -> memref<2x64xi32, #tpu.memory_space<vmem>>
        %dma_start3A_320 = arith.constant 0 : i32
        %dma_start3A_321 = arith.constant 0 : i32
        %dma_start3A_322 = tpu.memref_slice %arg3[%add3A_306, %dma_start3A_320, %dma_start3A_321] : memref<5120x2x64xi32, #tpu.memory_space<hbm>> -> memref<1x2x64xi32, #tpu.memory_space<hbm>>
        %dma_start3A_323 = tpu.memref_squeeze %dma_start3A_322 : memref<1x2x64xi32, #tpu.memory_space<hbm>> -> memref<2x64xi32, #tpu.memory_space<hbm>>
        tpu.enqueue_dma source(%dma_start3A_323 : memref<2x64xi32, #tpu.memory_space<hbm>>) target(%dma_start3A_319 : memref<2x64xi32, #tpu.memory_space<vmem>>) target_semaphore(%arg18 : memref<!tpu.dma_semaphore, #tpu.memory_space<semaphore_mem>>)
      } else {
      }
      %lt3A_162 = arith.cmpi slt, %add3A_146, %select_n3A : i32
      %convert_element_type3A_163 = arith.extui %lt3A_162 : i1 to i32
      %cond3A_164 = arith.constant 0 : i32
      %cond3A_165 = arith.cmpi ne, %convert_element_type3A_163, %cond3A_164 : i32
      scf.if %cond3A_165 {
        %dma_wait3A = arith.constant 1 : i32
        %dma_wait3A_304 = arith.constant 0 : i32
        %dma_wait3A_305 = arith.constant 0 : i32
        %dma_wait3A_306 = tpu.memref_slice %arg7[%dma_wait3A, %dma_wait3A_304, %dma_wait3A_305] : memref<8x2x64xi32, #tpu.memory_space<vmem>> -> memref<1x2x64xi32, #tpu.memory_space<vmem>>
        %dma_wait3A_307 = tpu.memref_squeeze %dma_wait3A_306 : memref<1x2x64xi32, #tpu.memory_space<vmem>> -> memref<2x64xi32, #tpu.memory_space<vmem>>
        %dma_wait3A_308 = arith.constant 0 : i32
        %dma_wait3A_309 = arith.constant 0 : i32
        %dma_wait3A_310 = tpu.memref_slice %arg3[%select_n3A_8, %dma_wait3A_308, %dma_wait3A_309] : memref<5120x2x64xi32, #tpu.memory_space<hbm>> -> memref<1x2x64xi32, #tpu.memory_space<hbm>>
        %dma_wait3A_311 = tpu.memref_squeeze %dma_wait3A_310 : memref<1x2x64xi32, #tpu.memory_space<hbm>> -> memref<2x64xi32, #tpu.memory_space<hbm>>
        %dma_wait3A_312 = arith.constant 0 : i32
        %dma_wait3A_313 = arith.constant 0 : i32
        %dma_wait3A_314 = tpu.memref_slice %arg7[%dma_wait3A, %dma_wait3A_312, %dma_wait3A_313] : memref<8x2x64xi32, #tpu.memory_space<vmem>> -> memref<1x2x64xi32, #tpu.memory_space<vmem>>
        %dma_wait3A_315 = tpu.memref_squeeze %dma_wait3A_314 : memref<1x2x64xi32, #tpu.memory_space<vmem>> -> memref<2x64xi32, #tpu.memory_space<vmem>>
        %dma_wait3A_316 = arith.constant 0 : i32
        %dma_wait3A_317 = arith.constant 0 : i32
        %dma_wait3A_318 = tpu.memref_slice %arg3[%select_n3A_8, %dma_wait3A_316, %dma_wait3A_317] : memref<5120x2x64xi32, #tpu.memory_space<hbm>> -> memref<1x2x64xi32, #tpu.memory_space<hbm>>
        %dma_wait3A_319 = tpu.memref_squeeze %dma_wait3A_318 : memref<1x2x64xi32, #tpu.memory_space<hbm>> -> memref<2x64xi32, #tpu.memory_space<hbm>>
        tpu.wait_dma2 semaphore(%arg14 : memref<!tpu.dma_semaphore, #tpu.memory_space<semaphore_mem>>) src(%dma_wait3A_319 : memref<2x64xi32, #tpu.memory_space<hbm>>) dst(%dma_wait3A_315 : memref<2x64xi32, #tpu.memory_space<vmem>>)
        %dma_start3A_320 = arith.constant 1 : i32
        %dma_start3A_321 = arith.constant 0 : i32
        %dma_start3A_322 = arith.constant 1 : i32
        %dma_start3A_323 = arith.constant 0 : i32
        %dma_start3A_324 = arith.constant 0 : i32
        %dma_start3A_325 = tpu.memref_slice %arg8[%dma_start3A_322, %dma_start3A_323, %dma_start3A_324] : memref<4x64x128xf32, #tpu.memory_space<vmem>> -> memref<1x64x128xf32, #tpu.memory_space<vmem>>
        %dma_start3A_326 = tpu.memref_squeeze %dma_start3A_325 : memref<1x64x128xf32, #tpu.memory_space<vmem>> -> memref<64x128xf32, #tpu.memory_space<vmem>>
        %dma_start3A_327 = arith.constant 0 : i32
        %dma_start3A_328 = tpu.memref_slice %arg7[%dma_start3A_320, %dma_start3A_321, %dma_start3A_327] : memref<8x2x64xi32, #tpu.memory_space<vmem>> -> memref<1x1x64xi32, #tpu.memory_space<vmem>>
        %dma_start3A_329 = tpu.memref_squeeze %dma_start3A_328 : memref<1x1x64xi32, #tpu.memory_space<vmem>> -> memref<64xi32, #tpu.memory_space<vmem>>
        %dma_start3A_330 = arith.constant 0 : i32
        %dma_start3A_331 = arith.constant 0 : i32
        %dma_start3A_332 = tpu.memref_slice %arg2[%dma_start3A_330, %dma_start3A_331] : memref<10000x128xf32, #tpu.memory_space<hbm>> -> memref<10000x128xf32, #tpu.memory_space<hbm>>
        tpu.enqueue_indirect_dma source(%dma_start3A_332 : memref<10000x128xf32, #tpu.memory_space<hbm>>) target(%dma_start3A_326 : memref<64x128xf32, #tpu.memory_space<vmem>>) offsets(%dma_start3A_329 : memref<64xi32, #tpu.memory_space<vmem>>) semaphore(%arg10 : memref<!tpu.dma_semaphore, #tpu.memory_space<semaphore_mem>>)
      } else {
      }
      %mul3A_166 = arith.constant 8 : i32
      %mul3A_167 = arith.muli %while3A_123, %mul3A_166 : i32
      %add3A_168 = arith.constant 2 : i32
      %add3A_169 = arith.addi %mul3A_167, %add3A_168 : i32
      %ge3A_170 = arith.constant 4 : i32
      %ge3A_171 = arith.cmpi sge, %add3A_169, %ge3A_170 : i32
      %add3A_172 = arith.constant 4 : i32
      %add3A_173 = arith.addi %select_n3A, %add3A_172 : i32
      %lt3A_174 = arith.cmpi slt, %add3A_169, %add3A_173 : i32
      %and3A_175 = arith.andi %ge3A_171, %lt3A_174 : i1
      %convert_element_type3A_176 = arith.extui %and3A_175 : i1 to i32
      %cond3A_177 = arith.constant 0 : i32
      %cond3A_178 = arith.cmpi ne, %convert_element_type3A_176, %cond3A_177 : i32
      scf.if %cond3A_178 {
        %dma_wait3A = arith.constant 6 : i32
        %dma_wait3A_304 = arith.constant 0 : i32
        %dma_wait3A_305 = arith.constant 2 : i32
        %dma_wait3A_306 = arith.constant 0 : i32
        %dma_wait3A_307 = arith.constant 0 : i32
        %dma_wait3A_308 = tpu.memref_slice %arg8[%dma_wait3A_305, %dma_wait3A_306, %dma_wait3A_307] : memref<4x64x128xf32, #tpu.memory_space<vmem>> -> memref<1x64x128xf32, #tpu.memory_space<vmem>>
        %dma_wait3A_309 = tpu.memref_squeeze %dma_wait3A_308 : memref<1x64x128xf32, #tpu.memory_space<vmem>> -> memref<64x128xf32, #tpu.memory_space<vmem>>
        %dma_wait3A_310 = arith.constant 0 : i32
        %dma_wait3A_311 = tpu.memref_slice %arg7[%dma_wait3A, %dma_wait3A_304, %dma_wait3A_310] : memref<8x2x64xi32, #tpu.memory_space<vmem>> -> memref<1x1x64xi32, #tpu.memory_space<vmem>>
        %dma_wait3A_312 = tpu.memref_squeeze %dma_wait3A_311 : memref<1x1x64xi32, #tpu.memory_space<vmem>> -> memref<64xi32, #tpu.memory_space<vmem>>
        %dma_wait3A_313 = arith.constant 0 : i32
        %dma_wait3A_314 = arith.constant 0 : i32
        %dma_wait3A_315 = tpu.memref_slice %arg2[%dma_wait3A_313, %dma_wait3A_314] : memref<10000x128xf32, #tpu.memory_space<hbm>> -> memref<10000x128xf32, #tpu.memory_space<hbm>>
        tpu.wait_indirect_dma semaphore(%arg11 : memref<!tpu.dma_semaphore, #tpu.memory_space<semaphore_mem>>) src(%dma_wait3A_315 : memref<10000x128xf32, #tpu.memory_space<hbm>>) dst(%dma_wait3A_309 : memref<64x128xf32, #tpu.memory_space<vmem>>)
        %run_scoped3A = arith.constant 2 : i32
        %run_scoped3A_316 = arith.constant 6 : i32
        %run_scoped3A_317 = arith.constant 1 : i32
        "tpu.region"() ({
          %run_scoped3A_318 = tpu.sem_alloc : memref<!tpu.dma_semaphore, #tpu.memory_space<semaphore_mem>>
          %dma_start3A_319 = arith.constant 0 : i32
          %dma_start3A_320 = arith.constant 0 : i32
          %dma_start3A_321 = tpu.memref_slice %arg8[%run_scoped3A, %dma_start3A_319, %dma_start3A_320] : memref<4x64x128xf32, #tpu.memory_space<vmem>> -> memref<1x64x128xf32, #tpu.memory_space<vmem>>
          %dma_start3A_322 = tpu.memref_squeeze %dma_start3A_321 : memref<1x64x128xf32, #tpu.memory_space<vmem>> -> memref<64x128xf32, #tpu.memory_space<vmem>>
          %dma_start3A_323 = arith.constant 0 : i32
          %dma_start3A_324 = tpu.memref_slice %arg7[%run_scoped3A_316, %run_scoped3A_317, %dma_start3A_323] : memref<8x2x64xi32, #tpu.memory_space<vmem>> -> memref<1x1x64xi32, #tpu.memory_space<vmem>>
          %dma_start3A_325 = tpu.memref_squeeze %dma_start3A_324 : memref<1x1x64xi32, #tpu.memory_space<vmem>> -> memref<64xi32, #tpu.memory_space<vmem>>
          %dma_start3A_326 = arith.constant 0 : i32
          %dma_start3A_327 = arith.constant 0 : i32
          %dma_start3A_328 = tpu.memref_slice %arg6[%dma_start3A_326, %dma_start3A_327] : memref<10112x128xf32, #tpu.memory_space<vmem_shared>> -> memref<10112x128xf32, #tpu.memory_space<vmem_shared>>
          tpu.enqueue_indirect_dma source(%dma_start3A_322 : memref<64x128xf32, #tpu.memory_space<vmem>>) target(%dma_start3A_328 : memref<10112x128xf32, #tpu.memory_space<vmem_shared>>) offsets(%dma_start3A_325 : memref<64xi32, #tpu.memory_space<vmem>>) semaphore(%run_scoped3A_318 : memref<!tpu.dma_semaphore, #tpu.memory_space<semaphore_mem>>) {add = true}
          %dma_wait3A_329 = arith.constant 0 : i32
          %dma_wait3A_330 = arith.constant 0 : i32
          %dma_wait3A_331 = tpu.memref_slice %arg8[%run_scoped3A, %dma_wait3A_329, %dma_wait3A_330] : memref<4x64x128xf32, #tpu.memory_space<vmem>> -> memref<1x64x128xf32, #tpu.memory_space<vmem>>
          %dma_wait3A_332 = tpu.memref_squeeze %dma_wait3A_331 : memref<1x64x128xf32, #tpu.memory_space<vmem>> -> memref<64x128xf32, #tpu.memory_space<vmem>>
          %dma_wait3A_333 = arith.constant 0 : i32
          %dma_wait3A_334 = tpu.memref_slice %arg7[%run_scoped3A_316, %run_scoped3A_317, %dma_wait3A_333] : memref<8x2x64xi32, #tpu.memory_space<vmem>> -> memref<1x1x64xi32, #tpu.memory_space<vmem>>
          %dma_wait3A_335 = tpu.memref_squeeze %dma_wait3A_334 : memref<1x1x64xi32, #tpu.memory_space<vmem>> -> memref<64xi32, #tpu.memory_space<vmem>>
          %dma_wait3A_336 = arith.constant 0 : i32
          %dma_wait3A_337 = arith.constant 0 : i32
          %dma_wait3A_338 = tpu.memref_slice %arg6[%dma_wait3A_336, %dma_wait3A_337] : memref<10112x128xf32, #tpu.memory_space<vmem_shared>> -> memref<10112x128xf32, #tpu.memory_space<vmem_shared>>
          tpu.wait_indirect_dma semaphore(%run_scoped3A_318 : memref<!tpu.dma_semaphore, #tpu.memory_space<semaphore_mem>>) src(%dma_wait3A_332 : memref<64x128xf32, #tpu.memory_space<vmem>>) dst(%dma_wait3A_338 : memref<10112x128xf32, #tpu.memory_space<vmem_shared>>)
          tpu.yield
        }) : () -> ()
      } else {
      }
      %add3A_179 = arith.constant 4 : i32
      %add3A_180 = arith.addi %add3A_169, %add3A_179 : i32
      %lt3A_181 = arith.cmpi slt, %add3A_180, %select_n3A : i32
      %convert_element_type3A_182 = arith.extui %lt3A_181 : i1 to i32
      %cond3A_183 = arith.constant 0 : i32
      %cond3A_184 = arith.cmpi ne, %convert_element_type3A_182, %cond3A_183 : i32
      scf.if %cond3A_184 {
        %add3A_304 = arith.addi %select_n3A_8, %add3A_169 : i32
        %add3A_305 = arith.constant 4 : i32
        %add3A_306 = arith.addi %add3A_304, %add3A_305 : i32
        %dma_start3A_307 = arith.constant 6 : i32
        %dma_start3A_308 = arith.constant 0 : i32
        %dma_start3A_309 = arith.constant 0 : i32
        %dma_start3A_310 = tpu.memref_slice %arg7[%dma_start3A_307, %dma_start3A_308, %dma_start3A_309] : memref<8x2x64xi32, #tpu.memory_space<vmem>> -> memref<1x2x64xi32, #tpu.memory_space<vmem>>
        %dma_start3A_311 = tpu.memref_squeeze %dma_start3A_310 : memref<1x2x64xi32, #tpu.memory_space<vmem>> -> memref<2x64xi32, #tpu.memory_space<vmem>>
        %dma_start3A_312 = arith.constant 0 : i32
        %dma_start3A_313 = arith.constant 0 : i32
        %dma_start3A_314 = tpu.memref_slice %arg3[%add3A_306, %dma_start3A_312, %dma_start3A_313] : memref<5120x2x64xi32, #tpu.memory_space<hbm>> -> memref<1x2x64xi32, #tpu.memory_space<hbm>>
        %dma_start3A_315 = tpu.memref_squeeze %dma_start3A_314 : memref<1x2x64xi32, #tpu.memory_space<hbm>> -> memref<2x64xi32, #tpu.memory_space<hbm>>
        %dma_start3A_316 = arith.constant 0 : i32
        %dma_start3A_317 = arith.constant 0 : i32
        %dma_start3A_318 = tpu.memref_slice %arg7[%dma_start3A_307, %dma_start3A_316, %dma_start3A_317] : memref<8x2x64xi32, #tpu.memory_space<vmem>> -> memref<1x2x64xi32, #tpu.memory_space<vmem>>
        %dma_start3A_319 = tpu.memref_squeeze %dma_start3A_318 : memref<1x2x64xi32, #tpu.memory_space<vmem>> -> memref<2x64xi32, #tpu.memory_space<vmem>>
        %dma_start3A_320 = arith.constant 0 : i32
        %dma_start3A_321 = arith.constant 0 : i32
        %dma_start3A_322 = tpu.memref_slice %arg3[%add3A_306, %dma_start3A_320, %dma_start3A_321] : memref<5120x2x64xi32, #tpu.memory_space<hbm>> -> memref<1x2x64xi32, #tpu.memory_space<hbm>>
        %dma_start3A_323 = tpu.memref_squeeze %dma_start3A_322 : memref<1x2x64xi32, #tpu.memory_space<hbm>> -> memref<2x64xi32, #tpu.memory_space<hbm>>
        tpu.enqueue_dma source(%dma_start3A_323 : memref<2x64xi32, #tpu.memory_space<hbm>>) target(%dma_start3A_319 : memref<2x64xi32, #tpu.memory_space<vmem>>) target_semaphore(%arg19 : memref<!tpu.dma_semaphore, #tpu.memory_space<semaphore_mem>>)
      } else {
      }
      %lt3A_185 = arith.cmpi slt, %add3A_169, %select_n3A : i32
      %convert_element_type3A_186 = arith.extui %lt3A_185 : i1 to i32
      %cond3A_187 = arith.constant 0 : i32
      %cond3A_188 = arith.cmpi ne, %convert_element_type3A_186, %cond3A_187 : i32
      scf.if %cond3A_188 {
        %dma_wait3A = arith.constant 2 : i32
        %dma_wait3A_304 = arith.constant 0 : i32
        %dma_wait3A_305 = arith.constant 0 : i32
        %dma_wait3A_306 = tpu.memref_slice %arg7[%dma_wait3A, %dma_wait3A_304, %dma_wait3A_305] : memref<8x2x64xi32, #tpu.memory_space<vmem>> -> memref<1x2x64xi32, #tpu.memory_space<vmem>>
        %dma_wait3A_307 = tpu.memref_squeeze %dma_wait3A_306 : memref<1x2x64xi32, #tpu.memory_space<vmem>> -> memref<2x64xi32, #tpu.memory_space<vmem>>
        %dma_wait3A_308 = arith.constant 0 : i32
        %dma_wait3A_309 = arith.constant 0 : i32
        %dma_wait3A_310 = tpu.memref_slice %arg3[%select_n3A_8, %dma_wait3A_308, %dma_wait3A_309] : memref<5120x2x64xi32, #tpu.memory_space<hbm>> -> memref<1x2x64xi32, #tpu.memory_space<hbm>>
        %dma_wait3A_311 = tpu.memref_squeeze %dma_wait3A_310 : memref<1x2x64xi32, #tpu.memory_space<hbm>> -> memref<2x64xi32, #tpu.memory_space<hbm>>
        %dma_wait3A_312 = arith.constant 0 : i32
        %dma_wait3A_313 = arith.constant 0 : i32
        %dma_wait3A_314 = tpu.memref_slice %arg7[%dma_wait3A, %dma_wait3A_312, %dma_wait3A_313] : memref<8x2x64xi32, #tpu.memory_space<vmem>> -> memref<1x2x64xi32, #tpu.memory_space<vmem>>
        %dma_wait3A_315 = tpu.memref_squeeze %dma_wait3A_314 : memref<1x2x64xi32, #tpu.memory_space<vmem>> -> memref<2x64xi32, #tpu.memory_space<vmem>>
        %dma_wait3A_316 = arith.constant 0 : i32
        %dma_wait3A_317 = arith.constant 0 : i32
        %dma_wait3A_318 = tpu.memref_slice %arg3[%select_n3A_8, %dma_wait3A_316, %dma_wait3A_317] : memref<5120x2x64xi32, #tpu.memory_space<hbm>> -> memref<1x2x64xi32, #tpu.memory_space<hbm>>
        %dma_wait3A_319 = tpu.memref_squeeze %dma_wait3A_318 : memref<1x2x64xi32, #tpu.memory_space<hbm>> -> memref<2x64xi32, #tpu.memory_space<hbm>>
        tpu.wait_dma2 semaphore(%arg15 : memref<!tpu.dma_semaphore, #tpu.memory_space<semaphore_mem>>) src(%dma_wait3A_319 : memref<2x64xi32, #tpu.memory_space<hbm>>) dst(%dma_wait3A_315 : memref<2x64xi32, #tpu.memory_space<vmem>>)
        %dma_start3A_320 = arith.constant 2 : i32
        %dma_start3A_321 = arith.constant 0 : i32
        %dma_start3A_322 = arith.constant 2 : i32
        %dma_start3A_323 = arith.constant 0 : i32
        %dma_start3A_324 = arith.constant 0 : i32
        %dma_start3A_325 = tpu.memref_slice %arg8[%dma_start3A_322, %dma_start3A_323, %dma_start3A_324] : memref<4x64x128xf32, #tpu.memory_space<vmem>> -> memref<1x64x128xf32, #tpu.memory_space<vmem>>
        %dma_start3A_326 = tpu.memref_squeeze %dma_start3A_325 : memref<1x64x128xf32, #tpu.memory_space<vmem>> -> memref<64x128xf32, #tpu.memory_space<vmem>>
        %dma_start3A_327 = arith.constant 0 : i32
        %dma_start3A_328 = tpu.memref_slice %arg7[%dma_start3A_320, %dma_start3A_321, %dma_start3A_327] : memref<8x2x64xi32, #tpu.memory_space<vmem>> -> memref<1x1x64xi32, #tpu.memory_space<vmem>>
        %dma_start3A_329 = tpu.memref_squeeze %dma_start3A_328 : memref<1x1x64xi32, #tpu.memory_space<vmem>> -> memref<64xi32, #tpu.memory_space<vmem>>
        %dma_start3A_330 = arith.constant 0 : i32
        %dma_start3A_331 = arith.constant 0 : i32
        %dma_start3A_332 = tpu.memref_slice %arg2[%dma_start3A_330, %dma_start3A_331] : memref<10000x128xf32, #tpu.memory_space<hbm>> -> memref<10000x128xf32, #tpu.memory_space<hbm>>
        tpu.enqueue_indirect_dma source(%dma_start3A_332 : memref<10000x128xf32, #tpu.memory_space<hbm>>) target(%dma_start3A_326 : memref<64x128xf32, #tpu.memory_space<vmem>>) offsets(%dma_start3A_329 : memref<64xi32, #tpu.memory_space<vmem>>) semaphore(%arg11 : memref<!tpu.dma_semaphore, #tpu.memory_space<semaphore_mem>>)
      } else {
      }
      %mul3A_189 = arith.constant 8 : i32
      %mul3A_190 = arith.muli %while3A_123, %mul3A_189 : i32
      %add3A_191 = arith.constant 3 : i32
      %add3A_192 = arith.addi %mul3A_190, %add3A_191 : i32
      %ge3A_193 = arith.constant 4 : i32
      %ge3A_194 = arith.cmpi sge, %add3A_192, %ge3A_193 : i32
      %add3A_195 = arith.constant 4 : i32
      %add3A_196 = arith.addi %select_n3A, %add3A_195 : i32
      %lt3A_197 = arith.cmpi slt, %add3A_192, %add3A_196 : i32
      %and3A_198 = arith.andi %ge3A_194, %lt3A_197 : i1
      %convert_element_type3A_199 = arith.extui %and3A_198 : i1 to i32
      %cond3A_200 = arith.constant 0 : i32
      %cond3A_201 = arith.cmpi ne, %convert_element_type3A_199, %cond3A_200 : i32
      scf.if %cond3A_201 {
        %dma_wait3A = arith.constant 7 : i32
        %dma_wait3A_304 = arith.constant 0 : i32
        %dma_wait3A_305 = arith.constant 3 : i32
        %dma_wait3A_306 = arith.constant 0 : i32
        %dma_wait3A_307 = arith.constant 0 : i32
        %dma_wait3A_308 = tpu.memref_slice %arg8[%dma_wait3A_305, %dma_wait3A_306, %dma_wait3A_307] : memref<4x64x128xf32, #tpu.memory_space<vmem>> -> memref<1x64x128xf32, #tpu.memory_space<vmem>>
        %dma_wait3A_309 = tpu.memref_squeeze %dma_wait3A_308 : memref<1x64x128xf32, #tpu.memory_space<vmem>> -> memref<64x128xf32, #tpu.memory_space<vmem>>
        %dma_wait3A_310 = arith.constant 0 : i32
        %dma_wait3A_311 = tpu.memref_slice %arg7[%dma_wait3A, %dma_wait3A_304, %dma_wait3A_310] : memref<8x2x64xi32, #tpu.memory_space<vmem>> -> memref<1x1x64xi32, #tpu.memory_space<vmem>>
        %dma_wait3A_312 = tpu.memref_squeeze %dma_wait3A_311 : memref<1x1x64xi32, #tpu.memory_space<vmem>> -> memref<64xi32, #tpu.memory_space<vmem>>
        %dma_wait3A_313 = arith.constant 0 : i32
        %dma_wait3A_314 = arith.constant 0 : i32
        %dma_wait3A_315 = tpu.memref_slice %arg2[%dma_wait3A_313, %dma_wait3A_314] : memref<10000x128xf32, #tpu.memory_space<hbm>> -> memref<10000x128xf32, #tpu.memory_space<hbm>>
        tpu.wait_indirect_dma semaphore(%arg12 : memref<!tpu.dma_semaphore, #tpu.memory_space<semaphore_mem>>) src(%dma_wait3A_315 : memref<10000x128xf32, #tpu.memory_space<hbm>>) dst(%dma_wait3A_309 : memref<64x128xf32, #tpu.memory_space<vmem>>)
        %run_scoped3A = arith.constant 3 : i32
        %run_scoped3A_316 = arith.constant 7 : i32
        %run_scoped3A_317 = arith.constant 1 : i32
        "tpu.region"() ({
          %run_scoped3A_318 = tpu.sem_alloc : memref<!tpu.dma_semaphore, #tpu.memory_space<semaphore_mem>>
          %dma_start3A_319 = arith.constant 0 : i32
          %dma_start3A_320 = arith.constant 0 : i32
          %dma_start3A_321 = tpu.memref_slice %arg8[%run_scoped3A, %dma_start3A_319, %dma_start3A_320] : memref<4x64x128xf32, #tpu.memory_space<vmem>> -> memref<1x64x128xf32, #tpu.memory_space<vmem>>
          %dma_start3A_322 = tpu.memref_squeeze %dma_start3A_321 : memref<1x64x128xf32, #tpu.memory_space<vmem>> -> memref<64x128xf32, #tpu.memory_space<vmem>>
          %dma_start3A_323 = arith.constant 0 : i32
          %dma_start3A_324 = tpu.memref_slice %arg7[%run_scoped3A_316, %run_scoped3A_317, %dma_start3A_323] : memref<8x2x64xi32, #tpu.memory_space<vmem>> -> memref<1x1x64xi32, #tpu.memory_space<vmem>>
          %dma_start3A_325 = tpu.memref_squeeze %dma_start3A_324 : memref<1x1x64xi32, #tpu.memory_space<vmem>> -> memref<64xi32, #tpu.memory_space<vmem>>
          %dma_start3A_326 = arith.constant 0 : i32
          %dma_start3A_327 = arith.constant 0 : i32
          %dma_start3A_328 = tpu.memref_slice %arg6[%dma_start3A_326, %dma_start3A_327] : memref<10112x128xf32, #tpu.memory_space<vmem_shared>> -> memref<10112x128xf32, #tpu.memory_space<vmem_shared>>
          tpu.enqueue_indirect_dma source(%dma_start3A_322 : memref<64x128xf32, #tpu.memory_space<vmem>>) target(%dma_start3A_328 : memref<10112x128xf32, #tpu.memory_space<vmem_shared>>) offsets(%dma_start3A_325 : memref<64xi32, #tpu.memory_space<vmem>>) semaphore(%run_scoped3A_318 : memref<!tpu.dma_semaphore, #tpu.memory_space<semaphore_mem>>) {add = true}
          %dma_wait3A_329 = arith.constant 0 : i32
          %dma_wait3A_330 = arith.constant 0 : i32
          %dma_wait3A_331 = tpu.memref_slice %arg8[%run_scoped3A, %dma_wait3A_329, %dma_wait3A_330] : memref<4x64x128xf32, #tpu.memory_space<vmem>> -> memref<1x64x128xf32, #tpu.memory_space<vmem>>
          %dma_wait3A_332 = tpu.memref_squeeze %dma_wait3A_331 : memref<1x64x128xf32, #tpu.memory_space<vmem>> -> memref<64x128xf32, #tpu.memory_space<vmem>>
          %dma_wait3A_333 = arith.constant 0 : i32
          %dma_wait3A_334 = tpu.memref_slice %arg7[%run_scoped3A_316, %run_scoped3A_317, %dma_wait3A_333] : memref<8x2x64xi32, #tpu.memory_space<vmem>> -> memref<1x1x64xi32, #tpu.memory_space<vmem>>
          %dma_wait3A_335 = tpu.memref_squeeze %dma_wait3A_334 : memref<1x1x64xi32, #tpu.memory_space<vmem>> -> memref<64xi32, #tpu.memory_space<vmem>>
          %dma_wait3A_336 = arith.constant 0 : i32
          %dma_wait3A_337 = arith.constant 0 : i32
          %dma_wait3A_338 = tpu.memref_slice %arg6[%dma_wait3A_336, %dma_wait3A_337] : memref<10112x128xf32, #tpu.memory_space<vmem_shared>> -> memref<10112x128xf32, #tpu.memory_space<vmem_shared>>
          tpu.wait_indirect_dma semaphore(%run_scoped3A_318 : memref<!tpu.dma_semaphore, #tpu.memory_space<semaphore_mem>>) src(%dma_wait3A_332 : memref<64x128xf32, #tpu.memory_space<vmem>>) dst(%dma_wait3A_338 : memref<10112x128xf32, #tpu.memory_space<vmem_shared>>)
          tpu.yield
        }) : () -> ()
      } else {
      }
      %add3A_202 = arith.constant 4 : i32
      %add3A_203 = arith.addi %add3A_192, %add3A_202 : i32
      %lt3A_204 = arith.cmpi slt, %add3A_203, %select_n3A : i32
      %convert_element_type3A_205 = arith.extui %lt3A_204 : i1 to i32
      %cond3A_206 = arith.constant 0 : i32
      %cond3A_207 = arith.cmpi ne, %convert_element_type3A_205, %cond3A_206 : i32
      scf.if %cond3A_207 {
        %add3A_304 = arith.addi %select_n3A_8, %add3A_192 : i32
        %add3A_305 = arith.constant 4 : i32
        %add3A_306 = arith.addi %add3A_304, %add3A_305 : i32
        %dma_start3A_307 = arith.constant 7 : i32
        %dma_start3A_308 = arith.constant 0 : i32
        %dma_start3A_309 = arith.constant 0 : i32
        %dma_start3A_310 = tpu.memref_slice %arg7[%dma_start3A_307, %dma_start3A_308, %dma_start3A_309] : memref<8x2x64xi32, #tpu.memory_space<vmem>> -> memref<1x2x64xi32, #tpu.memory_space<vmem>>
        %dma_start3A_311 = tpu.memref_squeeze %dma_start3A_310 : memref<1x2x64xi32, #tpu.memory_space<vmem>> -> memref<2x64xi32, #tpu.memory_space<vmem>>
        %dma_start3A_312 = arith.constant 0 : i32
        %dma_start3A_313 = arith.constant 0 : i32
        %dma_start3A_314 = tpu.memref_slice %arg3[%add3A_306, %dma_start3A_312, %dma_start3A_313] : memref<5120x2x64xi32, #tpu.memory_space<hbm>> -> memref<1x2x64xi32, #tpu.memory_space<hbm>>
        %dma_start3A_315 = tpu.memref_squeeze %dma_start3A_314 : memref<1x2x64xi32, #tpu.memory_space<hbm>> -> memref<2x64xi32, #tpu.memory_space<hbm>>
        %dma_start3A_316 = arith.constant 0 : i32
        %dma_start3A_317 = arith.constant 0 : i32
        %dma_start3A_318 = tpu.memref_slice %arg7[%dma_start3A_307, %dma_start3A_316, %dma_start3A_317] : memref<8x2x64xi32, #tpu.memory_space<vmem>> -> memref<1x2x64xi32, #tpu.memory_space<vmem>>
        %dma_start3A_319 = tpu.memref_squeeze %dma_start3A_318 : memref<1x2x64xi32, #tpu.memory_space<vmem>> -> memref<2x64xi32, #tpu.memory_space<vmem>>
        %dma_start3A_320 = arith.constant 0 : i32
        %dma_start3A_321 = arith.constant 0 : i32
        %dma_start3A_322 = tpu.memref_slice %arg3[%add3A_306, %dma_start3A_320, %dma_start3A_321] : memref<5120x2x64xi32, #tpu.memory_space<hbm>> -> memref<1x2x64xi32, #tpu.memory_space<hbm>>
        %dma_start3A_323 = tpu.memref_squeeze %dma_start3A_322 : memref<1x2x64xi32, #tpu.memory_space<hbm>> -> memref<2x64xi32, #tpu.memory_space<hbm>>
        tpu.enqueue_dma source(%dma_start3A_323 : memref<2x64xi32, #tpu.memory_space<hbm>>) target(%dma_start3A_319 : memref<2x64xi32, #tpu.memory_space<vmem>>) target_semaphore(%arg20 : memref<!tpu.dma_semaphore, #tpu.memory_space<semaphore_mem>>)
      } else {
      }
      %lt3A_208 = arith.cmpi slt, %add3A_192, %select_n3A : i32
      %convert_element_type3A_209 = arith.extui %lt3A_208 : i1 to i32
      %cond3A_210 = arith.constant 0 : i32
      %cond3A_211 = arith.cmpi ne, %convert_element_type3A_209, %cond3A_210 : i32
      scf.if %cond3A_211 {
        %dma_wait3A = arith.constant 3 : i32
        %dma_wait3A_304 = arith.constant 0 : i32
        %dma_wait3A_305 = arith.constant 0 : i32
        %dma_wait3A_306 = tpu.memref_slice %arg7[%dma_wait3A, %dma_wait3A_304, %dma_wait3A_305] : memref<8x2x64xi32, #tpu.memory_space<vmem>> -> memref<1x2x64xi32, #tpu.memory_space<vmem>>
        %dma_wait3A_307 = tpu.memref_squeeze %dma_wait3A_306 : memref<1x2x64xi32, #tpu.memory_space<vmem>> -> memref<2x64xi32, #tpu.memory_space<vmem>>
        %dma_wait3A_308 = arith.constant 0 : i32
        %dma_wait3A_309 = arith.constant 0 : i32
        %dma_wait3A_310 = tpu.memref_slice %arg3[%select_n3A_8, %dma_wait3A_308, %dma_wait3A_309] : memref<5120x2x64xi32, #tpu.memory_space<hbm>> -> memref<1x2x64xi32, #tpu.memory_space<hbm>>
        %dma_wait3A_311 = tpu.memref_squeeze %dma_wait3A_310 : memref<1x2x64xi32, #tpu.memory_space<hbm>> -> memref<2x64xi32, #tpu.memory_space<hbm>>
        %dma_wait3A_312 = arith.constant 0 : i32
        %dma_wait3A_313 = arith.constant 0 : i32
        %dma_wait3A_314 = tpu.memref_slice %arg7[%dma_wait3A, %dma_wait3A_312, %dma_wait3A_313] : memref<8x2x64xi32, #tpu.memory_space<vmem>> -> memref<1x2x64xi32, #tpu.memory_space<vmem>>
        %dma_wait3A_315 = tpu.memref_squeeze %dma_wait3A_314 : memref<1x2x64xi32, #tpu.memory_space<vmem>> -> memref<2x64xi32, #tpu.memory_space<vmem>>
        %dma_wait3A_316 = arith.constant 0 : i32
        %dma_wait3A_317 = arith.constant 0 : i32
        %dma_wait3A_318 = tpu.memref_slice %arg3[%select_n3A_8, %dma_wait3A_316, %dma_wait3A_317] : memref<5120x2x64xi32, #tpu.memory_space<hbm>> -> memref<1x2x64xi32, #tpu.memory_space<hbm>>
        %dma_wait3A_319 = tpu.memref_squeeze %dma_wait3A_318 : memref<1x2x64xi32, #tpu.memory_space<hbm>> -> memref<2x64xi32, #tpu.memory_space<hbm>>
        tpu.wait_dma2 semaphore(%arg16 : memref<!tpu.dma_semaphore, #tpu.memory_space<semaphore_mem>>) src(%dma_wait3A_319 : memref<2x64xi32, #tpu.memory_space<hbm>>) dst(%dma_wait3A_315 : memref<2x64xi32, #tpu.memory_space<vmem>>)
        %dma_start3A_320 = arith.constant 3 : i32
        %dma_start3A_321 = arith.constant 0 : i32
        %dma_start3A_322 = arith.constant 3 : i32
        %dma_start3A_323 = arith.constant 0 : i32
        %dma_start3A_324 = arith.constant 0 : i32
        %dma_start3A_325 = tpu.memref_slice %arg8[%dma_start3A_322, %dma_start3A_323, %dma_start3A_324] : memref<4x64x128xf32, #tpu.memory_space<vmem>> -> memref<1x64x128xf32, #tpu.memory_space<vmem>>
        %dma_start3A_326 = tpu.memref_squeeze %dma_start3A_325 : memref<1x64x128xf32, #tpu.memory_space<vmem>> -> memref<64x128xf32, #tpu.memory_space<vmem>>
        %dma_start3A_327 = arith.constant 0 : i32
        %dma_start3A_328 = tpu.memref_slice %arg7[%dma_start3A_320, %dma_start3A_321, %dma_start3A_327] : memref<8x2x64xi32, #tpu.memory_space<vmem>> -> memref<1x1x64xi32, #tpu.memory_space<vmem>>
        %dma_start3A_329 = tpu.memref_squeeze %dma_start3A_328 : memref<1x1x64xi32, #tpu.memory_space<vmem>> -> memref<64xi32, #tpu.memory_space<vmem>>
        %dma_start3A_330 = arith.constant 0 : i32
        %dma_start3A_331 = arith.constant 0 : i32
        %dma_start3A_332 = tpu.memref_slice %arg2[%dma_start3A_330, %dma_start3A_331] : memref<10000x128xf32, #tpu.memory_space<hbm>> -> memref<10000x128xf32, #tpu.memory_space<hbm>>
        tpu.enqueue_indirect_dma source(%dma_start3A_332 : memref<10000x128xf32, #tpu.memory_space<hbm>>) target(%dma_start3A_326 : memref<64x128xf32, #tpu.memory_space<vmem>>) offsets(%dma_start3A_329 : memref<64xi32, #tpu.memory_space<vmem>>) semaphore(%arg12 : memref<!tpu.dma_semaphore, #tpu.memory_space<semaphore_mem>>)
      } else {
      }
      %mul3A_212 = arith.constant 8 : i32
      %mul3A_213 = arith.muli %while3A_123, %mul3A_212 : i32
      %add3A_214 = arith.constant 4 : i32
      %add3A_215 = arith.addi %mul3A_213, %add3A_214 : i32
      %ge3A_216 = arith.constant 4 : i32
      %ge3A_217 = arith.cmpi sge, %add3A_215, %ge3A_216 : i32
      %add3A_218 = arith.constant 4 : i32
      %add3A_219 = arith.addi %select_n3A, %add3A_218 : i32
      %lt3A_220 = arith.cmpi slt, %add3A_215, %add3A_219 : i32
      %and3A_221 = arith.andi %ge3A_217, %lt3A_220 : i1
      %convert_element_type3A_222 = arith.extui %and3A_221 : i1 to i32
      %cond3A_223 = arith.constant 0 : i32
      %cond3A_224 = arith.cmpi ne, %convert_element_type3A_222, %cond3A_223 : i32
      scf.if %cond3A_224 {
        %dma_wait3A = arith.constant 0 : i32
        %dma_wait3A_304 = arith.constant 0 : i32
        %dma_wait3A_305 = arith.constant 0 : i32
        %dma_wait3A_306 = arith.constant 0 : i32
        %dma_wait3A_307 = arith.constant 0 : i32
        %dma_wait3A_308 = tpu.memref_slice %arg8[%dma_wait3A_305, %dma_wait3A_306, %dma_wait3A_307] : memref<4x64x128xf32, #tpu.memory_space<vmem>> -> memref<1x64x128xf32, #tpu.memory_space<vmem>>
        %dma_wait3A_309 = tpu.memref_squeeze %dma_wait3A_308 : memref<1x64x128xf32, #tpu.memory_space<vmem>> -> memref<64x128xf32, #tpu.memory_space<vmem>>
        %dma_wait3A_310 = arith.constant 0 : i32
        %dma_wait3A_311 = tpu.memref_slice %arg7[%dma_wait3A, %dma_wait3A_304, %dma_wait3A_310] : memref<8x2x64xi32, #tpu.memory_space<vmem>> -> memref<1x1x64xi32, #tpu.memory_space<vmem>>
        %dma_wait3A_312 = tpu.memref_squeeze %dma_wait3A_311 : memref<1x1x64xi32, #tpu.memory_space<vmem>> -> memref<64xi32, #tpu.memory_space<vmem>>
        %dma_wait3A_313 = arith.constant 0 : i32
        %dma_wait3A_314 = arith.constant 0 : i32
        %dma_wait3A_315 = tpu.memref_slice %arg2[%dma_wait3A_313, %dma_wait3A_314] : memref<10000x128xf32, #tpu.memory_space<hbm>> -> memref<10000x128xf32, #tpu.memory_space<hbm>>
        tpu.wait_indirect_dma semaphore(%arg9 : memref<!tpu.dma_semaphore, #tpu.memory_space<semaphore_mem>>) src(%dma_wait3A_315 : memref<10000x128xf32, #tpu.memory_space<hbm>>) dst(%dma_wait3A_309 : memref<64x128xf32, #tpu.memory_space<vmem>>)
        %run_scoped3A = arith.constant 0 : i32
        %run_scoped3A_316 = arith.constant 0 : i32
        %run_scoped3A_317 = arith.constant 1 : i32
        "tpu.region"() ({
          %run_scoped3A_318 = tpu.sem_alloc : memref<!tpu.dma_semaphore, #tpu.memory_space<semaphore_mem>>
          %dma_start3A_319 = arith.constant 0 : i32
          %dma_start3A_320 = arith.constant 0 : i32
          %dma_start3A_321 = tpu.memref_slice %arg8[%run_scoped3A, %dma_start3A_319, %dma_start3A_320] : memref<4x64x128xf32, #tpu.memory_space<vmem>> -> memref<1x64x128xf32, #tpu.memory_space<vmem>>
          %dma_start3A_322 = tpu.memref_squeeze %dma_start3A_321 : memref<1x64x128xf32, #tpu.memory_space<vmem>> -> memref<64x128xf32, #tpu.memory_space<vmem>>
          %dma_start3A_323 = arith.constant 0 : i32
          %dma_start3A_324 = tpu.memref_slice %arg7[%run_scoped3A_316, %run_scoped3A_317, %dma_start3A_323] : memref<8x2x64xi32, #tpu.memory_space<vmem>> -> memref<1x1x64xi32, #tpu.memory_space<vmem>>
          %dma_start3A_325 = tpu.memref_squeeze %dma_start3A_324 : memref<1x1x64xi32, #tpu.memory_space<vmem>> -> memref<64xi32, #tpu.memory_space<vmem>>
          %dma_start3A_326 = arith.constant 0 : i32
          %dma_start3A_327 = arith.constant 0 : i32
          %dma_start3A_328 = tpu.memref_slice %arg6[%dma_start3A_326, %dma_start3A_327] : memref<10112x128xf32, #tpu.memory_space<vmem_shared>> -> memref<10112x128xf32, #tpu.memory_space<vmem_shared>>
          tpu.enqueue_indirect_dma source(%dma_start3A_322 : memref<64x128xf32, #tpu.memory_space<vmem>>) target(%dma_start3A_328 : memref<10112x128xf32, #tpu.memory_space<vmem_shared>>) offsets(%dma_start3A_325 : memref<64xi32, #tpu.memory_space<vmem>>) semaphore(%run_scoped3A_318 : memref<!tpu.dma_semaphore, #tpu.memory_space<semaphore_mem>>) {add = true}
          %dma_wait3A_329 = arith.constant 0 : i32
          %dma_wait3A_330 = arith.constant 0 : i32
          %dma_wait3A_331 = tpu.memref_slice %arg8[%run_scoped3A, %dma_wait3A_329, %dma_wait3A_330] : memref<4x64x128xf32, #tpu.memory_space<vmem>> -> memref<1x64x128xf32, #tpu.memory_space<vmem>>
          %dma_wait3A_332 = tpu.memref_squeeze %dma_wait3A_331 : memref<1x64x128xf32, #tpu.memory_space<vmem>> -> memref<64x128xf32, #tpu.memory_space<vmem>>
          %dma_wait3A_333 = arith.constant 0 : i32
          %dma_wait3A_334 = tpu.memref_slice %arg7[%run_scoped3A_316, %run_scoped3A_317, %dma_wait3A_333] : memref<8x2x64xi32, #tpu.memory_space<vmem>> -> memref<1x1x64xi32, #tpu.memory_space<vmem>>
          %dma_wait3A_335 = tpu.memref_squeeze %dma_wait3A_334 : memref<1x1x64xi32, #tpu.memory_space<vmem>> -> memref<64xi32, #tpu.memory_space<vmem>>
          %dma_wait3A_336 = arith.constant 0 : i32
          %dma_wait3A_337 = arith.constant 0 : i32
          %dma_wait3A_338 = tpu.memref_slice %arg6[%dma_wait3A_336, %dma_wait3A_337] : memref<10112x128xf32, #tpu.memory_space<vmem_shared>> -> memref<10112x128xf32, #tpu.memory_space<vmem_shared>>
          tpu.wait_indirect_dma semaphore(%run_scoped3A_318 : memref<!tpu.dma_semaphore, #tpu.memory_space<semaphore_mem>>) src(%dma_wait3A_332 : memref<64x128xf32, #tpu.memory_space<vmem>>) dst(%dma_wait3A_338 : memref<10112x128xf32, #tpu.memory_space<vmem_shared>>)
          tpu.yield
        }) : () -> ()
      } else {
      }
      %add3A_225 = arith.constant 4 : i32
      %add3A_226 = arith.addi %add3A_215, %add3A_225 : i32
      %lt3A_227 = arith.cmpi slt, %add3A_226, %select_n3A : i32
      %convert_element_type3A_228 = arith.extui %lt3A_227 : i1 to i32
      %cond3A_229 = arith.constant 0 : i32
      %cond3A_230 = arith.cmpi ne, %convert_element_type3A_228, %cond3A_229 : i32
      scf.if %cond3A_230 {
        %add3A_304 = arith.addi %select_n3A_8, %add3A_215 : i32
        %add3A_305 = arith.constant 4 : i32
        %add3A_306 = arith.addi %add3A_304, %add3A_305 : i32
        %dma_start3A_307 = arith.constant 0 : i32
        %dma_start3A_308 = arith.constant 0 : i32
        %dma_start3A_309 = arith.constant 0 : i32
        %dma_start3A_310 = tpu.memref_slice %arg7[%dma_start3A_307, %dma_start3A_308, %dma_start3A_309] : memref<8x2x64xi32, #tpu.memory_space<vmem>> -> memref<1x2x64xi32, #tpu.memory_space<vmem>>
        %dma_start3A_311 = tpu.memref_squeeze %dma_start3A_310 : memref<1x2x64xi32, #tpu.memory_space<vmem>> -> memref<2x64xi32, #tpu.memory_space<vmem>>
        %dma_start3A_312 = arith.constant 0 : i32
        %dma_start3A_313 = arith.constant 0 : i32
        %dma_start3A_314 = tpu.memref_slice %arg3[%add3A_306, %dma_start3A_312, %dma_start3A_313] : memref<5120x2x64xi32, #tpu.memory_space<hbm>> -> memref<1x2x64xi32, #tpu.memory_space<hbm>>
        %dma_start3A_315 = tpu.memref_squeeze %dma_start3A_314 : memref<1x2x64xi32, #tpu.memory_space<hbm>> -> memref<2x64xi32, #tpu.memory_space<hbm>>
        %dma_start3A_316 = arith.constant 0 : i32
        %dma_start3A_317 = arith.constant 0 : i32
        %dma_start3A_318 = tpu.memref_slice %arg7[%dma_start3A_307, %dma_start3A_316, %dma_start3A_317] : memref<8x2x64xi32, #tpu.memory_space<vmem>> -> memref<1x2x64xi32, #tpu.memory_space<vmem>>
        %dma_start3A_319 = tpu.memref_squeeze %dma_start3A_318 : memref<1x2x64xi32, #tpu.memory_space<vmem>> -> memref<2x64xi32, #tpu.memory_space<vmem>>
        %dma_start3A_320 = arith.constant 0 : i32
        %dma_start3A_321 = arith.constant 0 : i32
        %dma_start3A_322 = tpu.memref_slice %arg3[%add3A_306, %dma_start3A_320, %dma_start3A_321] : memref<5120x2x64xi32, #tpu.memory_space<hbm>> -> memref<1x2x64xi32, #tpu.memory_space<hbm>>
        %dma_start3A_323 = tpu.memref_squeeze %dma_start3A_322 : memref<1x2x64xi32, #tpu.memory_space<hbm>> -> memref<2x64xi32, #tpu.memory_space<hbm>>
        tpu.enqueue_dma source(%dma_start3A_323 : memref<2x64xi32, #tpu.memory_space<hbm>>) target(%dma_start3A_319 : memref<2x64xi32, #tpu.memory_space<vmem>>) target_semaphore(%arg13 : memref<!tpu.dma_semaphore, #tpu.memory_space<semaphore_mem>>)
      } else {
      }
      %lt3A_231 = arith.cmpi slt, %add3A_215, %select_n3A : i32
      %convert_element_type3A_232 = arith.extui %lt3A_231 : i1 to i32
      %cond3A_233 = arith.constant 0 : i32
      %cond3A_234 = arith.cmpi ne, %convert_element_type3A_232, %cond3A_233 : i32
      scf.if %cond3A_234 {
        %dma_wait3A = arith.constant 4 : i32
        %dma_wait3A_304 = arith.constant 0 : i32
        %dma_wait3A_305 = arith.constant 0 : i32
        %dma_wait3A_306 = tpu.memref_slice %arg7[%dma_wait3A, %dma_wait3A_304, %dma_wait3A_305] : memref<8x2x64xi32, #tpu.memory_space<vmem>> -> memref<1x2x64xi32, #tpu.memory_space<vmem>>
        %dma_wait3A_307 = tpu.memref_squeeze %dma_wait3A_306 : memref<1x2x64xi32, #tpu.memory_space<vmem>> -> memref<2x64xi32, #tpu.memory_space<vmem>>
        %dma_wait3A_308 = arith.constant 0 : i32
        %dma_wait3A_309 = arith.constant 0 : i32
        %dma_wait3A_310 = tpu.memref_slice %arg3[%select_n3A_8, %dma_wait3A_308, %dma_wait3A_309] : memref<5120x2x64xi32, #tpu.memory_space<hbm>> -> memref<1x2x64xi32, #tpu.memory_space<hbm>>
        %dma_wait3A_311 = tpu.memref_squeeze %dma_wait3A_310 : memref<1x2x64xi32, #tpu.memory_space<hbm>> -> memref<2x64xi32, #tpu.memory_space<hbm>>
        %dma_wait3A_312 = arith.constant 0 : i32
        %dma_wait3A_313 = arith.constant 0 : i32
        %dma_wait3A_314 = tpu.memref_slice %arg7[%dma_wait3A, %dma_wait3A_312, %dma_wait3A_313] : memref<8x2x64xi32, #tpu.memory_space<vmem>> -> memref<1x2x64xi32, #tpu.memory_space<vmem>>
        %dma_wait3A_315 = tpu.memref_squeeze %dma_wait3A_314 : memref<1x2x64xi32, #tpu.memory_space<vmem>> -> memref<2x64xi32, #tpu.memory_space<vmem>>
        %dma_wait3A_316 = arith.constant 0 : i32
        %dma_wait3A_317 = arith.constant 0 : i32
        %dma_wait3A_318 = tpu.memref_slice %arg3[%select_n3A_8, %dma_wait3A_316, %dma_wait3A_317] : memref<5120x2x64xi32, #tpu.memory_space<hbm>> -> memref<1x2x64xi32, #tpu.memory_space<hbm>>
        %dma_wait3A_319 = tpu.memref_squeeze %dma_wait3A_318 : memref<1x2x64xi32, #tpu.memory_space<hbm>> -> memref<2x64xi32, #tpu.memory_space<hbm>>
        tpu.wait_dma2 semaphore(%arg17 : memref<!tpu.dma_semaphore, #tpu.memory_space<semaphore_mem>>) src(%dma_wait3A_319 : memref<2x64xi32, #tpu.memory_space<hbm>>) dst(%dma_wait3A_315 : memref<2x64xi32, #tpu.memory_space<vmem>>)
        %dma_start3A_320 = arith.constant 4 : i32
        %dma_start3A_321 = arith.constant 0 : i32
        %dma_start3A_322 = arith.constant 0 : i32
        %dma_start3A_323 = arith.constant 0 : i32
        %dma_start3A_324 = arith.constant 0 : i32
        %dma_start3A_325 = tpu.memref_slice %arg8[%dma_start3A_322, %dma_start3A_323, %dma_start3A_324] : memref<4x64x128xf32, #tpu.memory_space<vmem>> -> memref<1x64x128xf32, #tpu.memory_space<vmem>>
        %dma_start3A_326 = tpu.memref_squeeze %dma_start3A_325 : memref<1x64x128xf32, #tpu.memory_space<vmem>> -> memref<64x128xf32, #tpu.memory_space<vmem>>
        %dma_start3A_327 = arith.constant 0 : i32
        %dma_start3A_328 = tpu.memref_slice %arg7[%dma_start3A_320, %dma_start3A_321, %dma_start3A_327] : memref<8x2x64xi32, #tpu.memory_space<vmem>> -> memref<1x1x64xi32, #tpu.memory_space<vmem>>
        %dma_start3A_329 = tpu.memref_squeeze %dma_start3A_328 : memref<1x1x64xi32, #tpu.memory_space<vmem>> -> memref<64xi32, #tpu.memory_space<vmem>>
        %dma_start3A_330 = arith.constant 0 : i32
        %dma_start3A_331 = arith.constant 0 : i32
        %dma_start3A_332 = tpu.memref_slice %arg2[%dma_start3A_330, %dma_start3A_331] : memref<10000x128xf32, #tpu.memory_space<hbm>> -> memref<10000x128xf32, #tpu.memory_space<hbm>>
        tpu.enqueue_indirect_dma source(%dma_start3A_332 : memref<10000x128xf32, #tpu.memory_space<hbm>>) target(%dma_start3A_326 : memref<64x128xf32, #tpu.memory_space<vmem>>) offsets(%dma_start3A_329 : memref<64xi32, #tpu.memory_space<vmem>>) semaphore(%arg9 : memref<!tpu.dma_semaphore, #tpu.memory_space<semaphore_mem>>)
      } else {
      }
      %mul3A_235 = arith.constant 8 : i32
      %mul3A_236 = arith.muli %while3A_123, %mul3A_235 : i32
      %add3A_237 = arith.constant 5 : i32
      %add3A_238 = arith.addi %mul3A_236, %add3A_237 : i32
      %ge3A_239 = arith.constant 4 : i32
      %ge3A_240 = arith.cmpi sge, %add3A_238, %ge3A_239 : i32
      %add3A_241 = arith.constant 4 : i32
      %add3A_242 = arith.addi %select_n3A, %add3A_241 : i32
      %lt3A_243 = arith.cmpi slt, %add3A_238, %add3A_242 : i32
      %and3A_244 = arith.andi %ge3A_240, %lt3A_243 : i1
      %convert_element_type3A_245 = arith.extui %and3A_244 : i1 to i32
      %cond3A_246 = arith.constant 0 : i32
      %cond3A_247 = arith.cmpi ne, %convert_element_type3A_245, %cond3A_246 : i32
      scf.if %cond3A_247 {
        %dma_wait3A = arith.constant 1 : i32
        %dma_wait3A_304 = arith.constant 0 : i32
        %dma_wait3A_305 = arith.constant 1 : i32
        %dma_wait3A_306 = arith.constant 0 : i32
        %dma_wait3A_307 = arith.constant 0 : i32
        %dma_wait3A_308 = tpu.memref_slice %arg8[%dma_wait3A_305, %dma_wait3A_306, %dma_wait3A_307] : memref<4x64x128xf32, #tpu.memory_space<vmem>> -> memref<1x64x128xf32, #tpu.memory_space<vmem>>
        %dma_wait3A_309 = tpu.memref_squeeze %dma_wait3A_308 : memref<1x64x128xf32, #tpu.memory_space<vmem>> -> memref<64x128xf32, #tpu.memory_space<vmem>>
        %dma_wait3A_310 = arith.constant 0 : i32
        %dma_wait3A_311 = tpu.memref_slice %arg7[%dma_wait3A, %dma_wait3A_304, %dma_wait3A_310] : memref<8x2x64xi32, #tpu.memory_space<vmem>> -> memref<1x1x64xi32, #tpu.memory_space<vmem>>
        %dma_wait3A_312 = tpu.memref_squeeze %dma_wait3A_311 : memref<1x1x64xi32, #tpu.memory_space<vmem>> -> memref<64xi32, #tpu.memory_space<vmem>>
        %dma_wait3A_313 = arith.constant 0 : i32
        %dma_wait3A_314 = arith.constant 0 : i32
        %dma_wait3A_315 = tpu.memref_slice %arg2[%dma_wait3A_313, %dma_wait3A_314] : memref<10000x128xf32, #tpu.memory_space<hbm>> -> memref<10000x128xf32, #tpu.memory_space<hbm>>
        tpu.wait_indirect_dma semaphore(%arg10 : memref<!tpu.dma_semaphore, #tpu.memory_space<semaphore_mem>>) src(%dma_wait3A_315 : memref<10000x128xf32, #tpu.memory_space<hbm>>) dst(%dma_wait3A_309 : memref<64x128xf32, #tpu.memory_space<vmem>>)
        %run_scoped3A = arith.constant 1 : i32
        %run_scoped3A_316 = arith.constant 1 : i32
        %run_scoped3A_317 = arith.constant 1 : i32
        "tpu.region"() ({
          %run_scoped3A_318 = tpu.sem_alloc : memref<!tpu.dma_semaphore, #tpu.memory_space<semaphore_mem>>
          %dma_start3A_319 = arith.constant 0 : i32
          %dma_start3A_320 = arith.constant 0 : i32
          %dma_start3A_321 = tpu.memref_slice %arg8[%run_scoped3A, %dma_start3A_319, %dma_start3A_320] : memref<4x64x128xf32, #tpu.memory_space<vmem>> -> memref<1x64x128xf32, #tpu.memory_space<vmem>>
          %dma_start3A_322 = tpu.memref_squeeze %dma_start3A_321 : memref<1x64x128xf32, #tpu.memory_space<vmem>> -> memref<64x128xf32, #tpu.memory_space<vmem>>
          %dma_start3A_323 = arith.constant 0 : i32
          %dma_start3A_324 = tpu.memref_slice %arg7[%run_scoped3A_316, %run_scoped3A_317, %dma_start3A_323] : memref<8x2x64xi32, #tpu.memory_space<vmem>> -> memref<1x1x64xi32, #tpu.memory_space<vmem>>
          %dma_start3A_325 = tpu.memref_squeeze %dma_start3A_324 : memref<1x1x64xi32, #tpu.memory_space<vmem>> -> memref<64xi32, #tpu.memory_space<vmem>>
          %dma_start3A_326 = arith.constant 0 : i32
          %dma_start3A_327 = arith.constant 0 : i32
          %dma_start3A_328 = tpu.memref_slice %arg6[%dma_start3A_326, %dma_start3A_327] : memref<10112x128xf32, #tpu.memory_space<vmem_shared>> -> memref<10112x128xf32, #tpu.memory_space<vmem_shared>>
          tpu.enqueue_indirect_dma source(%dma_start3A_322 : memref<64x128xf32, #tpu.memory_space<vmem>>) target(%dma_start3A_328 : memref<10112x128xf32, #tpu.memory_space<vmem_shared>>) offsets(%dma_start3A_325 : memref<64xi32, #tpu.memory_space<vmem>>) semaphore(%run_scoped3A_318 : memref<!tpu.dma_semaphore, #tpu.memory_space<semaphore_mem>>) {add = true}
          %dma_wait3A_329 = arith.constant 0 : i32
          %dma_wait3A_330 = arith.constant 0 : i32
          %dma_wait3A_331 = tpu.memref_slice %arg8[%run_scoped3A, %dma_wait3A_329, %dma_wait3A_330] : memref<4x64x128xf32, #tpu.memory_space<vmem>> -> memref<1x64x128xf32, #tpu.memory_space<vmem>>
          %dma_wait3A_332 = tpu.memref_squeeze %dma_wait3A_331 : memref<1x64x128xf32, #tpu.memory_space<vmem>> -> memref<64x128xf32, #tpu.memory_space<vmem>>
          %dma_wait3A_333 = arith.constant 0 : i32
          %dma_wait3A_334 = tpu.memref_slice %arg7[%run_scoped3A_316, %run_scoped3A_317, %dma_wait3A_333] : memref<8x2x64xi32, #tpu.memory_space<vmem>> -> memref<1x1x64xi32, #tpu.memory_space<vmem>>
          %dma_wait3A_335 = tpu.memref_squeeze %dma_wait3A_334 : memref<1x1x64xi32, #tpu.memory_space<vmem>> -> memref<64xi32, #tpu.memory_space<vmem>>
          %dma_wait3A_336 = arith.constant 0 : i32
          %dma_wait3A_337 = arith.constant 0 : i32
          %dma_wait3A_338 = tpu.memref_slice %arg6[%dma_wait3A_336, %dma_wait3A_337] : memref<10112x128xf32, #tpu.memory_space<vmem_shared>> -> memref<10112x128xf32, #tpu.memory_space<vmem_shared>>
          tpu.wait_indirect_dma semaphore(%run_scoped3A_318 : memref<!tpu.dma_semaphore, #tpu.memory_space<semaphore_mem>>) src(%dma_wait3A_332 : memref<64x128xf32, #tpu.memory_space<vmem>>) dst(%dma_wait3A_338 : memref<10112x128xf32, #tpu.memory_space<vmem_shared>>)
          tpu.yield
        }) : () -> ()
      } else {
      }
      %add3A_248 = arith.constant 4 : i32
      %add3A_249 = arith.addi %add3A_238, %add3A_248 : i32
      %lt3A_250 = arith.cmpi slt, %add3A_249, %select_n3A : i32
      %convert_element_type3A_251 = arith.extui %lt3A_250 : i1 to i32
      %cond3A_252 = arith.constant 0 : i32
      %cond3A_253 = arith.cmpi ne, %convert_element_type3A_251, %cond3A_252 : i32
      scf.if %cond3A_253 {
        %add3A_304 = arith.addi %select_n3A_8, %add3A_238 : i32
        %add3A_305 = arith.constant 4 : i32
        %add3A_306 = arith.addi %add3A_304, %add3A_305 : i32
        %dma_start3A_307 = arith.constant 1 : i32
        %dma_start3A_308 = arith.constant 0 : i32
        %dma_start3A_309 = arith.constant 0 : i32
        %dma_start3A_310 = tpu.memref_slice %arg7[%dma_start3A_307, %dma_start3A_308, %dma_start3A_309] : memref<8x2x64xi32, #tpu.memory_space<vmem>> -> memref<1x2x64xi32, #tpu.memory_space<vmem>>
        %dma_start3A_311 = tpu.memref_squeeze %dma_start3A_310 : memref<1x2x64xi32, #tpu.memory_space<vmem>> -> memref<2x64xi32, #tpu.memory_space<vmem>>
        %dma_start3A_312 = arith.constant 0 : i32
        %dma_start3A_313 = arith.constant 0 : i32
        %dma_start3A_314 = tpu.memref_slice %arg3[%add3A_306, %dma_start3A_312, %dma_start3A_313] : memref<5120x2x64xi32, #tpu.memory_space<hbm>> -> memref<1x2x64xi32, #tpu.memory_space<hbm>>
        %dma_start3A_315 = tpu.memref_squeeze %dma_start3A_314 : memref<1x2x64xi32, #tpu.memory_space<hbm>> -> memref<2x64xi32, #tpu.memory_space<hbm>>
        %dma_start3A_316 = arith.constant 0 : i32
        %dma_start3A_317 = arith.constant 0 : i32
        %dma_start3A_318 = tpu.memref_slice %arg7[%dma_start3A_307, %dma_start3A_316, %dma_start3A_317] : memref<8x2x64xi32, #tpu.memory_space<vmem>> -> memref<1x2x64xi32, #tpu.memory_space<vmem>>
        %dma_start3A_319 = tpu.memref_squeeze %dma_start3A_318 : memref<1x2x64xi32, #tpu.memory_space<vmem>> -> memref<2x64xi32, #tpu.memory_space<vmem>>
        %dma_start3A_320 = arith.constant 0 : i32
        %dma_start3A_321 = arith.constant 0 : i32
        %dma_start3A_322 = tpu.memref_slice %arg3[%add3A_306, %dma_start3A_320, %dma_start3A_321] : memref<5120x2x64xi32, #tpu.memory_space<hbm>> -> memref<1x2x64xi32, #tpu.memory_space<hbm>>
        %dma_start3A_323 = tpu.memref_squeeze %dma_start3A_322 : memref<1x2x64xi32, #tpu.memory_space<hbm>> -> memref<2x64xi32, #tpu.memory_space<hbm>>
        tpu.enqueue_dma source(%dma_start3A_323 : memref<2x64xi32, #tpu.memory_space<hbm>>) target(%dma_start3A_319 : memref<2x64xi32, #tpu.memory_space<vmem>>) target_semaphore(%arg14 : memref<!tpu.dma_semaphore, #tpu.memory_space<semaphore_mem>>)
      } else {
      }
      %lt3A_254 = arith.cmpi slt, %add3A_238, %select_n3A : i32
      %convert_element_type3A_255 = arith.extui %lt3A_254 : i1 to i32
      %cond3A_256 = arith.constant 0 : i32
      %cond3A_257 = arith.cmpi ne, %convert_element_type3A_255, %cond3A_256 : i32
      scf.if %cond3A_257 {
        %dma_wait3A = arith.constant 5 : i32
        %dma_wait3A_304 = arith.constant 0 : i32
        %dma_wait3A_305 = arith.constant 0 : i32
        %dma_wait3A_306 = tpu.memref_slice %arg7[%dma_wait3A, %dma_wait3A_304, %dma_wait3A_305] : memref<8x2x64xi32, #tpu.memory_space<vmem>> -> memref<1x2x64xi32, #tpu.memory_space<vmem>>
        %dma_wait3A_307 = tpu.memref_squeeze %dma_wait3A_306 : memref<1x2x64xi32, #tpu.memory_space<vmem>> -> memref<2x64xi32, #tpu.memory_space<vmem>>
        %dma_wait3A_308 = arith.constant 0 : i32
        %dma_wait3A_309 = arith.constant 0 : i32
        %dma_wait3A_310 = tpu.memref_slice %arg3[%select_n3A_8, %dma_wait3A_308, %dma_wait3A_309] : memref<5120x2x64xi32, #tpu.memory_space<hbm>> -> memref<1x2x64xi32, #tpu.memory_space<hbm>>
        %dma_wait3A_311 = tpu.memref_squeeze %dma_wait3A_310 : memref<1x2x64xi32, #tpu.memory_space<hbm>> -> memref<2x64xi32, #tpu.memory_space<hbm>>
        %dma_wait3A_312 = arith.constant 0 : i32
        %dma_wait3A_313 = arith.constant 0 : i32
        %dma_wait3A_314 = tpu.memref_slice %arg7[%dma_wait3A, %dma_wait3A_312, %dma_wait3A_313] : memref<8x2x64xi32, #tpu.memory_space<vmem>> -> memref<1x2x64xi32, #tpu.memory_space<vmem>>
        %dma_wait3A_315 = tpu.memref_squeeze %dma_wait3A_314 : memref<1x2x64xi32, #tpu.memory_space<vmem>> -> memref<2x64xi32, #tpu.memory_space<vmem>>
        %dma_wait3A_316 = arith.constant 0 : i32
        %dma_wait3A_317 = arith.constant 0 : i32
        %dma_wait3A_318 = tpu.memref_slice %arg3[%select_n3A_8, %dma_wait3A_316, %dma_wait3A_317] : memref<5120x2x64xi32, #tpu.memory_space<hbm>> -> memref<1x2x64xi32, #tpu.memory_space<hbm>>
        %dma_wait3A_319 = tpu.memref_squeeze %dma_wait3A_318 : memref<1x2x64xi32, #tpu.memory_space<hbm>> -> memref<2x64xi32, #tpu.memory_space<hbm>>
        tpu.wait_dma2 semaphore(%arg18 : memref<!tpu.dma_semaphore, #tpu.memory_space<semaphore_mem>>) src(%dma_wait3A_319 : memref<2x64xi32, #tpu.memory_space<hbm>>) dst(%dma_wait3A_315 : memref<2x64xi32, #tpu.memory_space<vmem>>)
        %dma_start3A_320 = arith.constant 5 : i32
        %dma_start3A_321 = arith.constant 0 : i32
        %dma_start3A_322 = arith.constant 1 : i32
        %dma_start3A_323 = arith.constant 0 : i32
        %dma_start3A_324 = arith.constant 0 : i32
        %dma_start3A_325 = tpu.memref_slice %arg8[%dma_start3A_322, %dma_start3A_323, %dma_start3A_324] : memref<4x64x128xf32, #tpu.memory_space<vmem>> -> memref<1x64x128xf32, #tpu.memory_space<vmem>>
        %dma_start3A_326 = tpu.memref_squeeze %dma_start3A_325 : memref<1x64x128xf32, #tpu.memory_space<vmem>> -> memref<64x128xf32, #tpu.memory_space<vmem>>
        %dma_start3A_327 = arith.constant 0 : i32
        %dma_start3A_328 = tpu.memref_slice %arg7[%dma_start3A_320, %dma_start3A_321, %dma_start3A_327] : memref<8x2x64xi32, #tpu.memory_space<vmem>> -> memref<1x1x64xi32, #tpu.memory_space<vmem>>
        %dma_start3A_329 = tpu.memref_squeeze %dma_start3A_328 : memref<1x1x64xi32, #tpu.memory_space<vmem>> -> memref<64xi32, #tpu.memory_space<vmem>>
        %dma_start3A_330 = arith.constant 0 : i32
        %dma_start3A_331 = arith.constant 0 : i32
        %dma_start3A_332 = tpu.memref_slice %arg2[%dma_start3A_330, %dma_start3A_331] : memref<10000x128xf32, #tpu.memory_space<hbm>> -> memref<10000x128xf32, #tpu.memory_space<hbm>>
        tpu.enqueue_indirect_dma source(%dma_start3A_332 : memref<10000x128xf32, #tpu.memory_space<hbm>>) target(%dma_start3A_326 : memref<64x128xf32, #tpu.memory_space<vmem>>) offsets(%dma_start3A_329 : memref<64xi32, #tpu.memory_space<vmem>>) semaphore(%arg10 : memref<!tpu.dma_semaphore, #tpu.memory_space<semaphore_mem>>)
      } else {
      }
      %mul3A_258 = arith.constant 8 : i32
      %mul3A_259 = arith.muli %while3A_123, %mul3A_258 : i32
      %add3A_260 = arith.constant 6 : i32
      %add3A_261 = arith.addi %mul3A_259, %add3A_260 : i32
      %ge3A_262 = arith.constant 4 : i32
      %ge3A_263 = arith.cmpi sge, %add3A_261, %ge3A_262 : i32
      %add3A_264 = arith.constant 4 : i32
      %add3A_265 = arith.addi %select_n3A, %add3A_264 : i32
      %lt3A_266 = arith.cmpi slt, %add3A_261, %add3A_265 : i32
      %and3A_267 = arith.andi %ge3A_263, %lt3A_266 : i1
      %convert_element_type3A_268 = arith.extui %and3A_267 : i1 to i32
      %cond3A_269 = arith.constant 0 : i32
      %cond3A_270 = arith.cmpi ne, %convert_element_type3A_268, %cond3A_269 : i32
      scf.if %cond3A_270 {
        %dma_wait3A = arith.constant 2 : i32
        %dma_wait3A_304 = arith.constant 0 : i32
        %dma_wait3A_305 = arith.constant 2 : i32
        %dma_wait3A_306 = arith.constant 0 : i32
        %dma_wait3A_307 = arith.constant 0 : i32
        %dma_wait3A_308 = tpu.memref_slice %arg8[%dma_wait3A_305, %dma_wait3A_306, %dma_wait3A_307] : memref<4x64x128xf32, #tpu.memory_space<vmem>> -> memref<1x64x128xf32, #tpu.memory_space<vmem>>
        %dma_wait3A_309 = tpu.memref_squeeze %dma_wait3A_308 : memref<1x64x128xf32, #tpu.memory_space<vmem>> -> memref<64x128xf32, #tpu.memory_space<vmem>>
        %dma_wait3A_310 = arith.constant 0 : i32
        %dma_wait3A_311 = tpu.memref_slice %arg7[%dma_wait3A, %dma_wait3A_304, %dma_wait3A_310] : memref<8x2x64xi32, #tpu.memory_space<vmem>> -> memref<1x1x64xi32, #tpu.memory_space<vmem>>
        %dma_wait3A_312 = tpu.memref_squeeze %dma_wait3A_311 : memref<1x1x64xi32, #tpu.memory_space<vmem>> -> memref<64xi32, #tpu.memory_space<vmem>>
        %dma_wait3A_313 = arith.constant 0 : i32
        %dma_wait3A_314 = arith.constant 0 : i32
        %dma_wait3A_315 = tpu.memref_slice %arg2[%dma_wait3A_313, %dma_wait3A_314] : memref<10000x128xf32, #tpu.memory_space<hbm>> -> memref<10000x128xf32, #tpu.memory_space<hbm>>
        tpu.wait_indirect_dma semaphore(%arg11 : memref<!tpu.dma_semaphore, #tpu.memory_space<semaphore_mem>>) src(%dma_wait3A_315 : memref<10000x128xf32, #tpu.memory_space<hbm>>) dst(%dma_wait3A_309 : memref<64x128xf32, #tpu.memory_space<vmem>>)
        %run_scoped3A = arith.constant 2 : i32
        %run_scoped3A_316 = arith.constant 2 : i32
        %run_scoped3A_317 = arith.constant 1 : i32
        "tpu.region"() ({
          %run_scoped3A_318 = tpu.sem_alloc : memref<!tpu.dma_semaphore, #tpu.memory_space<semaphore_mem>>
          %dma_start3A_319 = arith.constant 0 : i32
          %dma_start3A_320 = arith.constant 0 : i32
          %dma_start3A_321 = tpu.memref_slice %arg8[%run_scoped3A, %dma_start3A_319, %dma_start3A_320] : memref<4x64x128xf32, #tpu.memory_space<vmem>> -> memref<1x64x128xf32, #tpu.memory_space<vmem>>
          %dma_start3A_322 = tpu.memref_squeeze %dma_start3A_321 : memref<1x64x128xf32, #tpu.memory_space<vmem>> -> memref<64x128xf32, #tpu.memory_space<vmem>>
          %dma_start3A_323 = arith.constant 0 : i32
          %dma_start3A_324 = tpu.memref_slice %arg7[%run_scoped3A_316, %run_scoped3A_317, %dma_start3A_323] : memref<8x2x64xi32, #tpu.memory_space<vmem>> -> memref<1x1x64xi32, #tpu.memory_space<vmem>>
          %dma_start3A_325 = tpu.memref_squeeze %dma_start3A_324 : memref<1x1x64xi32, #tpu.memory_space<vmem>> -> memref<64xi32, #tpu.memory_space<vmem>>
          %dma_start3A_326 = arith.constant 0 : i32
          %dma_start3A_327 = arith.constant 0 : i32
          %dma_start3A_328 = tpu.memref_slice %arg6[%dma_start3A_326, %dma_start3A_327] : memref<10112x128xf32, #tpu.memory_space<vmem_shared>> -> memref<10112x128xf32, #tpu.memory_space<vmem_shared>>
          tpu.enqueue_indirect_dma source(%dma_start3A_322 : memref<64x128xf32, #tpu.memory_space<vmem>>) target(%dma_start3A_328 : memref<10112x128xf32, #tpu.memory_space<vmem_shared>>) offsets(%dma_start3A_325 : memref<64xi32, #tpu.memory_space<vmem>>) semaphore(%run_scoped3A_318 : memref<!tpu.dma_semaphore, #tpu.memory_space<semaphore_mem>>) {add = true}
          %dma_wait3A_329 = arith.constant 0 : i32
          %dma_wait3A_330 = arith.constant 0 : i32
          %dma_wait3A_331 = tpu.memref_slice %arg8[%run_scoped3A, %dma_wait3A_329, %dma_wait3A_330] : memref<4x64x128xf32, #tpu.memory_space<vmem>> -> memref<1x64x128xf32, #tpu.memory_space<vmem>>
          %dma_wait3A_332 = tpu.memref_squeeze %dma_wait3A_331 : memref<1x64x128xf32, #tpu.memory_space<vmem>> -> memref<64x128xf32, #tpu.memory_space<vmem>>
          %dma_wait3A_333 = arith.constant 0 : i32
          %dma_wait3A_334 = tpu.memref_slice %arg7[%run_scoped3A_316, %run_scoped3A_317, %dma_wait3A_333] : memref<8x2x64xi32, #tpu.memory_space<vmem>> -> memref<1x1x64xi32, #tpu.memory_space<vmem>>
          %dma_wait3A_335 = tpu.memref_squeeze %dma_wait3A_334 : memref<1x1x64xi32, #tpu.memory_space<vmem>> -> memref<64xi32, #tpu.memory_space<vmem>>
          %dma_wait3A_336 = arith.constant 0 : i32
          %dma_wait3A_337 = arith.constant 0 : i32
          %dma_wait3A_338 = tpu.memref_slice %arg6[%dma_wait3A_336, %dma_wait3A_337] : memref<10112x128xf32, #tpu.memory_space<vmem_shared>> -> memref<10112x128xf32, #tpu.memory_space<vmem_shared>>
          tpu.wait_indirect_dma semaphore(%run_scoped3A_318 : memref<!tpu.dma_semaphore, #tpu.memory_space<semaphore_mem>>) src(%dma_wait3A_332 : memref<64x128xf32, #tpu.memory_space<vmem>>) dst(%dma_wait3A_338 : memref<10112x128xf32, #tpu.memory_space<vmem_shared>>)
          tpu.yield
        }) : () -> ()
      } else {
      }
      %add3A_271 = arith.constant 4 : i32
      %add3A_272 = arith.addi %add3A_261, %add3A_271 : i32
      %lt3A_273 = arith.cmpi slt, %add3A_272, %select_n3A : i32
      %convert_element_type3A_274 = arith.extui %lt3A_273 : i1 to i32
      %cond3A_275 = arith.constant 0 : i32
      %cond3A_276 = arith.cmpi ne, %convert_element_type3A_274, %cond3A_275 : i32
      scf.if %cond3A_276 {
        %add3A_304 = arith.addi %select_n3A_8, %add3A_261 : i32
        %add3A_305 = arith.constant 4 : i32
        %add3A_306 = arith.addi %add3A_304, %add3A_305 : i32
        %dma_start3A_307 = arith.constant 2 : i32
        %dma_start3A_308 = arith.constant 0 : i32
        %dma_start3A_309 = arith.constant 0 : i32
        %dma_start3A_310 = tpu.memref_slice %arg7[%dma_start3A_307, %dma_start3A_308, %dma_start3A_309] : memref<8x2x64xi32, #tpu.memory_space<vmem>> -> memref<1x2x64xi32, #tpu.memory_space<vmem>>
        %dma_start3A_311 = tpu.memref_squeeze %dma_start3A_310 : memref<1x2x64xi32, #tpu.memory_space<vmem>> -> memref<2x64xi32, #tpu.memory_space<vmem>>
        %dma_start3A_312 = arith.constant 0 : i32
        %dma_start3A_313 = arith.constant 0 : i32
        %dma_start3A_314 = tpu.memref_slice %arg3[%add3A_306, %dma_start3A_312, %dma_start3A_313] : memref<5120x2x64xi32, #tpu.memory_space<hbm>> -> memref<1x2x64xi32, #tpu.memory_space<hbm>>
        %dma_start3A_315 = tpu.memref_squeeze %dma_start3A_314 : memref<1x2x64xi32, #tpu.memory_space<hbm>> -> memref<2x64xi32, #tpu.memory_space<hbm>>
        %dma_start3A_316 = arith.constant 0 : i32
        %dma_start3A_317 = arith.constant 0 : i32
        %dma_start3A_318 = tpu.memref_slice %arg7[%dma_start3A_307, %dma_start3A_316, %dma_start3A_317] : memref<8x2x64xi32, #tpu.memory_space<vmem>> -> memref<1x2x64xi32, #tpu.memory_space<vmem>>
        %dma_start3A_319 = tpu.memref_squeeze %dma_start3A_318 : memref<1x2x64xi32, #tpu.memory_space<vmem>> -> memref<2x64xi32, #tpu.memory_space<vmem>>
        %dma_start3A_320 = arith.constant 0 : i32
        %dma_start3A_321 = arith.constant 0 : i32
        %dma_start3A_322 = tpu.memref_slice %arg3[%add3A_306, %dma_start3A_320, %dma_start3A_321] : memref<5120x2x64xi32, #tpu.memory_space<hbm>> -> memref<1x2x64xi32, #tpu.memory_space<hbm>>
        %dma_start3A_323 = tpu.memref_squeeze %dma_start3A_322 : memref<1x2x64xi32, #tpu.memory_space<hbm>> -> memref<2x64xi32, #tpu.memory_space<hbm>>
        tpu.enqueue_dma source(%dma_start3A_323 : memref<2x64xi32, #tpu.memory_space<hbm>>) target(%dma_start3A_319 : memref<2x64xi32, #tpu.memory_space<vmem>>) target_semaphore(%arg15 : memref<!tpu.dma_semaphore, #tpu.memory_space<semaphore_mem>>)
      } else {
      }
      %lt3A_277 = arith.cmpi slt, %add3A_261, %select_n3A : i32
      %convert_element_type3A_278 = arith.extui %lt3A_277 : i1 to i32
      %cond3A_279 = arith.constant 0 : i32
      %cond3A_280 = arith.cmpi ne, %convert_element_type3A_278, %cond3A_279 : i32
      scf.if %cond3A_280 {
        %dma_wait3A = arith.constant 6 : i32
        %dma_wait3A_304 = arith.constant 0 : i32
        %dma_wait3A_305 = arith.constant 0 : i32
        %dma_wait3A_306 = tpu.memref_slice %arg7[%dma_wait3A, %dma_wait3A_304, %dma_wait3A_305] : memref<8x2x64xi32, #tpu.memory_space<vmem>> -> memref<1x2x64xi32, #tpu.memory_space<vmem>>
        %dma_wait3A_307 = tpu.memref_squeeze %dma_wait3A_306 : memref<1x2x64xi32, #tpu.memory_space<vmem>> -> memref<2x64xi32, #tpu.memory_space<vmem>>
        %dma_wait3A_308 = arith.constant 0 : i32
        %dma_wait3A_309 = arith.constant 0 : i32
        %dma_wait3A_310 = tpu.memref_slice %arg3[%select_n3A_8, %dma_wait3A_308, %dma_wait3A_309] : memref<5120x2x64xi32, #tpu.memory_space<hbm>> -> memref<1x2x64xi32, #tpu.memory_space<hbm>>
        %dma_wait3A_311 = tpu.memref_squeeze %dma_wait3A_310 : memref<1x2x64xi32, #tpu.memory_space<hbm>> -> memref<2x64xi32, #tpu.memory_space<hbm>>
        %dma_wait3A_312 = arith.constant 0 : i32
        %dma_wait3A_313 = arith.constant 0 : i32
        %dma_wait3A_314 = tpu.memref_slice %arg7[%dma_wait3A, %dma_wait3A_312, %dma_wait3A_313] : memref<8x2x64xi32, #tpu.memory_space<vmem>> -> memref<1x2x64xi32, #tpu.memory_space<vmem>>
        %dma_wait3A_315 = tpu.memref_squeeze %dma_wait3A_314 : memref<1x2x64xi32, #tpu.memory_space<vmem>> -> memref<2x64xi32, #tpu.memory_space<vmem>>
        %dma_wait3A_316 = arith.constant 0 : i32
        %dma_wait3A_317 = arith.constant 0 : i32
        %dma_wait3A_318 = tpu.memref_slice %arg3[%select_n3A_8, %dma_wait3A_316, %dma_wait3A_317] : memref<5120x2x64xi32, #tpu.memory_space<hbm>> -> memref<1x2x64xi32, #tpu.memory_space<hbm>>
        %dma_wait3A_319 = tpu.memref_squeeze %dma_wait3A_318 : memref<1x2x64xi32, #tpu.memory_space<hbm>> -> memref<2x64xi32, #tpu.memory_space<hbm>>
        tpu.wait_dma2 semaphore(%arg19 : memref<!tpu.dma_semaphore, #tpu.memory_space<semaphore_mem>>) src(%dma_wait3A_319 : memref<2x64xi32, #tpu.memory_space<hbm>>) dst(%dma_wait3A_315 : memref<2x64xi32, #tpu.memory_space<vmem>>)
        %dma_start3A_320 = arith.constant 6 : i32
        %dma_start3A_321 = arith.constant 0 : i32
        %dma_start3A_322 = arith.constant 2 : i32
        %dma_start3A_323 = arith.constant 0 : i32
        %dma_start3A_324 = arith.constant 0 : i32
        %dma_start3A_325 = tpu.memref_slice %arg8[%dma_start3A_322, %dma_start3A_323, %dma_start3A_324] : memref<4x64x128xf32, #tpu.memory_space<vmem>> -> memref<1x64x128xf32, #tpu.memory_space<vmem>>
        %dma_start3A_326 = tpu.memref_squeeze %dma_start3A_325 : memref<1x64x128xf32, #tpu.memory_space<vmem>> -> memref<64x128xf32, #tpu.memory_space<vmem>>
        %dma_start3A_327 = arith.constant 0 : i32
        %dma_start3A_328 = tpu.memref_slice %arg7[%dma_start3A_320, %dma_start3A_321, %dma_start3A_327] : memref<8x2x64xi32, #tpu.memory_space<vmem>> -> memref<1x1x64xi32, #tpu.memory_space<vmem>>
        %dma_start3A_329 = tpu.memref_squeeze %dma_start3A_328 : memref<1x1x64xi32, #tpu.memory_space<vmem>> -> memref<64xi32, #tpu.memory_space<vmem>>
        %dma_start3A_330 = arith.constant 0 : i32
        %dma_start3A_331 = arith.constant 0 : i32
        %dma_start3A_332 = tpu.memref_slice %arg2[%dma_start3A_330, %dma_start3A_331] : memref<10000x128xf32, #tpu.memory_space<hbm>> -> memref<10000x128xf32, #tpu.memory_space<hbm>>
        tpu.enqueue_indirect_dma source(%dma_start3A_332 : memref<10000x128xf32, #tpu.memory_space<hbm>>) target(%dma_start3A_326 : memref<64x128xf32, #tpu.memory_space<vmem>>) offsets(%dma_start3A_329 : memref<64xi32, #tpu.memory_space<vmem>>) semaphore(%arg11 : memref<!tpu.dma_semaphore, #tpu.memory_space<semaphore_mem>>)
      } else {
      }
      %mul3A_281 = arith.constant 8 : i32
      %mul3A_282 = arith.muli %while3A_123, %mul3A_281 : i32
      %add3A_283 = arith.constant 7 : i32
      %add3A_284 = arith.addi %mul3A_282, %add3A_283 : i32
      %ge3A_285 = arith.constant 4 : i32
      %ge3A_286 = arith.cmpi sge, %add3A_284, %ge3A_285 : i32
      %add3A_287 = arith.constant 4 : i32
      %add3A_288 = arith.addi %select_n3A, %add3A_287 : i32
      %lt3A_289 = arith.cmpi slt, %add3A_284, %add3A_288 : i32
      %and3A_290 = arith.andi %ge3A_286, %lt3A_289 : i1
      %convert_element_type3A_291 = arith.extui %and3A_290 : i1 to i32
      %cond3A_292 = arith.constant 0 : i32
      %cond3A_293 = arith.cmpi ne, %convert_element_type3A_291, %cond3A_292 : i32
      scf.if %cond3A_293 {
        %dma_wait3A = arith.constant 3 : i32
        %dma_wait3A_304 = arith.constant 0 : i32
        %dma_wait3A_305 = arith.constant 3 : i32
        %dma_wait3A_306 = arith.constant 0 : i32
        %dma_wait3A_307 = arith.constant 0 : i32
        %dma_wait3A_308 = tpu.memref_slice %arg8[%dma_wait3A_305, %dma_wait3A_306, %dma_wait3A_307] : memref<4x64x128xf32, #tpu.memory_space<vmem>> -> memref<1x64x128xf32, #tpu.memory_space<vmem>>
        %dma_wait3A_309 = tpu.memref_squeeze %dma_wait3A_308 : memref<1x64x128xf32, #tpu.memory_space<vmem>> -> memref<64x128xf32, #tpu.memory_space<vmem>>
        %dma_wait3A_310 = arith.constant 0 : i32
        %dma_wait3A_311 = tpu.memref_slice %arg7[%dma_wait3A, %dma_wait3A_304, %dma_wait3A_310] : memref<8x2x64xi32, #tpu.memory_space<vmem>> -> memref<1x1x64xi32, #tpu.memory_space<vmem>>
        %dma_wait3A_312 = tpu.memref_squeeze %dma_wait3A_311 : memref<1x1x64xi32, #tpu.memory_space<vmem>> -> memref<64xi32, #tpu.memory_space<vmem>>
        %dma_wait3A_313 = arith.constant 0 : i32
        %dma_wait3A_314 = arith.constant 0 : i32
        %dma_wait3A_315 = tpu.memref_slice %arg2[%dma_wait3A_313, %dma_wait3A_314] : memref<10000x128xf32, #tpu.memory_space<hbm>> -> memref<10000x128xf32, #tpu.memory_space<hbm>>
        tpu.wait_indirect_dma semaphore(%arg12 : memref<!tpu.dma_semaphore, #tpu.memory_space<semaphore_mem>>) src(%dma_wait3A_315 : memref<10000x128xf32, #tpu.memory_space<hbm>>) dst(%dma_wait3A_309 : memref<64x128xf32, #tpu.memory_space<vmem>>)
        %run_scoped3A = arith.constant 3 : i32
        %run_scoped3A_316 = arith.constant 3 : i32
        %run_scoped3A_317 = arith.constant 1 : i32
        "tpu.region"() ({
          %run_scoped3A_318 = tpu.sem_alloc : memref<!tpu.dma_semaphore, #tpu.memory_space<semaphore_mem>>
          %dma_start3A_319 = arith.constant 0 : i32
          %dma_start3A_320 = arith.constant 0 : i32
          %dma_start3A_321 = tpu.memref_slice %arg8[%run_scoped3A, %dma_start3A_319, %dma_start3A_320] : memref<4x64x128xf32, #tpu.memory_space<vmem>> -> memref<1x64x128xf32, #tpu.memory_space<vmem>>
          %dma_start3A_322 = tpu.memref_squeeze %dma_start3A_321 : memref<1x64x128xf32, #tpu.memory_space<vmem>> -> memref<64x128xf32, #tpu.memory_space<vmem>>
          %dma_start3A_323 = arith.constant 0 : i32
          %dma_start3A_324 = tpu.memref_slice %arg7[%run_scoped3A_316, %run_scoped3A_317, %dma_start3A_323] : memref<8x2x64xi32, #tpu.memory_space<vmem>> -> memref<1x1x64xi32, #tpu.memory_space<vmem>>
          %dma_start3A_325 = tpu.memref_squeeze %dma_start3A_324 : memref<1x1x64xi32, #tpu.memory_space<vmem>> -> memref<64xi32, #tpu.memory_space<vmem>>
          %dma_start3A_326 = arith.constant 0 : i32
          %dma_start3A_327 = arith.constant 0 : i32
          %dma_start3A_328 = tpu.memref_slice %arg6[%dma_start3A_326, %dma_start3A_327] : memref<10112x128xf32, #tpu.memory_space<vmem_shared>> -> memref<10112x128xf32, #tpu.memory_space<vmem_shared>>
          tpu.enqueue_indirect_dma source(%dma_start3A_322 : memref<64x128xf32, #tpu.memory_space<vmem>>) target(%dma_start3A_328 : memref<10112x128xf32, #tpu.memory_space<vmem_shared>>) offsets(%dma_start3A_325 : memref<64xi32, #tpu.memory_space<vmem>>) semaphore(%run_scoped3A_318 : memref<!tpu.dma_semaphore, #tpu.memory_space<semaphore_mem>>) {add = true}
          %dma_wait3A_329 = arith.constant 0 : i32
          %dma_wait3A_330 = arith.constant 0 : i32
          %dma_wait3A_331 = tpu.memref_slice %arg8[%run_scoped3A, %dma_wait3A_329, %dma_wait3A_330] : memref<4x64x128xf32, #tpu.memory_space<vmem>> -> memref<1x64x128xf32, #tpu.memory_space<vmem>>
          %dma_wait3A_332 = tpu.memref_squeeze %dma_wait3A_331 : memref<1x64x128xf32, #tpu.memory_space<vmem>> -> memref<64x128xf32, #tpu.memory_space<vmem>>
          %dma_wait3A_333 = arith.constant 0 : i32
          %dma_wait3A_334 = tpu.memref_slice %arg7[%run_scoped3A_316, %run_scoped3A_317, %dma_wait3A_333] : memref<8x2x64xi32, #tpu.memory_space<vmem>> -> memref<1x1x64xi32, #tpu.memory_space<vmem>>
          %dma_wait3A_335 = tpu.memref_squeeze %dma_wait3A_334 : memref<1x1x64xi32, #tpu.memory_space<vmem>> -> memref<64xi32, #tpu.memory_space<vmem>>
          %dma_wait3A_336 = arith.constant 0 : i32
          %dma_wait3A_337 = arith.constant 0 : i32
          %dma_wait3A_338 = tpu.memref_slice %arg6[%dma_wait3A_336, %dma_wait3A_337] : memref<10112x128xf32, #tpu.memory_space<vmem_shared>> -> memref<10112x128xf32, #tpu.memory_space<vmem_shared>>
          tpu.wait_indirect_dma semaphore(%run_scoped3A_318 : memref<!tpu.dma_semaphore, #tpu.memory_space<semaphore_mem>>) src(%dma_wait3A_332 : memref<64x128xf32, #tpu.memory_space<vmem>>) dst(%dma_wait3A_338 : memref<10112x128xf32, #tpu.memory_space<vmem_shared>>)
          tpu.yield
        }) : () -> ()
      } else {
      }
      %add3A_294 = arith.constant 4 : i32
      %add3A_295 = arith.addi %add3A_284, %add3A_294 : i32
      %lt3A_296 = arith.cmpi slt, %add3A_295, %select_n3A : i32
      %convert_element_type3A_297 = arith.extui %lt3A_296 : i1 to i32
      %cond3A_298 = arith.constant 0 : i32
      %cond3A_299 = arith.cmpi ne, %convert_element_type3A_297, %cond3A_298 : i32
      scf.if %cond3A_299 {
        %add3A_304 = arith.addi %select_n3A_8, %add3A_284 : i32
        %add3A_305 = arith.constant 4 : i32
        %add3A_306 = arith.addi %add3A_304, %add3A_305 : i32
        %dma_start3A_307 = arith.constant 3 : i32
        %dma_start3A_308 = arith.constant 0 : i32
        %dma_start3A_309 = arith.constant 0 : i32
        %dma_start3A_310 = tpu.memref_slice %arg7[%dma_start3A_307, %dma_start3A_308, %dma_start3A_309] : memref<8x2x64xi32, #tpu.memory_space<vmem>> -> memref<1x2x64xi32, #tpu.memory_space<vmem>>
        %dma_start3A_311 = tpu.memref_squeeze %dma_start3A_310 : memref<1x2x64xi32, #tpu.memory_space<vmem>> -> memref<2x64xi32, #tpu.memory_space<vmem>>
        %dma_start3A_312 = arith.constant 0 : i32
        %dma_start3A_313 = arith.constant 0 : i32
        %dma_start3A_314 = tpu.memref_slice %arg3[%add3A_306, %dma_start3A_312, %dma_start3A_313] : memref<5120x2x64xi32, #tpu.memory_space<hbm>> -> memref<1x2x64xi32, #tpu.memory_space<hbm>>
        %dma_start3A_315 = tpu.memref_squeeze %dma_start3A_314 : memref<1x2x64xi32, #tpu.memory_space<hbm>> -> memref<2x64xi32, #tpu.memory_space<hbm>>
        %dma_start3A_316 = arith.constant 0 : i32
        %dma_start3A_317 = arith.constant 0 : i32
        %dma_start3A_318 = tpu.memref_slice %arg7[%dma_start3A_307, %dma_start3A_316, %dma_start3A_317] : memref<8x2x64xi32, #tpu.memory_space<vmem>> -> memref<1x2x64xi32, #tpu.memory_space<vmem>>
        %dma_start3A_319 = tpu.memref_squeeze %dma_start3A_318 : memref<1x2x64xi32, #tpu.memory_space<vmem>> -> memref<2x64xi32, #tpu.memory_space<vmem>>
        %dma_start3A_320 = arith.constant 0 : i32
        %dma_start3A_321 = arith.constant 0 : i32
        %dma_start3A_322 = tpu.memref_slice %arg3[%add3A_306, %dma_start3A_320, %dma_start3A_321] : memref<5120x2x64xi32, #tpu.memory_space<hbm>> -> memref<1x2x64xi32, #tpu.memory_space<hbm>>
        %dma_start3A_323 = tpu.memref_squeeze %dma_start3A_322 : memref<1x2x64xi32, #tpu.memory_space<hbm>> -> memref<2x64xi32, #tpu.memory_space<hbm>>
        tpu.enqueue_dma source(%dma_start3A_323 : memref<2x64xi32, #tpu.memory_space<hbm>>) target(%dma_start3A_319 : memref<2x64xi32, #tpu.memory_space<vmem>>) target_semaphore(%arg16 : memref<!tpu.dma_semaphore, #tpu.memory_space<semaphore_mem>>)
      } else {
      }
      %lt3A_300 = arith.cmpi slt, %add3A_284, %select_n3A : i32
      %convert_element_type3A_301 = arith.extui %lt3A_300 : i1 to i32
      %cond3A_302 = arith.constant 0 : i32
      %cond3A_303 = arith.cmpi ne, %convert_element_type3A_301, %cond3A_302 : i32
      scf.if %cond3A_303 {
        %dma_wait3A = arith.constant 7 : i32
        %dma_wait3A_304 = arith.constant 0 : i32
        %dma_wait3A_305 = arith.constant 0 : i32
        %dma_wait3A_306 = tpu.memref_slice %arg7[%dma_wait3A, %dma_wait3A_304, %dma_wait3A_305] : memref<8x2x64xi32, #tpu.memory_space<vmem>> -> memref<1x2x64xi32, #tpu.memory_space<vmem>>
        %dma_wait3A_307 = tpu.memref_squeeze %dma_wait3A_306 : memref<1x2x64xi32, #tpu.memory_space<vmem>> -> memref<2x64xi32, #tpu.memory_space<vmem>>
        %dma_wait3A_308 = arith.constant 0 : i32
        %dma_wait3A_309 = arith.constant 0 : i32
        %dma_wait3A_310 = tpu.memref_slice %arg3[%select_n3A_8, %dma_wait3A_308, %dma_wait3A_309] : memref<5120x2x64xi32, #tpu.memory_space<hbm>> -> memref<1x2x64xi32, #tpu.memory_space<hbm>>
        %dma_wait3A_311 = tpu.memref_squeeze %dma_wait3A_310 : memref<1x2x64xi32, #tpu.memory_space<hbm>> -> memref<2x64xi32, #tpu.memory_space<hbm>>
        %dma_wait3A_312 = arith.constant 0 : i32
        %dma_wait3A_313 = arith.constant 0 : i32
        %dma_wait3A_314 = tpu.memref_slice %arg7[%dma_wait3A, %dma_wait3A_312, %dma_wait3A_313] : memref<8x2x64xi32, #tpu.memory_space<vmem>> -> memref<1x2x64xi32, #tpu.memory_space<vmem>>
        %dma_wait3A_315 = tpu.memref_squeeze %dma_wait3A_314 : memref<1x2x64xi32, #tpu.memory_space<vmem>> -> memref<2x64xi32, #tpu.memory_space<vmem>>
        %dma_wait3A_316 = arith.constant 0 : i32
        %dma_wait3A_317 = arith.constant 0 : i32
        %dma_wait3A_318 = tpu.memref_slice %arg3[%select_n3A_8, %dma_wait3A_316, %dma_wait3A_317] : memref<5120x2x64xi32, #tpu.memory_space<hbm>> -> memref<1x2x64xi32, #tpu.memory_space<hbm>>
        %dma_wait3A_319 = tpu.memref_squeeze %dma_wait3A_318 : memref<1x2x64xi32, #tpu.memory_space<hbm>> -> memref<2x64xi32, #tpu.memory_space<hbm>>
        tpu.wait_dma2 semaphore(%arg20 : memref<!tpu.dma_semaphore, #tpu.memory_space<semaphore_mem>>) src(%dma_wait3A_319 : memref<2x64xi32, #tpu.memory_space<hbm>>) dst(%dma_wait3A_315 : memref<2x64xi32, #tpu.memory_space<vmem>>)
        %dma_start3A_320 = arith.constant 7 : i32
        %dma_start3A_321 = arith.constant 0 : i32
        %dma_start3A_322 = arith.constant 3 : i32
        %dma_start3A_323 = arith.constant 0 : i32
        %dma_start3A_324 = arith.constant 0 : i32
        %dma_start3A_325 = tpu.memref_slice %arg8[%dma_start3A_322, %dma_start3A_323, %dma_start3A_324] : memref<4x64x128xf32, #tpu.memory_space<vmem>> -> memref<1x64x128xf32, #tpu.memory_space<vmem>>
        %dma_start3A_326 = tpu.memref_squeeze %dma_start3A_325 : memref<1x64x128xf32, #tpu.memory_space<vmem>> -> memref<64x128xf32, #tpu.memory_space<vmem>>
        %dma_start3A_327 = arith.constant 0 : i32
        %dma_start3A_328 = tpu.memref_slice %arg7[%dma_start3A_320, %dma_start3A_321, %dma_start3A_327] : memref<8x2x64xi32, #tpu.memory_space<vmem>> -> memref<1x1x64xi32, #tpu.memory_space<vmem>>
        %dma_start3A_329 = tpu.memref_squeeze %dma_start3A_328 : memref<1x1x64xi32, #tpu.memory_space<vmem>> -> memref<64xi32, #tpu.memory_space<vmem>>
        %dma_start3A_330 = arith.constant 0 : i32
        %dma_start3A_331 = arith.constant 0 : i32
        %dma_start3A_332 = tpu.memref_slice %arg2[%dma_start3A_330, %dma_start3A_331] : memref<10000x128xf32, #tpu.memory_space<hbm>> -> memref<10000x128xf32, #tpu.memory_space<hbm>>
        tpu.enqueue_indirect_dma source(%dma_start3A_332 : memref<10000x128xf32, #tpu.memory_space<hbm>>) target(%dma_start3A_326 : memref<64x128xf32, #tpu.memory_space<vmem>>) offsets(%dma_start3A_329 : memref<64xi32, #tpu.memory_space<vmem>>) semaphore(%arg12 : memref<!tpu.dma_semaphore, #tpu.memory_space<semaphore_mem>>)
      } else {
      }
    }
    %barrier3A_118 = arith.constant 0 : index
    tpu.barrier barrier_id(%barrier3A_118)
    %mul3A_119 = arith.constant 632 : i32
    %mul3A_120 = arith.muli %arg1, %mul3A_119 : i32
    %mul3A_121 = arith.constant 632 : i32
    %mul3A_122 = arith.muli %arg1, %mul3A_121 : i32
    "tpu.region"() ({
      %run_scoped3A = tpu.sem_alloc : memref<!tpu.dma_semaphore, #tpu.memory_space<semaphore_mem>>
      %dma_start3A_123 = arith.constant 0 : i32
      %dma_start3A_124 = tpu.memref_slice %arg5[%arg0, %mul3A_122, %dma_start3A_123] : memref<2x10112x128xf32, #tpu.memory_space<hbm>> -> memref<1x632x128xf32, #tpu.memory_space<hbm>>
      %dma_start3A_125 = tpu.memref_squeeze %dma_start3A_124 : memref<1x632x128xf32, #tpu.memory_space<hbm>> -> memref<632x128xf32, #tpu.memory_space<hbm>>
      %dma_start3A_126 = arith.constant 0 : i32
      %dma_start3A_127 = tpu.memref_slice %arg6[%mul3A_120, %dma_start3A_126] : memref<10112x128xf32, #tpu.memory_space<vmem_shared>> -> memref<632x128xf32, #tpu.memory_space<vmem_shared>>
      tpu.enqueue_dma source(%dma_start3A_127 : memref<632x128xf32, #tpu.memory_space<vmem_shared>>) target(%dma_start3A_125 : memref<632x128xf32, #tpu.memory_space<hbm>>) target_semaphore(%run_scoped3A : memref<!tpu.dma_semaphore, #tpu.memory_space<semaphore_mem>>)
      %dma_wait3A = arith.constant 0 : i32
      %dma_wait3A_128 = tpu.memref_slice %arg5[%arg0, %mul3A_122, %dma_wait3A] : memref<2x10112x128xf32, #tpu.memory_space<hbm>> -> memref<1x632x128xf32, #tpu.memory_space<hbm>>
      %dma_wait3A_129 = tpu.memref_squeeze %dma_wait3A_128 : memref<1x632x128xf32, #tpu.memory_space<hbm>> -> memref<632x128xf32, #tpu.memory_space<hbm>>
      %dma_wait3A_130 = arith.constant 0 : i32
      %dma_wait3A_131 = tpu.memref_slice %arg6[%mul3A_120, %dma_wait3A_130] : memref<10112x128xf32, #tpu.memory_space<vmem_shared>> -> memref<632x128xf32, #tpu.memory_space<vmem_shared>>
      tpu.wait_dma2 semaphore(%run_scoped3A : memref<!tpu.dma_semaphore, #tpu.memory_space<semaphore_mem>>) src(%dma_wait3A_131 : memref<632x128xf32, #tpu.memory_space<vmem_shared>>) dst(%dma_wait3A_129 : memref<632x128xf32, #tpu.memory_space<hbm>>)
      tpu.yield
    }) : () -> ()
    return
  }
}

module attributes {stable_mosaic.version = 14 : i64} {
  func.func @_mm_body(%arg0: i32, %arg1: memref<1000x128xf32, #tpu.memory_space<vmem>>, %arg2: memref<1000x1xf32, #tpu.memory_space<vmem>>, %arg3: memref<128x128xf32, #tpu.memory_space<vmem>>, %arg4: memref<1000x128xf32, #tpu.memory_space<vmem>>) attributes {dimension_semantics = [#tpu.dimension_semantics<arbitrary>], iteration_bounds = array<i64: 10>, scalar_prefetch = 0 : i64, scratch_operands = 0 : i64, tpu.core_type = #tpu.core_type<tc>, window_params = [{transform_indices = @transform_0, window_bounds = array<i64: 1000, 128>}, {transform_indices = @transform_1, window_bounds = array<i64: 1000, 1>}, {pipeline_mode = #tpu.pipeline_mode<synchronous>, transform_indices = @transform_2, window_bounds = array<i64: 128, 128>}, {transform_indices = @transform_3, window_bounds = array<i64: 1000, 128>}]} {
    %get3A = arith.constant 0 : index
    %get3A_0 = arith.constant 0 : index
    %get3A_1 = vector.load %arg1[%get3A, %get3A_0] : memref<1000x128xf32, #tpu.memory_space<vmem>>, vector<1000x128xf32>
    %get3A_2 = arith.constant 0 : index
    %get3A_3 = arith.constant 0 : index
    %get3A_4 = vector.load %arg2[%get3A_2, %get3A_3] : memref<1000x1xf32, #tpu.memory_space<vmem>>, vector<1000x1xf32>
    %mul3A = vector.broadcast %get3A_4 : vector<1000x1xf32> to vector<1000x128xf32>
    %mul3A_5 = arith.mulf %get3A_1, %mul3A : vector<1000x128xf32>
    %get3A_6 = arith.constant 0 : index
    %get3A_7 = arith.constant 0 : index
    %get3A_8 = vector.load %arg3[%get3A_6, %get3A_7] : memref<128x128xf32, #tpu.memory_space<vmem>>, vector<128x128xf32>
    %dot_general3A = arith.constant dense<0.000000e+00> : vector<1000x128xf32>
    %dot_general3A_9 = tpu.matmul %mul3A_5, %get3A_8, %dot_general3A {dimension_numbers = #tpu.dot_dimension_numbers<[1], [0], [0], [1], [0, 0, 1, 1], [], []>, transpose_lhs_hint = false} : vector<1000x128xf32>, vector<128x128xf32>, vector<1000x128xf32> -> vector<1000x128xf32>
    %swap3A = arith.constant 0 : index
    %swap3A_10 = arith.constant 0 : index
    %swap3A_11 = vector.load %arg4[%swap3A, %swap3A_10] : memref<1000x128xf32, #tpu.memory_space<vmem>>, vector<1000x128xf32>
    tpu.vector_store %arg4[%swap3A, %swap3A_10], %dot_general3A_9 {strides = array<i32>} : memref<1000x128xf32, #tpu.memory_space<vmem>>, vector<1000x128xf32>,
    return
  }
  func.func @transform_0(%arg0: i32) -> (i32, i32) {
    %c0_i32 = arith.constant 0 : i32
    %c0_i32_0 = arith.constant 0 : i32
    return %arg0, %c0_i32 : i32, i32
  }
  func.func @transform_1(%arg0: i32) -> (i32, i32) {
    %c0_i32 = arith.constant 0 : i32
    %c0_i32_0 = arith.constant 0 : i32
    return %arg0, %c0_i32 : i32, i32
  }
  func.func @transform_2(%arg0: i32) -> (i32, i32) {
    %c0_i32 = arith.constant 0 : i32
    %c0_i32_0 = arith.constant 0 : i32
    %c0_i32_1 = arith.constant 0 : i32
    return %c0_i32, %c0_i32_0 : i32, i32
  }
  func.func @transform_3(%arg0: i32) -> (i32, i32) {
    %c0_i32 = arith.constant 0 : i32
    %c0_i32_0 = arith.constant 0 : i32
    return %arg0, %c0_i32 : i32, i32
  }
}

module attributes {stable_mosaic.version = 14 : i64} {
  func.func @_comb_body(%arg0: i32, %arg1: memref<2x1000x128xf32, #tpu.memory_space<vmem>>, %arg2: memref<1000x1xf32, #tpu.memory_space<vmem>>, %arg3: memref<1x128xf32, #tpu.memory_space<vmem>>, %arg4: memref<1000x128xf32, #tpu.memory_space<vmem>>) attributes {dimension_semantics = [#tpu.dimension_semantics<arbitrary>], iteration_bounds = array<i64: 10>, scalar_prefetch = 0 : i64, scratch_operands = 0 : i64, tpu.core_type = #tpu.core_type<tc>, window_params = [{transform_indices = @transform_0, window_bounds = array<i64: 2, 1000, 128>}, {transform_indices = @transform_1, window_bounds = array<i64: 1000, 1>}, {pipeline_mode = #tpu.pipeline_mode<synchronous>, transform_indices = @transform_2, window_bounds = array<i64: 1, 128>}, {transform_indices = @transform_3, window_bounds = array<i64: 1000, 128>}]} {
    %get3A = arith.constant 0 : index
    %get3A_0 = arith.constant 0 : index
    %get3A_1 = arith.constant 0 : index
    %get3A_2 = vector.load %arg1[%get3A, %get3A_0, %get3A_1] : memref<2x1000x128xf32, #tpu.memory_space<vmem>>, vector<1x1000x128xf32>
    %get3A_3 = vector.shape_cast %get3A_2 : vector<1x1000x128xf32> to vector<1000x128xf32>
    %get3A_4 = arith.constant 1 : index
    %get3A_5 = arith.constant 0 : index
    %get3A_6 = arith.constant 0 : index
    %get3A_7 = vector.load %arg1[%get3A_4, %get3A_5, %get3A_6] : memref<2x1000x128xf32, #tpu.memory_space<vmem>>, vector<1x1000x128xf32>
    %get3A_8 = vector.shape_cast %get3A_7 : vector<1x1000x128xf32> to vector<1000x128xf32>
    %add3A = arith.addf %get3A_3, %get3A_8 : vector<1000x128xf32>
    %get3A_9 = arith.constant 0 : index
    %get3A_10 = arith.constant 0 : index
    %get3A_11 = vector.load %arg2[%get3A_9, %get3A_10] : memref<1000x1xf32, #tpu.memory_space<vmem>>, vector<1000x1xf32>
    %mul3A = vector.broadcast %get3A_11 : vector<1000x1xf32> to vector<1000x128xf32>
    %mul3A_12 = arith.mulf %add3A, %mul3A : vector<1000x128xf32>
    %get3A_13 = arith.constant 0 : index
    %get3A_14 = arith.constant 0 : index
    %get3A_15 = vector.load %arg3[%get3A_13, %get3A_14] : memref<1x128xf32, #tpu.memory_space<vmem>>, vector<1x128xf32>
    %add3A_16 = vector.broadcast %get3A_15 : vector<1x128xf32> to vector<1000x128xf32>
    %add3A_17 = arith.addf %mul3A_12, %add3A_16 : vector<1000x128xf32>
    %swap3A = arith.constant 0 : index
    %swap3A_18 = arith.constant 0 : index
    %swap3A_19 = vector.load %arg4[%swap3A, %swap3A_18] : memref<1000x128xf32, #tpu.memory_space<vmem>>, vector<1000x128xf32>
    tpu.vector_store %arg4[%swap3A, %swap3A_18], %add3A_17 {strides = array<i32>} : memref<1000x128xf32, #tpu.memory_space<vmem>>, vector<1000x128xf32>,
    return
  }
  func.func @transform_0(%arg0: i32) -> (i32, i32, i32) {
    %c0_i32 = arith.constant 0 : i32
    %c0_i32_0 = arith.constant 0 : i32
    %c0_i32_1 = arith.constant 0 : i32
    return %c0_i32, %arg0, %c0_i32_0 : i32, i32, i32
  }
  func.func @transform_1(%arg0: i32) -> (i32, i32) {
    %c0_i32 = arith.constant 0 : i32
    %c0_i32_0 = arith.constant 0 : i32
    return %arg0, %c0_i32 : i32, i32
  }
  func.func @transform_2(%arg0: i32) -> (i32, i32) {
    %c0_i32 = arith.constant 0 : i32
    %c0_i32_0 = arith.constant 0 : i32
    %c0_i32_1 = arith.constant 0 : i32
    return %c0_i32, %c0_i32_0 : i32, i32
  }
  func.func @transform_3(%arg0: i32) -> (i32, i32) {
    %c0_i32 = arith.constant 0 : i32
    %c0_i32_0 = arith.constant 0 : i32
    return %arg0, %c0_i32 : i32, i32
  }
}

</mosaic_0001>

<sc_bundles>
// kernel: kernel.5.cloned.1.call-start
scs
__scs_entry_jumppad:
0x0: {  	(pc) =	sbr.rel $0x88, $3  }
0x1: {  	(tag) =	ssettag $0x0;
	lr =	simm.s32 $0x1  }
0x2: {  	[smem:$0x3F9C] =	sst lr;
	_ =	strace $0xD0000000  }
0x3: {  	_ = 	snop  }
0x4: {  	_ = 	snop  }
0x5: {  	_ = 	snop  }
0x6: {  	_ = 	snop  }
0x7: {  	_ = 	snop  }
__scs_overlays_trampoline_lowered:
0x8: {  	[smem:$0x3FAB] =	sst s0  }
0x9: {  	[smem:$0x3FAC] =	sst s1  }
0xa: {  	[smem:$0x3FAD] =	sst s2  }
0xb: {  	[smem:$0x3FAE] =	sst s3  }
0xc: {  	[smem:$0x3FAF] =	sst s4  }
0xd: {  	[smem:$0x3FB0] =	sst s5  }
0xe: {  	[smem:$0x3FB1] =	sst s6  }
0xf: {  	[smem:$0x3FB2] =	sst s7  }
0x10: {  	[smem:$0x3FB3] =	sst s8  }
0x11: {  	[smem:$0x3FB4] =	sst s9;
	s0 =	simm.s32 @!p0 $0x0  }
0x12: {  	s1 =	sld [smem:$0x3F9A];
	s0 =	simm.s32 @p0 $0x1  }
0x13: {  	[smem:$0x3FB5] =	sst s0;
	s0 =	simm.s32 @!p1 $0x0  }
0x14: {  	s2 =	sld [smem:$0x3F99];
	s0 =	simm.s32 @p1 $0x1  }
0x15: {  	[smem:$0x3FB6] =	sst s0;
	s0 =	simm.s32 @!p2 $0x0  }
0x16: {  	s3 =	sld [smem:$0x3FDB];
	s0 =	simm.s32 @p2 $0x1  }
0x17: {  	s4 =	simm.s32 $0x1BF5;
	[smem:$0x3FB8] =	sst s0  }
0x18: {  	s0 =	sld [smem:$0x3F9B];
	_ =	swait.ge [sflag:s4], $0x0  }
0x19: {  	s7 =	sld [smem:$0x3F9C]  }
0x1a: {  	s8 =	sadd.s32 $0xFFFFE003, lr  }
0x1b: {  	s9 =	sadd.s32 $0xFFFFFEF7, lr;
	s5 =	simm.s32 $0xFFFFFFFF;
	p2 =	slt.u32 s8, $0xFFFFF086  }
0x1c: {  	p1 =	slt.u32 s9, $0xF7A;
	s5 =	simm.s32 @!p2 $0x0  }
0x1d: {  	s5 =	simm.s32 @p1 $0x1;
	p0 =	seq.s32 s7, s2  }
0x1e: {  	s7 =	smul.u32 @!p0 $0xF7A, s2;
	p2 =	seq.s32 @!p0 s5, $0x0  }
0x1f: {  	s9 =	smul.u32 $0xF7A, s1;
	s8 =	simm.s32 @!p0 $0x1BF5;
	p2 =	por !p2, p0  }
0x20: {  	[sflag:s8] =	ssyncset.s32 @!p0 $0xFFFFF086;
	s6 =	sadd.s32 @!p0 s3, s7;
	s7 =	simm.s32 @!p0 $0x108  }
0x21: {  	s3 =	sadd.s32 s3, s9;
	s6 =	sadd.s32 @!p0 $0x88, s6;
	s7 =	simm.s32 @p2 $0x1082  }
0x22: {  	[simem:s7], [sflag:s8] =	dma.local @!p0 [hbm:s6], $0xF7A  }
0x23: {  	s9 =	sor.u32 $0xD0000000, s2;
	s6 =	simm.s32 $0x108;
	_ =	swait.ge @!p0 [sflag:s8], $0x0  }
0x24: {  	s3 =	sadd.s32 $0x88, s3;
	s6 =	simm.s32 @!p1 $0x1082;
	[sflag:s4] =	ssyncset.s32 $0xFFFFF086  }
0x25: {  	[simem:s6], [sflag:s4] =	dma.local [hbm:s3], $0xF7A  }
0x26: {  	[smem:$0x3F9C] =	sst s1;
	(tag) =	ssettag s2;
	_ =	strace s9  }
0x27: {  	s1 =	sld [smem:$0x3FAC]  }
0x28: {  	s2 =	sld [smem:$0x3FAD]  }
0x29: {  	s4 =	sld [smem:$0x3FAF]  }
0x2a: {  	p0 =	seq.s32 s5, $0x0;
	s5 =	sld [smem:$0x3FB0]  }
0x2b: {  	s6 =	sld [smem:$0x3FB1]  }
0x2c: {  	s7 =	sld [smem:$0x3FB2]  }
0x2d: {  	s3 =	simm.s32 $0x108;
	s8 =	sld [smem:$0x3FB3]  }
0x2e: {  	s3 =	simm.s32 @!p0 $0x1082;
	s9 =	sld [smem:$0x3FB4]  }
0x2f: {  	lr =	sadd.s32 s0, s3;
	s0 =	sld [smem:$0x3FAB]  }
0x30: {  	s3 =	sld [smem:$0x3FAE]  }
0x31: {  	[smem:$0x3FB7] =	sst s10  }
0x32: {  	s10 =	sld [smem:$0x3FB5];
	_ =	sdelay $0x3  }
0x33: {  	p0 =	seq.s32 s10, $0x1;
	s10 =	sld [smem:$0x3FB7];
	_ =	sdelay $0x3  }
0x34: {  	[smem:$0x3FB7] =	sst s10  }
0x35: {  	s10 =	sld [smem:$0x3FB6];
	_ =	sdelay $0x3  }
0x36: {  	p1 =	seq.s32 s10, $0x1;
	s10 =	sld [smem:$0x3FB7];
	_ =	sdelay $0x3  }
0x37: {  	[smem:$0x3FB7] =	sst s10  }
0x38: {  	s10 =	sld [smem:$0x3FB8]  }
0x39: {  	_ = 	snop;
	(pc) =	sbr.ind lr, $3  }
0x3a: {  	_ = 	snop  }
0x3b: {  	_ = 	snop  }
0x3c: {  	p2 =	seq.s32 s10, $0x1;
	s10 =	sld [smem:$0x3FB7]  }
0x3d: {  	_ =	shalt  }
0x3e: {  	_ =	shalt  }
0x3f: {  	_ =	shalt  }
0x40: {  	_ =	shalt  }
0x41: {  	_ =	shalt  }
0x42: {  	_ =	shalt  }
0x43: {  	_ =	shalt  }
0x44: {  	_ =	shalt  }
0x45: {  	_ =	shalt  }
0x46: {  	_ =	shalt  }
0x47: {  	_ =	shalt  }
0x48: {  	_ =	shalt  }
0x49: {  	_ =	shalt  }
0x4a: {  	_ =	shalt  }
0x4b: {  	_ =	shalt  }
0x4c: {  	_ =	shalt  }
0x4d: {  	_ =	shalt  }
0x4e: {  	_ =	shalt  }
0x4f: {  	_ =	shalt  }
0x50: {  	_ =	shalt  }
0x51: {  	_ =	shalt  }
0x52: {  	_ =	shalt  }
0x53: {  	_ =	shalt  }
0x54: {  	_ =	shalt  }
0x55: {  	_ =	shalt  }
0x56: {  	_ =	shalt  }
0x57: {  	_ =	shalt  }
0x58: {  	_ =	shalt  }
0x59: {  	_ =	shalt  }
0x5a: {  	_ =	shalt  }
0x5b: {  	_ =	shalt  }
0x5c: {  	_ =	shalt  }
0x5d: {  	_ =	shalt  }
0x5e: {  	_ =	shalt  }
0x5f: {  	_ =	shalt  }
0x60: {  	_ =	shalt  }
0x61: {  	_ =	shalt  }
0x62: {  	_ =	shalt  }
0x63: {  	_ =	shalt  }
0x64: {  	_ =	shalt  }
0x65: {  	_ =	shalt  }
0x66: {  	_ =	shalt  }
0x67: {  	_ =	shalt  }
0x68: {  	_ =	shalt  }
0x69: {  	_ =	shalt  }
0x6a: {  	_ =	shalt  }
0x6b: {  	_ =	shalt  }
0x6c: {  	_ =	shalt  }
0x6d: {  	_ =	shalt  }
0x6e: {  	_ =	shalt  }
0x6f: {  	_ =	shalt  }
0x70: {  	_ =	shalt  }
0x71: {  	_ =	shalt  }
0x72: {  	_ =	shalt  }
0x73: {  	_ =	shalt  }
0x74: {  	_ =	shalt  }
0x75: {  	_ =	shalt  }
0x76: {  	_ =	shalt  }
0x77: {  	_ =	shalt  }
0x78: {  	_ =	shalt  }
0x79: {  	_ =	shalt  }
0x7a: {  	_ =	shalt  }
0x7b: {  	_ =	shalt  }
0x7c: {  	_ =	shalt  }
0x7d: {  	_ =	shalt  }
0x7e: {  	_ =	shalt  }
0x7f: {  	_ =	shalt  }
0x80: {  	_ =	shalt  }
0x81: {  	_ =	shalt  }
0x82: {  	_ =	shalt  }
0x83: {  	_ =	shalt  }
0x84: {  	_ =	shalt  }
0x85: {  	_ =	shalt  }
0x86: {  	_ =	shalt  }
0x87: {  	_ =	shalt  }
.Lfunc_end0:
.L_simem_size_0:
called_computation_lowered:
.L_overlay_start_0:
0x88: {  	s2 =	sld [smem:$0x3FD9]  }
0x89: {  	s3 =	sld [smem:$0x3FFE];
	_ =	sdelay $0x1  }
0x8a: {  	s1 =	srdreg.scid  }
0x8b: {  	s0 =	sand.u32 $0x1, s1  }
0x8c: {  	s17 =	sshll.u32 s0, $0xA;
	s2 =	sadd.s32 s3, s2  }
0x8d: {  	s2 =	sadd.s32 s2, s17  }
0x8e: {  	[smem:$0x3FC3] =	sst s2  }
0x8f: {  	_ = 	snop  }
0x90: {  	s2 =	sld [smem:$0x3FD0];
	(tm) =	ssettm $0x1  }
0x91: {  	s18 =	sld [smem:$0x3FFB];
	_ =	sdelay $0x3  }
0x92: {  	_ =	strace s18  }
0x93: {  	s3 =	sld [smem:$0x3FFC];
	_ =	sdelay $0x3  }
0x94: {  	_ =	strace s3  }
0x95: {  	s3 =	sld [smem:$0x3FFD];
	_ =	sdelay $0x3  }
0x96: {  	_ =	strace s3  }
0x97: {  	_ =	strace $0x8FFFFFFF  }
0x98: {  	s19 =	sld [smem:$0x3FDB];
	_ =	sdelay $0x1  }
0x99: {  	s4 =	simm.s32 $_scs_section_size  }
0x9a: {  	s5 =	simm.s32 $_size__tile_overlayer_lowered;
	s6 =	simm.s32 $_tile_overlayer_lowered  }
0x9b: {  	s22 =	simm.s32 $0x1BFF;
	s21 =	sshll.u32 s6, $0x1;
	s3 =	sadd.s32 s4, s19  }
0x9c: {  	s7 =	simm.s32 $0x0;
	s20 =	sshll.u32 s5, $0x1;
	s5 =	sadd.s32 s21, s3  }
0x9d: {  	[timem:s7], [sflag:s22] =	dma.local [hbm:s5], s20  }
0x9e: {  	_ =	swait.ge [sflag:s22], s20  }
0x9f: {  	s4 =	ssub.s32 $0x0, s20;
	[sflag:s22] =	ssyncset.done $0x0  }
0xa0: {  	[sflag:s22] =	ssyncadd.s32 s4;
	_ =	sdelay $0x1  }
0xa1: {  	s23 =	simm.s32 $0x1B8B  }
0xa2: {  	_ =	swait.ge [sflag:s23], $0x1  }
0xa3: {  	[sflag:s23] =	ssyncset.done $0x0  }
0xa4: {  	s25 =	simm.s32 $0x1B8E;
	s24 =	sld [smem:$0x3FFE];
	[sflag:s23] =	ssyncadd.s32 $0xFFFFFFFF  }
0xa5: {  	s26 =	simm.s32 $execute0_lowered;
	[smem:$0x3FD2] =	sst s25  }
0xa6: {  	s5 =	sshll.u32 s26, $0x1;
	_ =	strace $0x80000046;
	[dreg:$0x1] =	wrdreg $0xFFFFFFFF  }
0xa7: {  	s28 =	simm.s32 $_size_execute0_lowered;
	s3 =	sadd.s32 s3, s5;
	[dreg:$0x0] =	wrdreg $0x0  }
0xa8: {  	s5 =	sshll.u32 s28, $0x1;
	[dreg:$0x2] =	wrdreg s3  }
0xa9: {  	[dreg:$0x3] =	wrdreg s5  }
0xaa: {  	[dreg:$0x4] =	wrdreg $0xC0  }
0xab: {  	_ =	task [dreg:s7], $0x5FFFF  }
0xac: {  	[dreg:$0x1] =	wrdreg $0xFFFFFFFF  }
0xad: {  	[dreg:$0x0] =	wrdreg $0x60  }
0xae: {  	[dreg:$0x2] =	wrdreg s2  }
0xaf: {  	[dreg:$0x3] =	wrdreg s24  }
0xb0: {  	[dreg:$0x4] =	wrdreg $0x0  }
0xb1: {  	[dreg:$0x5] =	wrdreg $0x9  }
0xb2: {  	_ =	task.clear_ibuf [dreg:s7], $0x6FFFF;
	_ =	strace $0x90000046  }
0xb3: {  	s29 =	simm.s32 $0x9;
	_ =	strace $0x80000048  }
0xb4: {  	_ =	swait.ge [sflag:s29], $0x1  }
0xb5: {  	[sflag:s29] =	ssyncadd.s32 $0xFFFFFFFF  }
0xb6: {  	_ =	strace $0x90000048  }
0xb7: {  	_ =	sfence  }
0xb8: {  	s30 =	sld [smem:$0x0];
	_ =	sdelay $0x2  }
0xb9: {  	s31 =	sshll.u32 s1, $0xD;
	s1 =	sshrl.u32 s1, $0x2  }
0xba: {  	s3 =	sand.u32 $0x4000, s31;
	s1 =	sadd.s32 s1, s30  }
0xbb: {  	s0 =	sor.u32 s3, s0;
	s1 =	sshll.u32 s1, $0x11  }
0xbc: {  	s0 =	sor.u32 s1, s0  }
0xbd: {  	s0 =	sadd.s32 $0x8F2B, s0  }
0xbe: {  	[sflag:s0] =	ssyncadd.remote.s32 $0x1  }
0xbf: {  	_ =	sfence.sel $0xFFFF  }
0xc0: {  	[dreg:$0x0] =	wrdreg $0xFFFFFFFF;
	(pc) =	sbr.abs _section_cstart, $3  }
0xc1: {  	[dreg:$0x1] =	wrdreg $0xFFFFFFFF  }
0xc2: {  	_ =	task.clear_ibuf [dreg:s7], $0x2FFFF;
	_ =	strace $0x9FFFFFFF  }
0xc3: {  	(tm) =	ssettm $0x7FFFFFFF  }
tec
execute0_lowered:
.L_overlay_start_1:
0x0: {  	(tag) =	ssettag $0x1  }
0x1: {  	s2 =	rddreg [dreg:$0x0];
	s10 =	stileid.u32  }
0x2: {  	s0 =	rddreg [dreg:$0x1];
	s4 =	smul.u32 $0x3C, s10  }
0x3: {  	s3 =	rddreg [dreg:$0x2];
	s5 =	smul.u32 $0x104, s10  }
0x4: {  	s1 =	srdreg.scid;
	s22 =	simm.s32 $0x0;
	s25 =	smul.u32 $0x13C00, s10  }
0x5: {  	s1 =	sand.u32 $0x1, s1;
	s9 =	smul.u32 $0x4F000, s10;
	s29 =	sshll.u32 s10, $0x6  }
0x6: {  	p0 =	seq.s32 s1, $0x0;
	s7 =	smul.u32 $0x13C000, s1;
	s1 =	ssub.s32 $0x2, s1  }
0x7: {  	s6 =	sadd.s32 $0x1040, s4;
	s4 =	simm.s32 $0x0;
	s8 =	sshrl.u32 s1, $0x1  }
0x8: {  	s28 =	sshrl.u32 s9, $0x2;
	s6 =	smov.u32 @p0 s5;
	[smem:$0x7FF] =	sst s4  }
0x9: {  	s26 =	sadd.s32 s25, s7;
	s5 =	sadd.s32 $0x28E00, s0;
	s1 =	ssub.s32 s1, s8  }
0xa: {  	s17 =	sadd.s32 s28, s3;
	s6 =	sshll.u32 s6, $0x5;
	_ =	strace $0x80000047  }
0xb: {  	s7 =	sshrl.u32 s26, $0x3;
	s15 =	sadd.s32 s6, s0;
	s6 =	simm.s32 $0x104  }
0xc: {  	s0 =	sadd.s32 s7, s0;
	s7 =	sor.u32 $0x1C0D, s29;
	s6 =	simm.s32 @!p0 $0x3C  }
0xd: {  	s8 =	sadd.s32 $0xE00, s15;
	s9 =	sadd.s32 $0xE20, s15;
	s10 =	sadd.s32 $0xE40, s15  }
0xe: {  	s11 =	sadd.s32 $0xE60, s15;
	s15 =	sadd.s32 $0xF60, s15;
	s12 =	sadd.s32 $0xFFFFFFF8, s6  }
0xf: {  	s16 =	sadd.s32 $0x8, s6;
	s13 =	sadd.s32 $0xFFFFFFF7, s6;
	[dreg:$0x4] =	wrdreg s12  }
0x10: {  	s14 =	sadd.s32 $0xFFFFFFF6, s6;
	s30 =	sadd.s32 $0xFFFFFFF5, s6;
	[dreg:$0x5] =	wrdreg s13  }
0x11: {  	s12 =	sadd.s32 $0x4, s6;
	s13 =	sadd.s32 $0x2B600, s0;
	[dreg:$0x6] =	wrdreg s14  }
0x12: {  	s14 =	smax.u32 s1, $0x1;
	[dreg:$0x7] =	wrdreg s30;
	s31 =	sand.u32 $0x178, s16  }
0x13: {  	s16 =	sshrl.u32 s17, $0x3;
	s17 =	simm.s32 $0xD;
	[dreg:$0x8] =	wrdreg s31  }
.LBB2_1:
0x14: {  	[spmem:s16], [sflag:s7] =	dma.local [hbm:s5], $0x2780  }
0x15: {  	_ =	swait.ge [sflag:s17], $0x2780  }
0x16: {  	[sflag:s17] =	ssyncset.done $0x0  }
0x17: {  	[sflag:s17] =	ssyncadd.s32 $0xFFFFD880  }
0x18: {  	s0 =	simm.s32 $0x13C00;
	[bflag:$0x0] =	sbarrier.arrive $0xFFFF  }
0x19: {  	[tilespmem:s0], [sflag:$0x5] =	stream.linear.gather [hbm4b:s8+s4], $0x100, $0x38;
	[tilespmem:$0x1C400] =	vst v63  }
0x1a: {  	s29 =	simm.s32 $0x13D00  }
0x1b: {  	[tilespmem:s29], [sflag:$0x6] =	stream.linear.gather [hbm4b:s9+s4], $0x100, $0x38;
	[tilespmem:$0x1C400] =	vst v63  }
0x1c: {  	s30 =	simm.s32 $0x13E00  }
0x1d: {  	[tilespmem:s30], [sflag:$0x7] =	stream.linear.gather [hbm4b:s10+s4], $0x100, $0x38;
	[tilespmem:$0x1C400] =	vst v63  }
0x1e: {  	s31 =	simm.s32 $0x13F00;
	s23 =	smov.u32 s15;
	s24 =	simm.s32 $0x0  }
0x1f: {  	[tilespmem:s31], [sflag:$0x8] =	stream.linear.gather [hbm4b:s11+s4], $0x100, $0x38;
	[tilespmem:$0x1C400] =	vst v63  }
.LBB2_2:
0x20: {  	s0 =	sadd.s32 $0xFFFFFFFF, s24  }
0x21: {  	p0 =	sge.u32 s0, s6  }
0x22: {  	s0 =	simm.s32 @!p0 $0x1  }
0x23: {  	_ =	swait.ge @!p0 [sflag:s0], $0x2000  }
0x24: {  	s1 =	simm.s32 @!p0 $0x14080;
	[sflag:s0] =	ssyncset.done @!p0 $0x0  }
0x25: {  	s18 =	simm.s32 @!p0 $0x14400;
	[sflag:s0] =	ssyncadd.s32 @!p0 $0xFFFFE000;
	s0 =	simm.s32 @!p0 $0x40  }
0x26: {  	[spmem:s3] =	stream.indirect.scatter.add.f32 @!p0 [tilespmem:s18], [sflag:$0xD], $0x80, s1, s0, $0xb8;
	[tilespmem:$0x1C400] =	vst v63  }
0x27: {  	s0 =	simm.s32 @!p0 $0xD  }
0x28: {  	_ =	swait.ge @!p0 [sflag:s0], $0x2000  }
0x29: {  	s20 =	sadd.s32 $0x4, s24;
	[sflag:s0] =	ssyncset.done @!p0 $0x0  }
0x2a: {  	p4 =	sge.u32 s24, s6;
	[sflag:s0] =	ssyncadd.s32 @!p0 $0xFFFFE000;
	p0 =	sge.u32 s20, s6  }
0x2b: {  	s0 =	sadd.s32 @!p0 $0xFFFFFF20, s23;
	s1 =	simm.s32 @!p0 $0x0;
	s25 =	simm.s32 @!p0 $0x14000  }
0x2c: {  	[tilespmem:s25], [sflag:$0x9] =	stream.linear.gather @!p0 [hbm4b:s0+s1], $0x100, $0x38;
	[tilespmem:$0x1C400] =	vst v63  }
0x2d: {  	s0 =	simm.s32 @!p4 $0x5  }
0x2e: {  	_ =	swait.ge @!p4 [sflag:s0], $0x100  }
0x2f: {  	s30 =	simm.s32 @!p4 $0x40;
	[sflag:s0] =	ssyncset.done @!p4 $0x0  }
0x30: {  	s1 =	simm.s32 @!p4 $0x14400;
	[sflag:s0] =	ssyncadd.s32 @!p4 $0xFFFFFF00;
	s0 =	simm.s32 @!p4 $0x13C00  }
0x31: {  	[tilespmem:s1], [sflag:$0x1] =	stream.indirect.gather @!p4 [hbm4b:s2+s30], $0x80, s0, s30, $0xb8;
	[tilespmem:$0x1C400] =	vst v63  }
0x32: {  	p3 =	seq.s32 s24, $0x0;
	s0 =	sadd.s32 $0x1, s24  }
0x33: {  	p1 =	sge.u32 @!p3 s0, s12  }
0x34: {  	p1 =	por p1, p3  }
0x35: {  	s18 =	simm.s32 @!p1 $0x2  }
0x36: {  	_ =	swait.ge @!p1 [sflag:s18], $0x2000  }
0x37: {  	s26 =	simm.s32 @!p1 $0x14180;
	[sflag:s18] =	ssyncset.done @!p1 $0x0  }
0x38: {  	s28 =	simm.s32 @!p1 $0x16400;
	[sflag:s18] =	ssyncadd.s32 @!p1 $0xFFFFE000;
	s18 =	simm.s32 @!p1 $0x40  }
0x39: {  	[spmem:s3] =	stream.indirect.scatter.add.f32 @!p1 [tilespmem:s28], [sflag:$0xD], $0x80, s26, s18, $0xb8;
	[tilespmem:$0x1C400] =	vst v63  }
0x3a: {  	s18 =	simm.s32 @!p1 $0xD  }
0x3b: {  	_ =	swait.ge @!p1 [sflag:s18], $0x2000  }
0x3c: {  	s31 =	sadd.s32 $0x5, s24;
	p2 =	sge.u32 s0, s6;
	[sflag:s18] =	ssyncset.done @!p1 $0x0  }
0x3d: {  	s0 =	simm.s32 @!p2 $0x6;
	[sflag:s18] =	ssyncadd.s32 @!p1 $0xFFFFE000;
	p1 =	sge.u32 s31, s6  }
0x3e: {  	s18 =	sadd.s32 @!p1 $0xFFFFFF40, s23;
	s28 =	simm.s32 @!p1 $0x0;
	s26 =	simm.s32 @!p1 $0x14100  }
0x3f: {  	[tilespmem:s26], [sflag:$0xA] =	stream.linear.gather @!p1 [hbm4b:s18+s28], $0x100, $0x38;
	[tilespmem:$0x1C400] =	vst v63  }
0x40: {  	_ =	swait.ge @!p2 [sflag:s0], $0x100  }
0x41: {  	s18 =	simm.s32 @!p2 $0x13D00;
	[sflag:s0] =	ssyncset.done @!p2 $0x0  }
0x42: {  	s28 =	simm.s32 @!p2 $0x16400;
	[sflag:s0] =	ssyncadd.s32 @!p2 $0xFFFFFF00;
	s0 =	simm.s32 @!p2 $0x40  }
0x43: {  	[tilespmem:s28], [sflag:$0x2] =	stream.indirect.gather @!p2 [hbm4b:s2+s0], $0x80, s18, s0, $0xb8;
	[tilespmem:$0x1C400] =	vst v63  }
0x44: {  	s18 =	sadd.s32 $0x2, s24  }
0x45: {  	p2 =	sge.u32 @!p3 s18, s12  }
0x46: {  	p2 =	por p2, p3  }
0x47: {  	s0 =	simm.s32 @!p2 $0x3  }
0x48: {  	_ =	swait.ge @!p2 [sflag:s0], $0x2000  }
0x49: {  	s28 =	simm.s32 @!p2 $0x14280;
	[sflag:s0] =	ssyncset.done @!p2 $0x0  }
0x4a: {  	s29 =	simm.s32 @!p2 $0x18400;
	[sflag:s0] =	ssyncadd.s32 @!p2 $0xFFFFE000;
	s0 =	simm.s32 @!p2 $0x40  }
0x4b: {  	[spmem:s3] =	stream.indirect.scatter.add.f32 @!p2 [tilespmem:s29], [sflag:$0xD], $0x80, s28, s0, $0xb8;
	[tilespmem:$0x1C400] =	vst v63  }
0x4c: {  	s28 =	simm.s32 @!p2 $0xD  }
0x4d: {  	_ =	swait.ge @!p2 [sflag:s28], $0x2000  }
0x4e: {  	p5 =	sge.u32 s18, s6;
	s0 =	sadd.s32 $0x6, s24;
	[sflag:s28] =	ssyncset.done @!p2 $0x0  }
0x4f: {  	s18 =	simm.s32 @!p5 $0x7;
	[sflag:s28] =	ssyncadd.s32 @!p2 $0xFFFFE000;
	p2 =	sge.u32 s0, s6  }
0x50: {  	s29 =	sadd.s32 @!p2 $0xFFFFFF60, s23;
	s19 =	simm.s32 @!p2 $0x0;
	s28 =	simm.s32 @!p2 $0x14200  }
0x51: {  	[tilespmem:s28], [sflag:$0xB] =	stream.linear.gather @!p2 [hbm4b:s29+s19], $0x100, $0x38;
	[tilespmem:$0x1C400] =	vst v63  }
0x52: {  	_ =	swait.ge @!p5 [sflag:s18], $0x100  }
0x53: {  	s19 =	simm.s32 @!p5 $0x13E00;
	[sflag:s18] =	ssyncset.done @!p5 $0x0  }
0x54: {  	s29 =	simm.s32 @!p5 $0x18400;
	[sflag:s18] =	ssyncadd.s32 @!p5 $0xFFFFFF00;
	s18 =	simm.s32 @!p5 $0x40  }
0x55: {  	[tilespmem:s29], [sflag:$0x3] =	stream.indirect.gather @!p5 [hbm4b:s2+s18], $0x80, s19, s18, $0xb8;
	[tilespmem:$0x1C400] =	vst v63  }
0x56: {  	s19 =	sadd.s32 $0x3, s24  }
0x57: {  	p5 =	sge.u32 @!p3 s19, s12  }
0x58: {  	p3 =	por p5, p3  }
0x59: {  	s18 =	simm.s32 @!p3 $0x4  }
0x5a: {  	_ =	swait.ge @!p3 [sflag:s18], $0x2000  }
0x5b: {  	s29 =	simm.s32 @!p3 $0x14380;
	[sflag:s18] =	ssyncset.done @!p3 $0x0  }
0x5c: {  	s20 =	simm.s32 @!p3 $0x1A400;
	[sflag:s18] =	ssyncadd.s32 @!p3 $0xFFFFE000;
	s18 =	simm.s32 @!p3 $0x40  }
0x5d: {  	[spmem:s3] =	stream.indirect.scatter.add.f32 @!p3 [tilespmem:s20], [sflag:$0xD], $0x80, s29, s18, $0xb8;
	[tilespmem:$0x1C400] =	vst v63  }
0x5e: {  	s20 =	simm.s32 @!p3 $0xD  }
0x5f: {  	_ =	swait.ge @!p3 [sflag:s20], $0x2000  }
0x60: {  	p5 =	sge.u32 s19, s6;
	s18 =	sadd.s32 $0x7, s24;
	[sflag:s20] =	ssyncset.done @!p3 $0x0  }
0x61: {  	s19 =	simm.s32 @!p5 $0x8;
	[sflag:s20] =	ssyncadd.s32 @!p3 $0xFFFFE000;
	p3 =	sge.u32 s18, s6  }
0x62: {  	s20 =	sadd.s32 @!p3 $0xFFFFFF80, s23;
	s21 =	simm.s32 @!p3 $0x0;
	s29 =	simm.s32 @!p3 $0x14300  }
0x63: {  	[tilespmem:s29], [sflag:$0xC] =	stream.linear.gather @!p3 [hbm4b:s20+s21], $0x100, $0x38;
	[tilespmem:$0x1C400] =	vst v63  }
0x64: {  	_ =	swait.ge @!p5 [sflag:s19], $0x100  }
0x65: {  	s20 =	simm.s32 @!p5 $0x13F00;
	[sflag:s19] =	ssyncset.done @!p5 $0x0  }
0x66: {  	s21 =	simm.s32 @!p5 $0x1A400;
	[sflag:s19] =	ssyncadd.s32 @!p5 $0xFFFFFF00;
	s19 =	simm.s32 @!p5 $0x40  }
0x67: {  	[tilespmem:s21], [sflag:$0x4] =	stream.indirect.gather @!p5 [hbm4b:s2+s19], $0x80, s20, s19, $0xb8;
	[tilespmem:$0x1C400] =	vst v63  }
0x68: {  	s19 =	simm.s32 @!p4 $0x1  }
0x69: {  	_ =	swait.ge @!p4 [sflag:s19], $0x2000  }
0x6a: {  	[sflag:s19] =	ssyncset.done @!p4 $0x0  }
0x6b: {  	[sflag:s19] =	ssyncadd.s32 @!p4 $0xFFFFE000;
	s19 =	simm.s32 @!p4 $0x13C80  }
0x6c: {  	[spmem:s3] =	stream.indirect.scatter.add.f32 @!p4 [tilespmem:s1], [sflag:$0xD], $0x80, s19, s30, $0xb8;
	[tilespmem:$0x1C400] =	vst v63  }
0x6d: {  	s1 =	simm.s32 @!p4 $0xD  }
0x6e: {  	_ =	swait.ge @!p4 [sflag:s1], $0x2000  }
0x6f: {  	s21 =	rddreg [dreg:$0x4];
	[sflag:s1] =	ssyncset.done @!p4 $0x0  }
0x70: {  	[sflag:s1] =	ssyncadd.s32 @!p4 $0xFFFFE000;
	p4 =	sge.u32 s24, s21  }
0x71: {  	s1 =	sadd.s32 @!p4 $0xFFFFFFA0, s23;
	s19 =	simm.s32 @!p4 $0x0;
	s20 =	simm.s32 @!p4 $0x13C00  }
0x72: {  	[tilespmem:s20], [sflag:$0x5] =	stream.linear.gather @!p4 [hbm4b:s1+s19], $0x100, $0x38;
	[tilespmem:$0x1C400] =	vst v63  }
0x73: {  	s1 =	simm.s32 @!p0 $0x9  }
0x74: {  	_ =	swait.ge @!p0 [sflag:s1], $0x100  }
0x75: {  	[sflag:s1] =	ssyncset.done @!p0 $0x0  }
0x76: {  	s19 =	simm.s32 @!p0 $0x14400;
	[sflag:s1] =	ssyncadd.s32 @!p0 $0xFFFFFF00;
	s1 =	simm.s32 @!p0 $0x40  }
0x77: {  	[tilespmem:s19], [sflag:$0x1] =	stream.indirect.gather @!p0 [hbm4b:s2+s1], $0x80, s25, s1, $0xb8;
	[tilespmem:$0x1C400] =	vst v63  }
0x78: {  	p0 =	sge.u32 s31, s12  }
0x79: {  	s1 =	simm.s32 @!p0 $0x2  }
0x7a: {  	_ =	swait.ge @!p0 [sflag:s1], $0x2000  }
0x7b: {  	s19 =	simm.s32 @!p0 $0x13D80;
	[sflag:s1] =	ssyncset.done @!p0 $0x0  }
0x7c: {  	s20 =	simm.s32 @!p0 $0x16400;
	[sflag:s1] =	ssyncadd.s32 @!p0 $0xFFFFE000;
	s1 =	simm.s32 @!p0 $0x40  }
0x7d: {  	[spmem:s3] =	stream.indirect.scatter.add.f32 @!p0 [tilespmem:s20], [sflag:$0xD], $0x80, s19, s1, $0xb8;
	[tilespmem:$0x1C400] =	vst v63  }
0x7e: {  	s1 =	simm.s32 @!p0 $0xD  }
0x7f: {  	_ =	swait.ge @!p0 [sflag:s1], $0x2000  }
0x80: {  	s25 =	rddreg [dreg:$0x5];
	[sflag:s1] =	ssyncset.done @!p0 $0x0  }
0x81: {  	[sflag:s1] =	ssyncadd.s32 @!p0 $0xFFFFE000;
	p0 =	sge.u32 s24, s25  }
0x82: {  	s1 =	sadd.s32 @!p0 $0xFFFFFFC0, s23;
	s19 =	simm.s32 @!p0 $0x0;
	s20 =	simm.s32 @!p0 $0x13D00  }
0x83: {  	[tilespmem:s20], [sflag:$0x6] =	stream.linear.gather @!p0 [hbm4b:s1+s19], $0x100, $0x38;
	[tilespmem:$0x1C400] =	vst v63  }
0x84: {  	s1 =	simm.s32 @!p1 $0xA  }
0x85: {  	_ =	swait.ge @!p1 [sflag:s1], $0x100  }
0x86: {  	s19 =	simm.s32 @!p1 $0x16400;
	p0 =	sge.u32 s0, s12;
	[sflag:s1] =	ssyncset.done @!p1 $0x0  }
0x87: {  	s0 =	simm.s32 @!p0 $0x3;
	[sflag:s1] =	ssyncadd.s32 @!p1 $0xFFFFFF00;
	s1 =	simm.s32 @!p1 $0x40  }
0x88: {  	[tilespmem:s19], [sflag:$0x2] =	stream.indirect.gather @!p1 [hbm4b:s2+s1], $0x80, s26, s1, $0xb8;
	[tilespmem:$0x1C400] =	vst v63  }
0x89: {  	_ =	swait.ge @!p0 [sflag:s0], $0x2000  }
0x8a: {  	s1 =	simm.s32 @!p0 $0x13E80;
	[sflag:s0] =	ssyncset.done @!p0 $0x0  }
0x8b: {  	s19 =	simm.s32 @!p0 $0x18400;
	[sflag:s0] =	ssyncadd.s32 @!p0 $0xFFFFE000;
	s0 =	simm.s32 @!p0 $0x40  }
0x8c: {  	[spmem:s3] =	stream.indirect.scatter.add.f32 @!p0 [tilespmem:s19], [sflag:$0xD], $0x80, s1, s0, $0xb8;
	[tilespmem:$0x1C400] =	vst v63  }
0x8d: {  	s0 =	simm.s32 @!p0 $0xD  }
0x8e: {  	_ =	swait.ge @!p0 [sflag:s0], $0x2000  }
0x8f: {  	s26 =	rddreg [dreg:$0x6];
	[sflag:s0] =	ssyncset.done @!p0 $0x0  }
0x90: {  	[sflag:s0] =	ssyncadd.s32 @!p0 $0xFFFFE000;
	p0 =	sge.u32 s24, s26  }
0x91: {  	s0 =	sadd.s32 @!p0 $0xFFFFFFE0, s23;
	s1 =	simm.s32 @!p0 $0x0;
	s19 =	simm.s32 @!p0 $0x13E00  }
0x92: {  	[tilespmem:s19], [sflag:$0x7] =	stream.linear.gather @!p0 [hbm4b:s0+s1], $0x100, $0x38;
	[tilespmem:$0x1C400] =	vst v63  }
0x93: {  	s0 =	simm.s32 @!p2 $0xB  }
0x94: {  	_ =	swait.ge @!p2 [sflag:s0], $0x100  }
0x95: {  	s1 =	simm.s32 @!p2 $0x18400;
	[sflag:s0] =	ssyncset.done @!p2 $0x0  }
0x96: {  	p0 =	sge.u32 s18, s12;
	[sflag:s0] =	ssyncadd.s32 @!p2 $0xFFFFFF00;
	s0 =	simm.s32 @!p2 $0x40  }
0x97: {  	[tilespmem:s1], [sflag:$0x3] =	stream.indirect.gather @!p2 [hbm4b:s2+s0], $0x80, s28, s0, $0xb8;
	[tilespmem:$0x1C400] =	vst v63  }
0x98: {  	s0 =	simm.s32 @!p0 $0x4  }
0x99: {  	_ =	swait.ge @!p0 [sflag:s0], $0x2000  }
0x9a: {  	s18 =	simm.s32 @!p0 $0x1A400;
	[sflag:s0] =	ssyncset.done @!p0 $0x0  }
0x9b: {  	s1 =	simm.s32 @!p0 $0x13F80;
	[sflag:s0] =	ssyncadd.s32 @!p0 $0xFFFFE000;
	s0 =	simm.s32 @!p0 $0x40  }
0x9c: {  	[spmem:s3] =	stream.indirect.scatter.add.f32 @!p0 [tilespmem:s18], [sflag:$0xD], $0x80, s1, s0, $0xb8;
	[tilespmem:$0x1C400] =	vst v63  }
0x9d: {  	s0 =	simm.s32 @!p0 $0xD  }
0x9e: {  	_ =	swait.ge @!p0 [sflag:s0], $0x2000  }
0x9f: {  	s30 =	rddreg [dreg:$0x7]  }
0xa0: {  	[sflag:s0] =	ssyncset.done @!p0 $0x0;
	p1 =	sge.u32 s24, s30  }
0xa1: {  	[sflag:s0] =	ssyncadd.s32 @!p0 $0xFFFFE000;
	s0 =	simm.s32 @!p1 $0x0;
	s1 =	simm.s32 @!p1 $0x13F00  }
0xa2: {  	[tilespmem:s1], [sflag:$0x8] =	stream.linear.gather @!p1 [hbm4b:s23+s0], $0x100, $0x38;
	[tilespmem:$0x1C400] =	vst v63  }
0xa3: {  	s0 =	simm.s32 @!p3 $0xC  }
0xa4: {  	_ =	swait.ge @!p3 [sflag:s0], $0x100  }
0xa5: {  	s24 =	sadd.s32 $0x8, s24;
	s31 =	rddreg [dreg:$0x8]  }
0xa6: {  	p0 =	sne.s32 s31, s24  }
.Ltmp0:
0xa7: {  	_ = 	snop;
	(pc) =	sbr.rel @p0 .LBB2_2-.Ltmp0, $4  }
0xa8: {  	_ = 	snop  }
0xa9: {  	s1 =	simm.s32 @!p3 $0x1A400;
	[sflag:s0] =	ssyncset.done @!p3 $0x0  }
0xaa: {  	s23 =	sadd.s32 $0x100, s23;
	[sflag:s0] =	ssyncadd.s32 @!p3 $0xFFFFFF00;
	s0 =	simm.s32 @!p3 $0x40  }
0xab: {  	[tilespmem:s1], [sflag:$0x4] =	stream.indirect.gather @!p3 [hbm4b:s2+s0], $0x80, s29, s0, $0xb8;
	[tilespmem:$0x1C400] =	vst v63  }
0xac: {  	s22 =	sadd.s32 $0x1, s22  }
0xad: {  	p0 =	sne.s32 s22, s14  }
.Ltmp1:
0xae: {  	[bflag:$0x0] =	sbarrier.arrive $0xFFFF;
	(pc) =	sbr.rel @p0 .LBB2_1-.Ltmp1, $4  }
0xaf: {  	[hbm:s13], [sflag:s7] =	dma.local [spmem:s16], $0x2780  }
0xb0: {  	_ =	swait.ge [sflag:s17], $0x2780  }
0xb1: {  	[sflag:s17] =	ssyncset.done $0x0  }
0xb2: {  	[sflag:s17] =	ssyncadd.s32 $0xFFFFD880  }
0xb3: {  	_ =	sfence.sel $0x180000  }
0xb4: {  	[bflag:$0x0] =	sbarrier.arrive $0xFFFF  }
0xb5: {  	_ =	strace $0x90000047  }
0xb6: {  	s0 =	stileid.u32;
	[bflag:$0x2] =	sbarrier.arrive $0xFFFF  }
0xb7: {  	p0 =	sne.s32 s0, $0x0;
	s0 =	rddreg [dreg:$0x3]  }
0xb8: {  	s0 =	sadd.s32 @!p0 $0x100000, s0  }
0xb9: {  	[sflag:s0] =	ssyncadd.tile.s32 @!p0 $0x1;
	_ =	shalt  }
.Lfunc_end2:
_tile_overlayer_lowered:
.L_overlay_start_2:
0xba: {  	(tag) =	ssettag $0x2  }
0xbb: {  	s0 =	rddreg [dreg:$0x0];
	s2 =	stileid.u32  }
0xbc: {  	s1 =	rddreg [dreg:$0x1];
	p0 =	sne.s32 s2, $0x0  }
0xbd: {  	s3 =	rddreg [dreg:$0x2];
	[bflag:$0x3] =	sbarrier.arrive $0xFFFF;
	s2 =	simm.s32 @!p0 $0x1C0D  }
0xbe: {  	[timem:s3], [sflag:s2] =	dma.local @!p0 [hbm:s0], s1  }
0xbf: {  	s0 =	simm.s32 @!p0 $0xD  }
0xc0: {  	_ =	swait.ge @!p0 [sflag:s0], s1  }
0xc1: {  	s1 =	ssub.s32 @!p0 $0x0, s1;
	[sflag:s0] =	ssyncset.done @!p0 $0x0  }
0xc2: {  	[sflag:s0] =	ssyncadd.s32 @!p0 s1  }
0xc3: {  	[bflag:$0x3] =	sbarrier.arrive $0xFFFF  }
0xc4: {  	_ =	shalt  }

</sc_bundles>
